<compile_context>
chip_gen: v7x
topology: tpu7x:2x2x1
jax: 0.10.2.dev20260603
libtpu: 0.0.44.dev20260713+nightly
codegen_flags: <defaults>
</compile_context>

<pallas_src>
import functools

import jax
import jax.numpy as jnp
from jax import lax
from jax.experimental import pallas as pl
from jax.experimental.pallas import tpu as pltpu
from jax.experimental.pallas import tpu_sc as plsc

KNN = 20
NPTS = 4096
NBATCH = 2
DF = 256
CH = 32
M = NBATCH * NPTS

ROWS = 512

SC_NC = 2
SC_NS = 16
SC_NW = SC_NC * SC_NS
PW = NPTS // SC_NW
PC = 32
NCHUNK = PW // PC
IDX_PER_CHUNK = PC * KNN
GATHERS_PER_CHUNK = IDX_PER_CHUNK // 128
IDX_ROWS = PW * KNN // 128
GROW = 128


def _knn_proj_kernel(xyz_nd_ref, xyz_dn_ref, x_ref, w1a_ref, w1b_ref,
                     idx_ref, y_ref, w_ref):
    x = x_ref[...]
    y = jnp.dot(x, w1a_ref[...], preferred_element_type=jnp.float32)
    z = jnp.dot(x, w1b_ref[...], preferred_element_type=jnp.float32)
    y_ref[...] = jnp.concatenate(
        [y, jnp.zeros((ROWS, GROW - CH), jnp.float32)], axis=1)
    w_ref[...] = y - z
    rows = xyz_nd_ref[...]
    alln = xyz_dn_ref[...]
    sqrow = jnp.sum(rows * rows, axis=1, keepdims=True)
    sqall = jnp.sum(alln * alln, axis=0, keepdims=True)
    cross = jnp.dot(rows, alln, preferred_element_type=jnp.float32)
    d = -2.0 * cross + sqrow + sqall
    cols = lax.broadcasted_iota(jnp.int32, (ROWS, NPTS), 1).astype(jnp.float32)
    big = jnp.float32(1e9)
    for k in range(KNN):
        m = jnp.min(d, axis=1, keepdims=True)
        am = jnp.min(jnp.where(d == m, cols, big), axis=1, keepdims=True)
        idx_ref[:, k:k + 1] = am.astype(jnp.int32)
        d = jnp.where(cols == am, jnp.float32(jnp.inf), d)


def _knn_proj(xyz_nd, xyz_dn, x, w1a_t, w1b_t):
    nb = NPTS // ROWS
    return pl.pallas_call(
        _knn_proj_kernel,
        grid=(nb,),
        in_specs=[
            pl.BlockSpec((ROWS, 3), lambda i: (i, 0)),
            pl.BlockSpec((3, NPTS), lambda i: (0, 0)),
            pl.BlockSpec((ROWS, DF), lambda i: (i, 0)),
            pl.BlockSpec((DF, CH), lambda i: (0, 0)),
            pl.BlockSpec((DF, CH), lambda i: (0, 0)),
        ],
        out_specs=[
            pl.BlockSpec((ROWS, KNN), lambda i: (i, 0)),
            pl.BlockSpec((ROWS, GROW), lambda i: (i, 0)),
            pl.BlockSpec((ROWS, CH), lambda i: (i, 0)),
        ],
        out_shape=[
            jax.ShapeDtypeStruct((NPTS, KNN), jnp.int32),
            jax.ShapeDtypeStruct((NPTS, GROW), jnp.float32),
            jax.ShapeDtypeStruct((NPTS, CH), jnp.float32),
        ],
    )(xyz_nd, xyz_dn, x, w1a_t, w1b_t)


def _gather_reduce_body(y_hbm, idx_hbm, sum_hbm, sq_hbm, mx_hbm,
                        idx_v, rows_v, sum_v, sq_v, mx_v, sem):
    cid = lax.axis_index("c")
    sid = lax.axis_index("s")
    wid = sid * SC_NC + cid
    pltpu.sync_copy(idx_hbm.at[wid], idx_v)

    def chunk_body(c, carry):
        base_pt = wid * PW + c * PC
        cps = []
        for j in range(GATHERS_PER_CHUNK):
            cps.append(pltpu.async_copy(
                y_hbm.at[idx_v.at[c * GATHERS_PER_CHUNK + j]],
                rows_v.at[pl.ds(j * 128, 128)], sem))
        for cp in cps:
            cp.wait()

        def point_body(p, carry2):
            base = p * KNN
            for h in range(2):
                lanes = pl.ds(h * 16, 16)
                v = rows_v[base, lanes]
                s = v
                q = v * v
                mx = v
                for k in range(1, KNN):
                    v = rows_v[base + k, lanes]
                    s = s + v
                    q = q + v * v
                    mx = jnp.maximum(mx, v)
                sum_v[p, lanes] = s
                sq_v[p, lanes] = q
                mx_v[p, lanes] = mx
            return carry2

        lax.fori_loop(0, PC, point_body, 0)
        pltpu.sync_copy(sum_v, sum_hbm.at[pl.ds(base_pt, PC)])
        pltpu.sync_copy(sq_v, sq_hbm.at[pl.ds(base_pt, PC)])
        pltpu.sync_copy(mx_v, mx_hbm.at[pl.ds(base_pt, PC)])
        return carry

    lax.fori_loop(0, NCHUNK, chunk_body, 0)


@functools.cache
def _gather_reduce():
    return pl.kernel(
        _gather_reduce_body,
        mesh=plsc.VectorSubcoreMesh(core_axis_name="c", subcore_axis_name="s",
                                    num_cores=SC_NC),
        out_type=[
            jax.ShapeDtypeStruct((NPTS, CH), jnp.float32),
            jax.ShapeDtypeStruct((NPTS, CH), jnp.float32),
            jax.ShapeDtypeStruct((NPTS, CH), jnp.float32),
        ],
        scratch_types=[
            pltpu.VMEM((IDX_ROWS, 128), jnp.int32),
            pltpu.VMEM((IDX_PER_CHUNK, GROW), jnp.float32),
            pltpu.VMEM((PC, CH), jnp.float32),
            pltpu.VMEM((PC, CH), jnp.float32),
            pltpu.VMEM((PC, CH), jnp.float32),
            pltpu.SemaphoreType.DMA,
        ],
    )


def _final_kernel(w0_ref, w1_ref, sg0_ref, sg1_ref, sq0_ref, sq1_ref,
                  mx0_ref, mx1_ref, w2t_ref,
                  g1_ref, b1_ref, g2_ref, b2_ref, out_ref):
    w = jnp.concatenate([w0_ref[...], w1_ref[...]], axis=0)
    sg = jnp.concatenate([sg0_ref[...], sg1_ref[...]], axis=0)
    sq = jnp.concatenate([sq0_ref[...], sq1_ref[...]], axis=0)
    mx = jnp.concatenate([mx0_ref[...], mx1_ref[...]], axis=0)
    kf = jnp.float32(KNN)
    cnt1 = jnp.float32(M * KNN)
    s1 = jnp.sum(sg - kf * w, axis=0, keepdims=True)
    mean1 = s1 / cnt1
    s2 = jnp.sum(sq - 2.0 * w * sg + kf * (w * w), axis=0, keepdims=True)
    var1 = s2 / cnt1 - mean1 * mean1
    inv1 = g1_ref[...] / jnp.sqrt(var1 + 1e-5)
    hmax = mx - w
    a = (hmax - mean1) * inv1 + b1_ref[...]
    a = jnp.where(a >= 0, a, 0.2 * a)
    o = jnp.dot(a, w2t_ref[...], preferred_element_type=jnp.float32)
    cnt2 = jnp.float32(M)
    mean2 = jnp.sum(o, axis=0, keepdims=True) / cnt2
    var2 = jnp.sum(o * o, axis=0, keepdims=True) / cnt2 - mean2 * mean2
    t = (o - mean2) * (g2_ref[...] / jnp.sqrt(var2 + 1e-5)) + b2_ref[...]
    out_ref[...] = jnp.where(t >= 0, t, 0.2 * t)


def _final(args):
    return pl.pallas_call(
        _final_kernel,
        out_shape=jax.ShapeDtypeStruct((M, DF), jnp.float32),
    )(*args)


def kernel(x_features, xyz_coords, W1, gamma1, beta1, W2, gamma2, beta2):
    xyz_dn = jnp.transpose(xyz_coords, (0, 2, 1))
    w1a_t = jnp.transpose(W1[:, :DF])
    w1b_t = jnp.transpose(W1[:, DF:])
    ws, sgs, sqs, mxs = [], [], [], []
    for b in range(NBATCH):
        idx, y, w = _knn_proj(xyz_coords[b], xyz_dn[b], x_features[b],
                              w1a_t, w1b_t)
        idx3d = idx.reshape(SC_NW, IDX_ROWS, 128)
        sg, sq, mx = _gather_reduce()(y, idx3d)
        ws.append(w)
        sgs.append(sg)
        sqs.append(sq)
        mxs.append(mx)
    out = _final(ws + sgs + sqs + mxs
                 + [jnp.transpose(W2),
                    gamma1.reshape(1, CH), beta1.reshape(1, CH),
                    gamma2.reshape(1, DF), beta2.reshape(1, DF)])
    return out.reshape(NBATCH, NPTS, DF)

# --- scband reference (transcript-rebuilt; emitter-appended) ---
"""Pipeline reference for scband-lal-43482248904966 (READ-ONLY COPY).

The authoritative reference and input builder live on the scoring server;
editing this copy changes nothing except your own understanding.
"""

import jax, jax.numpy as jnp
import numpy as np

K = 20

def setup_inputs(seed: int = 0) -> dict:
    key = jax.random.key(seed)
    k1, k2, k3, k4 = jax.random.split(key, 4)
    x_features = jax.random.normal(k1, (2, 4096, 256), dtype=jnp.float32)
    xyz_coords = jax.random.normal(k2, (2, 4096, 3), dtype=jnp.float32)
    W1 = jax.random.normal(k3, (32, 512), dtype=jnp.float32) * (1.0 / np.sqrt(512.0))
    W2 = jax.random.normal(k4, (256, 32), dtype=jnp.float32) * (1.0 / np.sqrt(32.0))
    gamma1 = jnp.ones((32,), dtype=jnp.float32)
    beta1 = jnp.zeros((32,), dtype=jnp.float32)
    gamma2 = jnp.ones((256,), dtype=jnp.float32)
    beta2 = jnp.zeros((256,), dtype=jnp.float32)
    return {"x_features": x_features, "xyz_coords": xyz_coords, "W1": W1, "gamma1": gamma1, "beta1": beta1, "W2": W2, "gamma2": gamma2, "beta2": beta2}

def _leaky(x):
    return jnp.where(x >= 0, x, 0.2 * x)

def reference(x_features, xyz_coords, W1, gamma1, beta1, W2, gamma2, beta2):
    B, N, D = x_features.shape
    # knn_point: pairwise squared distances + topk smallest
    sq = jnp.sum(xyz_coords ** 2, axis=-1)
    dist = -2.0 * jnp.einsum('bnd,bmd->bnm', xyz_coords, xyz_coords)
    dist = dist + sq[:, :, None] + sq[:, None, :]
    _, idx = jax.lax.top_k(-dist, K)  # [B, N, K] nearest neighbors
    bidx = jnp.arange(B)[:, None, None]
    neighbor_features = x_features[bidx, idx]  # [B, N, K, D] gather
    query = jnp.broadcast_to(x_features[:, :, None, :], (B, N, K, D))
    fused = jnp.concatenate([neighbor_features - query, query], axis=3)  # [B, N, K, 2D]
    fused = jnp.transpose(fused, (0, 3, 1, 2))  # [B, 2D, N, K]
    # conv1 (1x1 Conv2d, no bias) + BatchNorm2d (training-mode batch stats) + LeakyReLU
    h = jnp.einsum('oc,bcnk->bonk', W1, fused)
    mean1 = jnp.mean(h, axis=(0, 2, 3), keepdims=True)
    var1 = jnp.var(h, axis=(0, 2, 3), keepdims=True)
    h = (h - mean1) / jnp.sqrt(var1 + 1e-5)
    h = h * gamma1[None, :, None, None] + beta1[None, :, None, None]
    h = _leaky(h)
    h = jnp.max(h, axis=-1)  # max over neighbors -> [B, C_hid, N]
    # conv2 (1x1 Conv1d, no bias) + BatchNorm1d + LeakyReLU
    o = jnp.einsum('oc,bcn->bon', W2, h)
    mean2 = jnp.mean(o, axis=(0, 2), keepdims=True)
    var2 = jnp.var(o, axis=(0, 2), keepdims=True)
    o = (o - mean2) / jnp.sqrt(var2 + 1e-5)
    o = o * gamma2[None, :, None] + beta2[None, :, None]
    o = _leaky(o)
    return jnp.transpose(o, (0, 2, 1))  # [B, N, dim]

if __name__ == "__main__":
    import jax
    _d = setup_inputs()
    print(jax.jit(kernel)(*tuple(_d.values())))

</pallas_src>

<mosaic_0001>
#map = affine_map<(d0, d1) -> (0, 0)>
#map1 = affine_map<(d0, d1) -> (0, 0, 0)>
module attributes {stable_mosaic.version = 14 : i64} {
  func.func @_gather_reduce_body(%arg0: i32, %arg1: i32, %arg2: memref<4096x128xf32, #tpu.memory_space<hbm>>, %arg3: memref<32x20x128xi32, #tpu.memory_space<hbm>>, %arg4: memref<4096x32xf32, #tpu.memory_space<hbm>>, %arg5: memref<4096x32xf32, #tpu.memory_space<hbm>>, %arg6: memref<4096x32xf32, #tpu.memory_space<hbm>>, %arg7: memref<20x128xi32, #tpu.memory_space<vmem>>, %arg8: memref<640x128xf32, #tpu.memory_space<vmem>>, %arg9: memref<32x32xf32, #tpu.memory_space<vmem>>, %arg10: memref<32x32xf32, #tpu.memory_space<vmem>>, %arg11: memref<32x32xf32, #tpu.memory_space<vmem>>, %arg12: memref<!tpu.dma_semaphore, #tpu.memory_space<semaphore_mem>>) attributes {dimension_semantics = [#tpu.dimension_semantics<core_parallel>, #tpu.dimension_semantics<subcore_parallel>], iteration_bounds = array<i64: 2, 16>, scalar_prefetch = 0 : i64, scratch_operands = 6 : i64, tpu.core_type = #tpu.core_type<sc_vector_subcore>, window_params = [{transform_indices = #map}, {transform_indices = #map1}, {transform_indices = #map}, {transform_indices = #map}, {transform_indices = #map}]} {
    %mul3A = arith.constant 2 : i32
    %mul3A_0 = arith.muli %arg1, %mul3A : i32
    %add3A = arith.addi %mul3A_0, %arg0 : i32
    "tpu.region"() ({
      %run_scoped3A = tpu.sem_alloc : memref<!tpu.dma_semaphore, #tpu.memory_space<semaphore_mem>>
      %dma_start3A = arith.constant 0 : i32
      %dma_start3A_6 = arith.constant 0 : i32
      %dma_start3A_7 = tpu.memref_slice %arg3[%add3A, %dma_start3A, %dma_start3A_6] : memref<32x20x128xi32, #tpu.memory_space<hbm>> -> memref<1x20x128xi32, #tpu.memory_space<hbm>>
      %dma_start3A_8 = tpu.memref_squeeze %dma_start3A_7 : memref<1x20x128xi32, #tpu.memory_space<hbm>> -> memref<20x128xi32, #tpu.memory_space<hbm>>
      %dma_start3A_9 = arith.constant 0 : i32
      %dma_start3A_10 = arith.constant 0 : i32
      %dma_start3A_11 = tpu.memref_slice %arg3[%add3A, %dma_start3A_9, %dma_start3A_10] : memref<32x20x128xi32, #tpu.memory_space<hbm>> -> memref<1x20x128xi32, #tpu.memory_space<hbm>>
      %dma_start3A_12 = tpu.memref_squeeze %dma_start3A_11 : memref<1x20x128xi32, #tpu.memory_space<hbm>> -> memref<20x128xi32, #tpu.memory_space<hbm>>
      tpu.enqueue_dma source(%dma_start3A_12 : memref<20x128xi32, #tpu.memory_space<hbm>>) target(%arg7 : memref<20x128xi32, #tpu.memory_space<vmem>>) target_semaphore(%run_scoped3A : memref<!tpu.dma_semaphore, #tpu.memory_space<semaphore_mem>>)
      %dma_wait3A = arith.constant 0 : i32
      %dma_wait3A_13 = arith.constant 0 : i32
      %dma_wait3A_14 = tpu.memref_slice %arg3[%add3A, %dma_wait3A, %dma_wait3A_13] : memref<32x20x128xi32, #tpu.memory_space<hbm>> -> memref<1x20x128xi32, #tpu.memory_space<hbm>>
      %dma_wait3A_15 = tpu.memref_squeeze %dma_wait3A_14 : memref<1x20x128xi32, #tpu.memory_space<hbm>> -> memref<20x128xi32, #tpu.memory_space<hbm>>
      %dma_wait3A_16 = arith.constant 0 : i32
      %dma_wait3A_17 = arith.constant 0 : i32
      %dma_wait3A_18 = tpu.memref_slice %arg3[%add3A, %dma_wait3A_16, %dma_wait3A_17] : memref<32x20x128xi32, #tpu.memory_space<hbm>> -> memref<1x20x128xi32, #tpu.memory_space<hbm>>
      %dma_wait3A_19 = tpu.memref_squeeze %dma_wait3A_18 : memref<1x20x128xi32, #tpu.memory_space<hbm>> -> memref<20x128xi32, #tpu.memory_space<hbm>>
      tpu.wait_dma2 semaphore(%run_scoped3A : memref<!tpu.dma_semaphore, #tpu.memory_space<semaphore_mem>>) src(%dma_wait3A_19 : memref<20x128xi32, #tpu.memory_space<hbm>>) dst(%arg7 : memref<20x128xi32, #tpu.memory_space<vmem>>)
      tpu.yield
    }) : () -> ()
    %scan3A = arith.constant 0 : i32
    %scan3A_1 = arith.constant 0 : i32
    %scan3A_2 = arith.constant 4 : i32
    %scan3A_3 = arith.addi %scan3A_1, %scan3A_2 : i32
    %scan3A_4 = arith.constant 1 : i32
    scf.for %scan3A_6 = %scan3A_1 to %scan3A_3 step %scan3A_4  : i32 {
      %mul3A_7 = arith.constant 128 : i32
      %mul3A_8 = arith.muli %add3A, %mul3A_7 : i32
      %mul3A_9 = arith.constant 32 : i32
      %mul3A_10 = arith.muli %scan3A_6, %mul3A_9 : i32
      %add3A_11 = arith.addi %mul3A_8, %mul3A_10 : i32
      %mul3A_12 = arith.constant 5 : i32
      %mul3A_13 = arith.muli %scan3A_6, %mul3A_12 : i32
      %add3A_14 = arith.constant 0 : i32
      %add3A_15 = arith.addi %mul3A_13, %add3A_14 : i32
      %dma_start3A = arith.constant 0 : i32
      %dma_start3A_16 = arith.constant 0 : i32
      %dma_start3A_17 = tpu.memref_slice %arg8[%dma_start3A, %dma_start3A_16] : memref<640x128xf32, #tpu.memory_space<vmem>> -> memref<128x128xf32, #tpu.memory_space<vmem>>
      %dma_start3A_18 = arith.constant 0 : i32
      %dma_start3A_19 = tpu.memref_slice %arg7[%add3A_15, %dma_start3A_18] : memref<20x128xi32, #tpu.memory_space<vmem>> -> memref<1x128xi32, #tpu.memory_space<vmem>>
      %dma_start3A_20 = tpu.memref_squeeze %dma_start3A_19 : memref<1x128xi32, #tpu.memory_space<vmem>> -> memref<128xi32, #tpu.memory_space<vmem>>
      %dma_start3A_21 = arith.constant 0 : i32
      %dma_start3A_22 = arith.constant 0 : i32
      %dma_start3A_23 = tpu.memref_slice %arg2[%dma_start3A_21, %dma_start3A_22] : memref<4096x128xf32, #tpu.memory_space<hbm>> -> memref<4096x128xf32, #tpu.memory_space<hbm>>
      tpu.enqueue_indirect_dma source(%dma_start3A_23 : memref<4096x128xf32, #tpu.memory_space<hbm>>) target(%dma_start3A_17 : memref<128x128xf32, #tpu.memory_space<vmem>>) offsets(%dma_start3A_20 : memref<128xi32, #tpu.memory_space<vmem>>) semaphore(%arg12 : memref<!tpu.dma_semaphore, #tpu.memory_space<semaphore_mem>>)
      %mul3A_24 = arith.constant 5 : i32
      %mul3A_25 = arith.muli %scan3A_6, %mul3A_24 : i32
      %add3A_26 = arith.constant 1 : i32
      %add3A_27 = arith.addi %mul3A_25, %add3A_26 : i32
      %dma_start3A_28 = arith.constant 128 : i32
      %dma_start3A_29 = arith.constant 0 : i32
      %dma_start3A_30 = tpu.memref_slice %arg8[%dma_start3A_28, %dma_start3A_29] : memref<640x128xf32, #tpu.memory_space<vmem>> -> memref<128x128xf32, #tpu.memory_space<vmem>>
      %dma_start3A_31 = arith.constant 0 : i32
      %dma_start3A_32 = tpu.memref_slice %arg7[%add3A_27, %dma_start3A_31] : memref<20x128xi32, #tpu.memory_space<vmem>> -> memref<1x128xi32, #tpu.memory_space<vmem>>
      %dma_start3A_33 = tpu.memref_squeeze %dma_start3A_32 : memref<1x128xi32, #tpu.memory_space<vmem>> -> memref<128xi32, #tpu.memory_space<vmem>>
      %dma_start3A_34 = arith.constant 0 : i32
      %dma_start3A_35 = arith.constant 0 : i32
      %dma_start3A_36 = tpu.memref_slice %arg2[%dma_start3A_34, %dma_start3A_35] : memref<4096x128xf32, #tpu.memory_space<hbm>> -> memref<4096x128xf32, #tpu.memory_space<hbm>>
      tpu.enqueue_indirect_dma source(%dma_start3A_36 : memref<4096x128xf32, #tpu.memory_space<hbm>>) target(%dma_start3A_30 : memref<128x128xf32, #tpu.memory_space<vmem>>) offsets(%dma_start3A_33 : memref<128xi32, #tpu.memory_space<vmem>>) semaphore(%arg12 : memref<!tpu.dma_semaphore, #tpu.memory_space<semaphore_mem>>)
      %mul3A_37 = arith.constant 5 : i32
      %mul3A_38 = arith.muli %scan3A_6, %mul3A_37 : i32
      %add3A_39 = arith.constant 2 : i32
      %add3A_40 = arith.addi %mul3A_38, %add3A_39 : i32
      %dma_start3A_41 = arith.constant 256 : i32
      %dma_start3A_42 = arith.constant 0 : i32
      %dma_start3A_43 = tpu.memref_slice %arg8[%dma_start3A_41, %dma_start3A_42] : memref<640x128xf32, #tpu.memory_space<vmem>> -> memref<128x128xf32, #tpu.memory_space<vmem>>
      %dma_start3A_44 = arith.constant 0 : i32
      %dma_start3A_45 = tpu.memref_slice %arg7[%add3A_40, %dma_start3A_44] : memref<20x128xi32, #tpu.memory_space<vmem>> -> memref<1x128xi32, #tpu.memory_space<vmem>>
      %dma_start3A_46 = tpu.memref_squeeze %dma_start3A_45 : memref<1x128xi32, #tpu.memory_space<vmem>> -> memref<128xi32, #tpu.memory_space<vmem>>
      %dma_start3A_47 = arith.constant 0 : i32
      %dma_start3A_48 = arith.constant 0 : i32
      %dma_start3A_49 = tpu.memref_slice %arg2[%dma_start3A_47, %dma_start3A_48] : memref<4096x128xf32, #tpu.memory_space<hbm>> -> memref<4096x128xf32, #tpu.memory_space<hbm>>
      tpu.enqueue_indirect_dma source(%dma_start3A_49 : memref<4096x128xf32, #tpu.memory_space<hbm>>) target(%dma_start3A_43 : memref<128x128xf32, #tpu.memory_space<vmem>>) offsets(%dma_start3A_46 : memref<128xi32, #tpu.memory_space<vmem>>) semaphore(%arg12 : memref<!tpu.dma_semaphore, #tpu.memory_space<semaphore_mem>>)
      %mul3A_50 = arith.constant 5 : i32
      %mul3A_51 = arith.muli %scan3A_6, %mul3A_50 : i32
      %add3A_52 = arith.constant 3 : i32
      %add3A_53 = arith.addi %mul3A_51, %add3A_52 : i32
      %dma_start3A_54 = arith.constant 384 : i32
      %dma_start3A_55 = arith.constant 0 : i32
      %dma_start3A_56 = tpu.memref_slice %arg8[%dma_start3A_54, %dma_start3A_55] : memref<640x128xf32, #tpu.memory_space<vmem>> -> memref<128x128xf32, #tpu.memory_space<vmem>>
      %dma_start3A_57 = arith.constant 0 : i32
      %dma_start3A_58 = tpu.memref_slice %arg7[%add3A_53, %dma_start3A_57] : memref<20x128xi32, #tpu.memory_space<vmem>> -> memref<1x128xi32, #tpu.memory_space<vmem>>
      %dma_start3A_59 = tpu.memref_squeeze %dma_start3A_58 : memref<1x128xi32, #tpu.memory_space<vmem>> -> memref<128xi32, #tpu.memory_space<vmem>>
      %dma_start3A_60 = arith.constant 0 : i32
      %dma_start3A_61 = arith.constant 0 : i32
      %dma_start3A_62 = tpu.memref_slice %arg2[%dma_start3A_60, %dma_start3A_61] : memref<4096x128xf32, #tpu.memory_space<hbm>> -> memref<4096x128xf32, #tpu.memory_space<hbm>>
      tpu.enqueue_indirect_dma source(%dma_start3A_62 : memref<4096x128xf32, #tpu.memory_space<hbm>>) target(%dma_start3A_56 : memref<128x128xf32, #tpu.memory_space<vmem>>) offsets(%dma_start3A_59 : memref<128xi32, #tpu.memory_space<vmem>>) semaphore(%arg12 : memref<!tpu.dma_semaphore, #tpu.memory_space<semaphore_mem>>)
      %mul3A_63 = arith.constant 5 : i32
      %mul3A_64 = arith.muli %scan3A_6, %mul3A_63 : i32
      %add3A_65 = arith.constant 4 : i32
      %add3A_66 = arith.addi %mul3A_64, %add3A_65 : i32
      %dma_start3A_67 = arith.constant 512 : i32
      %dma_start3A_68 = arith.constant 0 : i32
      %dma_start3A_69 = tpu.memref_slice %arg8[%dma_start3A_67, %dma_start3A_68] : memref<640x128xf32, #tpu.memory_space<vmem>> -> memref<128x128xf32, #tpu.memory_space<vmem>>
      %dma_start3A_70 = arith.constant 0 : i32
      %dma_start3A_71 = tpu.memref_slice %arg7[%add3A_66, %dma_start3A_70] : memref<20x128xi32, #tpu.memory_space<vmem>> -> memref<1x128xi32, #tpu.memory_space<vmem>>
      %dma_start3A_72 = tpu.memref_squeeze %dma_start3A_71 : memref<1x128xi32, #tpu.memory_space<vmem>> -> memref<128xi32, #tpu.memory_space<vmem>>
      %dma_start3A_73 = arith.constant 0 : i32
      %dma_start3A_74 = arith.constant 0 : i32
      %dma_start3A_75 = tpu.memref_slice %arg2[%dma_start3A_73, %dma_start3A_74] : memref<4096x128xf32, #tpu.memory_space<hbm>> -> memref<4096x128xf32, #tpu.memory_space<hbm>>
      tpu.enqueue_indirect_dma source(%dma_start3A_75 : memref<4096x128xf32, #tpu.memory_space<hbm>>) target(%dma_start3A_69 : memref<128x128xf32, #tpu.memory_space<vmem>>) offsets(%dma_start3A_72 : memref<128xi32, #tpu.memory_space<vmem>>) semaphore(%arg12 : memref<!tpu.dma_semaphore, #tpu.memory_space<semaphore_mem>>)
      %dma_wait3A = arith.constant 0 : i32
      %dma_wait3A_76 = arith.constant 0 : i32
      %dma_wait3A_77 = tpu.memref_slice %arg8[%dma_wait3A, %dma_wait3A_76] : memref<640x128xf32, #tpu.memory_space<vmem>> -> memref<128x128xf32, #tpu.memory_space<vmem>>
      %dma_wait3A_78 = arith.constant 0 : i32
      %dma_wait3A_79 = tpu.memref_slice %arg7[%add3A_15, %dma_wait3A_78] : memref<20x128xi32, #tpu.memory_space<vmem>> -> memref<1x128xi32, #tpu.memory_space<vmem>>
      %dma_wait3A_80 = tpu.memref_squeeze %dma_wait3A_79 : memref<1x128xi32, #tpu.memory_space<vmem>> -> memref<128xi32, #tpu.memory_space<vmem>>
      %dma_wait3A_81 = arith.constant 0 : i32
      %dma_wait3A_82 = arith.constant 0 : i32
      %dma_wait3A_83 = tpu.memref_slice %arg2[%dma_wait3A_81, %dma_wait3A_82] : memref<4096x128xf32, #tpu.memory_space<hbm>> -> memref<4096x128xf32, #tpu.memory_space<hbm>>
      tpu.wait_indirect_dma semaphore(%arg12 : memref<!tpu.dma_semaphore, #tpu.memory_space<semaphore_mem>>) src(%dma_wait3A_83 : memref<4096x128xf32, #tpu.memory_space<hbm>>) dst(%dma_wait3A_77 : memref<128x128xf32, #tpu.memory_space<vmem>>)
      %dma_wait3A_84 = arith.constant 128 : i32
      %dma_wait3A_85 = arith.constant 0 : i32
      %dma_wait3A_86 = tpu.memref_slice %arg8[%dma_wait3A_84, %dma_wait3A_85] : memref<640x128xf32, #tpu.memory_space<vmem>> -> memref<128x128xf32, #tpu.memory_space<vmem>>
      %dma_wait3A_87 = arith.constant 0 : i32
      %dma_wait3A_88 = tpu.memref_slice %arg7[%add3A_27, %dma_wait3A_87] : memref<20x128xi32, #tpu.memory_space<vmem>> -> memref<1x128xi32, #tpu.memory_space<vmem>>
      %dma_wait3A_89 = tpu.memref_squeeze %dma_wait3A_88 : memref<1x128xi32, #tpu.memory_space<vmem>> -> memref<128xi32, #tpu.memory_space<vmem>>
      %dma_wait3A_90 = arith.constant 0 : i32
      %dma_wait3A_91 = arith.constant 0 : i32
      %dma_wait3A_92 = tpu.memref_slice %arg2[%dma_wait3A_90, %dma_wait3A_91] : memref<4096x128xf32, #tpu.memory_space<hbm>> -> memref<4096x128xf32, #tpu.memory_space<hbm>>
      tpu.wait_indirect_dma semaphore(%arg12 : memref<!tpu.dma_semaphore, #tpu.memory_space<semaphore_mem>>) src(%dma_wait3A_92 : memref<4096x128xf32, #tpu.memory_space<hbm>>) dst(%dma_wait3A_86 : memref<128x128xf32, #tpu.memory_space<vmem>>)
      %dma_wait3A_93 = arith.constant 256 : i32
      %dma_wait3A_94 = arith.constant 0 : i32
      %dma_wait3A_95 = tpu.memref_slice %arg8[%dma_wait3A_93, %dma_wait3A_94] : memref<640x128xf32, #tpu.memory_space<vmem>> -> memref<128x128xf32, #tpu.memory_space<vmem>>
      %dma_wait3A_96 = arith.constant 0 : i32
      %dma_wait3A_97 = tpu.memref_slice %arg7[%add3A_40, %dma_wait3A_96] : memref<20x128xi32, #tpu.memory_space<vmem>> -> memref<1x128xi32, #tpu.memory_space<vmem>>
      %dma_wait3A_98 = tpu.memref_squeeze %dma_wait3A_97 : memref<1x128xi32, #tpu.memory_space<vmem>> -> memref<128xi32, #tpu.memory_space<vmem>>
      %dma_wait3A_99 = arith.constant 0 : i32
      %dma_wait3A_100 = arith.constant 0 : i32
      %dma_wait3A_101 = tpu.memref_slice %arg2[%dma_wait3A_99, %dma_wait3A_100] : memref<4096x128xf32, #tpu.memory_space<hbm>> -> memref<4096x128xf32, #tpu.memory_space<hbm>>
      tpu.wait_indirect_dma semaphore(%arg12 : memref<!tpu.dma_semaphore, #tpu.memory_space<semaphore_mem>>) src(%dma_wait3A_101 : memref<4096x128xf32, #tpu.memory_space<hbm>>) dst(%dma_wait3A_95 : memref<128x128xf32, #tpu.memory_space<vmem>>)
      %dma_wait3A_102 = arith.constant 384 : i32
      %dma_wait3A_103 = arith.constant 0 : i32
      %dma_wait3A_104 = tpu.memref_slice %arg8[%dma_wait3A_102, %dma_wait3A_103] : memref<640x128xf32, #tpu.memory_space<vmem>> -> memref<128x128xf32, #tpu.memory_space<vmem>>
      %dma_wait3A_105 = arith.constant 0 : i32
      %dma_wait3A_106 = tpu.memref_slice %arg7[%add3A_53, %dma_wait3A_105] : memref<20x128xi32, #tpu.memory_space<vmem>> -> memref<1x128xi32, #tpu.memory_space<vmem>>
      %dma_wait3A_107 = tpu.memref_squeeze %dma_wait3A_106 : memref<1x128xi32, #tpu.memory_space<vmem>> -> memref<128xi32, #tpu.memory_space<vmem>>
      %dma_wait3A_108 = arith.constant 0 : i32
      %dma_wait3A_109 = arith.constant 0 : i32
      %dma_wait3A_110 = tpu.memref_slice %arg2[%dma_wait3A_108, %dma_wait3A_109] : memref<4096x128xf32, #tpu.memory_space<hbm>> -> memref<4096x128xf32, #tpu.memory_space<hbm>>
      tpu.wait_indirect_dma semaphore(%arg12 : memref<!tpu.dma_semaphore, #tpu.memory_space<semaphore_mem>>) src(%dma_wait3A_110 : memref<4096x128xf32, #tpu.memory_space<hbm>>) dst(%dma_wait3A_104 : memref<128x128xf32, #tpu.memory_space<vmem>>)
      %dma_wait3A_111 = arith.constant 512 : i32
      %dma_wait3A_112 = arith.constant 0 : i32
      %dma_wait3A_113 = tpu.memref_slice %arg8[%dma_wait3A_111, %dma_wait3A_112] : memref<640x128xf32, #tpu.memory_space<vmem>> -> memref<128x128xf32, #tpu.memory_space<vmem>>
      %dma_wait3A_114 = arith.constant 0 : i32
      %dma_wait3A_115 = tpu.memref_slice %arg7[%add3A_66, %dma_wait3A_114] : memref<20x128xi32, #tpu.memory_space<vmem>> -> memref<1x128xi32, #tpu.memory_space<vmem>>
      %dma_wait3A_116 = tpu.memref_squeeze %dma_wait3A_115 : memref<1x128xi32, #tpu.memory_space<vmem>> -> memref<128xi32, #tpu.memory_space<vmem>>
      %dma_wait3A_117 = arith.constant 0 : i32
      %dma_wait3A_118 = arith.constant 0 : i32
      %dma_wait3A_119 = tpu.memref_slice %arg2[%dma_wait3A_117, %dma_wait3A_118] : memref<4096x128xf32, #tpu.memory_space<hbm>> -> memref<4096x128xf32, #tpu.memory_space<hbm>>
      tpu.wait_indirect_dma semaphore(%arg12 : memref<!tpu.dma_semaphore, #tpu.memory_space<semaphore_mem>>) src(%dma_wait3A_119 : memref<4096x128xf32, #tpu.memory_space<hbm>>) dst(%dma_wait3A_113 : memref<128x128xf32, #tpu.memory_space<vmem>>)
      %scan3A_120 = arith.constant 0 : i32
      %scan3A_121 = arith.constant 0 : i32
      %scan3A_122 = arith.constant 32 : i32
      %scan3A_123 = arith.addi %scan3A_121, %scan3A_122 : i32
      %scan3A_124 = arith.constant 1 : i32
      scf.for %scan3A_126 = %scan3A_121 to %scan3A_123 step %scan3A_124  : i32 {
        %mul3A_127 = arith.constant 20 : i32
        %mul3A_128 = arith.muli %scan3A_126, %mul3A_127 : i32
        %get3A = arith.index_cast %mul3A_128 : i32 to index
        %get3A_129 = arith.constant 0 : index
        %get3A_130 = tpu.vector_load %arg8[%get3A, %get3A_129] {strides = array<i32>} : memref<640x128xf32, #tpu.memory_space<vmem>>, vector<1x16xf32>,
        %get3A_131 = vector.shape_cast %get3A_130 : vector<1x16xf32> to vector<16xf32>
        %mul3A_132 = arith.mulf %get3A_131, %get3A_131 : vector<16xf32>
        %add3A_133 = arith.constant 1 : i32
        %add3A_134 = arith.addi %mul3A_128, %add3A_133 : i32
        %get3A_135 = arith.index_cast %add3A_134 : i32 to index
        %get3A_136 = arith.constant 0 : index
        %get3A_137 = tpu.vector_load %arg8[%get3A_135, %get3A_136] {strides = array<i32>} : memref<640x128xf32, #tpu.memory_space<vmem>>, vector<1x16xf32>,
        %get3A_138 = vector.shape_cast %get3A_137 : vector<1x16xf32> to vector<16xf32>
        %add3A_139 = arith.addf %get3A_131, %get3A_138 : vector<16xf32>
        %mul3A_140 = arith.mulf %get3A_138, %get3A_138 : vector<16xf32>
        %add3A_141 = arith.addf %mul3A_132, %mul3A_140 : vector<16xf32>
        %max3A = arith.maximumf %get3A_131, %get3A_138 : vector<16xf32>
        %add3A_142 = arith.constant 2 : i32
        %add3A_143 = arith.addi %mul3A_128, %add3A_142 : i32
        %get3A_144 = arith.index_cast %add3A_143 : i32 to index
        %get3A_145 = arith.constant 0 : index
        %get3A_146 = tpu.vector_load %arg8[%get3A_144, %get3A_145] {strides = array<i32>} : memref<640x128xf32, #tpu.memory_space<vmem>>, vector<1x16xf32>,
        %get3A_147 = vector.shape_cast %get3A_146 : vector<1x16xf32> to vector<16xf32>
        %add3A_148 = arith.addf %add3A_139, %get3A_147 : vector<16xf32>
        %mul3A_149 = arith.mulf %get3A_147, %get3A_147 : vector<16xf32>
        %add3A_150 = arith.addf %add3A_141, %mul3A_149 : vector<16xf32>
        %max3A_151 = arith.maximumf %max3A, %get3A_147 : vector<16xf32>
        %add3A_152 = arith.constant 3 : i32
        %add3A_153 = arith.addi %mul3A_128, %add3A_152 : i32
        %get3A_154 = arith.index_cast %add3A_153 : i32 to index
        %get3A_155 = arith.constant 0 : index
        %get3A_156 = tpu.vector_load %arg8[%get3A_154, %get3A_155] {strides = array<i32>} : memref<640x128xf32, #tpu.memory_space<vmem>>, vector<1x16xf32>,
        %get3A_157 = vector.shape_cast %get3A_156 : vector<1x16xf32> to vector<16xf32>
        %add3A_158 = arith.addf %add3A_148, %get3A_157 : vector<16xf32>
        %mul3A_159 = arith.mulf %get3A_157, %get3A_157 : vector<16xf32>
        %add3A_160 = arith.addf %add3A_150, %mul3A_159 : vector<16xf32>
        %max3A_161 = arith.maximumf %max3A_151, %get3A_157 : vector<16xf32>
        %add3A_162 = arith.constant 4 : i32
        %add3A_163 = arith.addi %mul3A_128, %add3A_162 : i32
        %get3A_164 = arith.index_cast %add3A_163 : i32 to index
        %get3A_165 = arith.constant 0 : index
        %get3A_166 = tpu.vector_load %arg8[%get3A_164, %get3A_165] {strides = array<i32>} : memref<640x128xf32, #tpu.memory_space<vmem>>, vector<1x16xf32>,
        %get3A_167 = vector.shape_cast %get3A_166 : vector<1x16xf32> to vector<16xf32>
        %add3A_168 = arith.addf %add3A_158, %get3A_167 : vector<16xf32>
        %mul3A_169 = arith.mulf %get3A_167, %get3A_167 : vector<16xf32>
        %add3A_170 = arith.addf %add3A_160, %mul3A_169 : vector<16xf32>
        %max3A_171 = arith.maximumf %max3A_161, %get3A_167 : vector<16xf32>
        %add3A_172 = arith.constant 5 : i32
        %add3A_173 = arith.addi %mul3A_128, %add3A_172 : i32
        %get3A_174 = arith.index_cast %add3A_173 : i32 to index
        %get3A_175 = arith.constant 0 : index
        %get3A_176 = tpu.vector_load %arg8[%get3A_174, %get3A_175] {strides = array<i32>} : memref<640x128xf32, #tpu.memory_space<vmem>>, vector<1x16xf32>,
        %get3A_177 = vector.shape_cast %get3A_176 : vector<1x16xf32> to vector<16xf32>
        %add3A_178 = arith.addf %add3A_168, %get3A_177 : vector<16xf32>
        %mul3A_179 = arith.mulf %get3A_177, %get3A_177 : vector<16xf32>
        %add3A_180 = arith.addf %add3A_170, %mul3A_179 : vector<16xf32>
        %max3A_181 = arith.maximumf %max3A_171, %get3A_177 : vector<16xf32>
        %add3A_182 = arith.constant 6 : i32
        %add3A_183 = arith.addi %mul3A_128, %add3A_182 : i32
        %get3A_184 = arith.index_cast %add3A_183 : i32 to index
        %get3A_185 = arith.constant 0 : index
        %get3A_186 = tpu.vector_load %arg8[%get3A_184, %get3A_185] {strides = array<i32>} : memref<640x128xf32, #tpu.memory_space<vmem>>, vector<1x16xf32>,
        %get3A_187 = vector.shape_cast %get3A_186 : vector<1x16xf32> to vector<16xf32>
        %add3A_188 = arith.addf %add3A_178, %get3A_187 : vector<16xf32>
        %mul3A_189 = arith.mulf %get3A_187, %get3A_187 : vector<16xf32>
        %add3A_190 = arith.addf %add3A_180, %mul3A_189 : vector<16xf32>
        %max3A_191 = arith.maximumf %max3A_181, %get3A_187 : vector<16xf32>
        %add3A_192 = arith.constant 7 : i32
        %add3A_193 = arith.addi %mul3A_128, %add3A_192 : i32
        %get3A_194 = arith.index_cast %add3A_193 : i32 to index
        %get3A_195 = arith.constant 0 : index
        %get3A_196 = tpu.vector_load %arg8[%get3A_194, %get3A_195] {strides = array<i32>} : memref<640x128xf32, #tpu.memory_space<vmem>>, vector<1x16xf32>,
        %get3A_197 = vector.shape_cast %get3A_196 : vector<1x16xf32> to vector<16xf32>
        %add3A_198 = arith.addf %add3A_188, %get3A_197 : vector<16xf32>
        %mul3A_199 = arith.mulf %get3A_197, %get3A_197 : vector<16xf32>
        %add3A_200 = arith.addf %add3A_190, %mul3A_199 : vector<16xf32>
        %max3A_201 = arith.maximumf %max3A_191, %get3A_197 : vector<16xf32>
        %add3A_202 = arith.constant 8 : i32
        %add3A_203 = arith.addi %mul3A_128, %add3A_202 : i32
        %get3A_204 = arith.index_cast %add3A_203 : i32 to index
        %get3A_205 = arith.constant 0 : index
        %get3A_206 = tpu.vector_load %arg8[%get3A_204, %get3A_205] {strides = array<i32>} : memref<640x128xf32, #tpu.memory_space<vmem>>, vector<1x16xf32>,
        %get3A_207 = vector.shape_cast %get3A_206 : vector<1x16xf32> to vector<16xf32>
        %add3A_208 = arith.addf %add3A_198, %get3A_207 : vector<16xf32>
        %mul3A_209 = arith.mulf %get3A_207, %get3A_207 : vector<16xf32>
        %add3A_210 = arith.addf %add3A_200, %mul3A_209 : vector<16xf32>
        %max3A_211 = arith.maximumf %max3A_201, %get3A_207 : vector<16xf32>
        %add3A_212 = arith.constant 9 : i32
        %add3A_213 = arith.addi %mul3A_128, %add3A_212 : i32
        %get3A_214 = arith.index_cast %add3A_213 : i32 to index
        %get3A_215 = arith.constant 0 : index
        %get3A_216 = tpu.vector_load %arg8[%get3A_214, %get3A_215] {strides = array<i32>} : memref<640x128xf32, #tpu.memory_space<vmem>>, vector<1x16xf32>,
        %get3A_217 = vector.shape_cast %get3A_216 : vector<1x16xf32> to vector<16xf32>
        %add3A_218 = arith.addf %add3A_208, %get3A_217 : vector<16xf32>
        %mul3A_219 = arith.mulf %get3A_217, %get3A_217 : vector<16xf32>
        %add3A_220 = arith.addf %add3A_210, %mul3A_219 : vector<16xf32>
        %max3A_221 = arith.maximumf %max3A_211, %get3A_217 : vector<16xf32>
        %add3A_222 = arith.constant 10 : i32
        %add3A_223 = arith.addi %mul3A_128, %add3A_222 : i32
        %get3A_224 = arith.index_cast %add3A_223 : i32 to index
        %get3A_225 = arith.constant 0 : index
        %get3A_226 = tpu.vector_load %arg8[%get3A_224, %get3A_225] {strides = array<i32>} : memref<640x128xf32, #tpu.memory_space<vmem>>, vector<1x16xf32>,
        %get3A_227 = vector.shape_cast %get3A_226 : vector<1x16xf32> to vector<16xf32>
        %add3A_228 = arith.addf %add3A_218, %get3A_227 : vector<16xf32>
        %mul3A_229 = arith.mulf %get3A_227, %get3A_227 : vector<16xf32>
        %add3A_230 = arith.addf %add3A_220, %mul3A_229 : vector<16xf32>
        %max3A_231 = arith.maximumf %max3A_221, %get3A_227 : vector<16xf32>
        %add3A_232 = arith.constant 11 : i32
        %add3A_233 = arith.addi %mul3A_128, %add3A_232 : i32
        %get3A_234 = arith.index_cast %add3A_233 : i32 to index
        %get3A_235 = arith.constant 0 : index
        %get3A_236 = tpu.vector_load %arg8[%get3A_234, %get3A_235] {strides = array<i32>} : memref<640x128xf32, #tpu.memory_space<vmem>>, vector<1x16xf32>,
        %get3A_237 = vector.shape_cast %get3A_236 : vector<1x16xf32> to vector<16xf32>
        %add3A_238 = arith.addf %add3A_228, %get3A_237 : vector<16xf32>
        %mul3A_239 = arith.mulf %get3A_237, %get3A_237 : vector<16xf32>
        %add3A_240 = arith.addf %add3A_230, %mul3A_239 : vector<16xf32>
        %max3A_241 = arith.maximumf %max3A_231, %get3A_237 : vector<16xf32>
        %add3A_242 = arith.constant 12 : i32
        %add3A_243 = arith.addi %mul3A_128, %add3A_242 : i32
        %get3A_244 = arith.index_cast %add3A_243 : i32 to index
        %get3A_245 = arith.constant 0 : index
        %get3A_246 = tpu.vector_load %arg8[%get3A_244, %get3A_245] {strides = array<i32>} : memref<640x128xf32, #tpu.memory_space<vmem>>, vector<1x16xf32>,
        %get3A_247 = vector.shape_cast %get3A_246 : vector<1x16xf32> to vector<16xf32>
        %add3A_248 = arith.addf %add3A_238, %get3A_247 : vector<16xf32>
        %mul3A_249 = arith.mulf %get3A_247, %get3A_247 : vector<16xf32>
        %add3A_250 = arith.addf %add3A_240, %mul3A_249 : vector<16xf32>
        %max3A_251 = arith.maximumf %max3A_241, %get3A_247 : vector<16xf32>
        %add3A_252 = arith.constant 13 : i32
        %add3A_253 = arith.addi %mul3A_128, %add3A_252 : i32
        %get3A_254 = arith.index_cast %add3A_253 : i32 to index
        %get3A_255 = arith.constant 0 : index
        %get3A_256 = tpu.vector_load %arg8[%get3A_254, %get3A_255] {strides = array<i32>} : memref<640x128xf32, #tpu.memory_space<vmem>>, vector<1x16xf32>,
        %get3A_257 = vector.shape_cast %get3A_256 : vector<1x16xf32> to vector<16xf32>
        %add3A_258 = arith.addf %add3A_248, %get3A_257 : vector<16xf32>
        %mul3A_259 = arith.mulf %get3A_257, %get3A_257 : vector<16xf32>
        %add3A_260 = arith.addf %add3A_250, %mul3A_259 : vector<16xf32>
        %max3A_261 = arith.maximumf %max3A_251, %get3A_257 : vector<16xf32>
        %add3A_262 = arith.constant 14 : i32
        %add3A_263 = arith.addi %mul3A_128, %add3A_262 : i32
        %get3A_264 = arith.index_cast %add3A_263 : i32 to index
        %get3A_265 = arith.constant 0 : index
        %get3A_266 = tpu.vector_load %arg8[%get3A_264, %get3A_265] {strides = array<i32>} : memref<640x128xf32, #tpu.memory_space<vmem>>, vector<1x16xf32>,
        %get3A_267 = vector.shape_cast %get3A_266 : vector<1x16xf32> to vector<16xf32>
        %add3A_268 = arith.addf %add3A_258, %get3A_267 : vector<16xf32>
        %mul3A_269 = arith.mulf %get3A_267, %get3A_267 : vector<16xf32>
        %add3A_270 = arith.addf %add3A_260, %mul3A_269 : vector<16xf32>
        %max3A_271 = arith.maximumf %max3A_261, %get3A_267 : vector<16xf32>
        %add3A_272 = arith.constant 15 : i32
        %add3A_273 = arith.addi %mul3A_128, %add3A_272 : i32
        %get3A_274 = arith.index_cast %add3A_273 : i32 to index
        %get3A_275 = arith.constant 0 : index
        %get3A_276 = tpu.vector_load %arg8[%get3A_274, %get3A_275] {strides = array<i32>} : memref<640x128xf32, #tpu.memory_space<vmem>>, vector<1x16xf32>,
        %get3A_277 = vector.shape_cast %get3A_276 : vector<1x16xf32> to vector<16xf32>
        %add3A_278 = arith.addf %add3A_268, %get3A_277 : vector<16xf32>
        %mul3A_279 = arith.mulf %get3A_277, %get3A_277 : vector<16xf32>
        %add3A_280 = arith.addf %add3A_270, %mul3A_279 : vector<16xf32>
        %max3A_281 = arith.maximumf %max3A_271, %get3A_277 : vector<16xf32>
        %add3A_282 = arith.constant 16 : i32
        %add3A_283 = arith.addi %mul3A_128, %add3A_282 : i32
        %get3A_284 = arith.index_cast %add3A_283 : i32 to index
        %get3A_285 = arith.constant 0 : index
        %get3A_286 = tpu.vector_load %arg8[%get3A_284, %get3A_285] {strides = array<i32>} : memref<640x128xf32, #tpu.memory_space<vmem>>, vector<1x16xf32>,
        %get3A_287 = vector.shape_cast %get3A_286 : vector<1x16xf32> to vector<16xf32>
        %add3A_288 = arith.addf %add3A_278, %get3A_287 : vector<16xf32>
        %mul3A_289 = arith.mulf %get3A_287, %get3A_287 : vector<16xf32>
        %add3A_290 = arith.addf %add3A_280, %mul3A_289 : vector<16xf32>
        %max3A_291 = arith.maximumf %max3A_281, %get3A_287 : vector<16xf32>
        %add3A_292 = arith.constant 17 : i32
        %add3A_293 = arith.addi %mul3A_128, %add3A_292 : i32
        %get3A_294 = arith.index_cast %add3A_293 : i32 to index
        %get3A_295 = arith.constant 0 : index
        %get3A_296 = tpu.vector_load %arg8[%get3A_294, %get3A_295] {strides = array<i32>} : memref<640x128xf32, #tpu.memory_space<vmem>>, vector<1x16xf32>,
        %get3A_297 = vector.shape_cast %get3A_296 : vector<1x16xf32> to vector<16xf32>
        %add3A_298 = arith.addf %add3A_288, %get3A_297 : vector<16xf32>
        %mul3A_299 = arith.mulf %get3A_297, %get3A_297 : vector<16xf32>
        %add3A_300 = arith.addf %add3A_290, %mul3A_299 : vector<16xf32>
        %max3A_301 = arith.maximumf %max3A_291, %get3A_297 : vector<16xf32>
        %add3A_302 = arith.constant 18 : i32
        %add3A_303 = arith.addi %mul3A_128, %add3A_302 : i32
        %get3A_304 = arith.index_cast %add3A_303 : i32 to index
        %get3A_305 = arith.constant 0 : index
        %get3A_306 = tpu.vector_load %arg8[%get3A_304, %get3A_305] {strides = array<i32>} : memref<640x128xf32, #tpu.memory_space<vmem>>, vector<1x16xf32>,
        %get3A_307 = vector.shape_cast %get3A_306 : vector<1x16xf32> to vector<16xf32>
        %add3A_308 = arith.addf %add3A_298, %get3A_307 : vector<16xf32>
        %mul3A_309 = arith.mulf %get3A_307, %get3A_307 : vector<16xf32>
        %add3A_310 = arith.addf %add3A_300, %mul3A_309 : vector<16xf32>
        %max3A_311 = arith.maximumf %max3A_301, %get3A_307 : vector<16xf32>
        %add3A_312 = arith.constant 19 : i32
        %add3A_313 = arith.addi %mul3A_128, %add3A_312 : i32
        %get3A_314 = arith.index_cast %add3A_313 : i32 to index
        %get3A_315 = arith.constant 0 : index
        %get3A_316 = tpu.vector_load %arg8[%get3A_314, %get3A_315] {strides = array<i32>} : memref<640x128xf32, #tpu.memory_space<vmem>>, vector<1x16xf32>,
        %get3A_317 = vector.shape_cast %get3A_316 : vector<1x16xf32> to vector<16xf32>
        %add3A_318 = arith.addf %add3A_308, %get3A_317 : vector<16xf32>
        %mul3A_319 = arith.mulf %get3A_317, %get3A_317 : vector<16xf32>
        %add3A_320 = arith.addf %add3A_310, %mul3A_319 : vector<16xf32>
        %max3A_321 = arith.maximumf %max3A_311, %get3A_317 : vector<16xf32>
        %swap3A = arith.index_cast %scan3A_126 : i32 to index
        %swap3A_322 = arith.constant 0 : index
        %swap3A_323 = tpu.vector_load %arg9[%swap3A, %swap3A_322] {strides = array<i32>} : memref<32x32xf32, #tpu.memory_space<vmem>>, vector<1x16xf32>,
        %swap3A_324 = vector.shape_cast %swap3A_323 : vector<1x16xf32> to vector<16xf32>
        %swap3A_325 = vector.shape_cast %add3A_318 : vector<16xf32> to vector<1x16xf32>
        tpu.vector_store %arg9[%swap3A, %swap3A_322], %swap3A_325 {strides = array<i32>} : memref<32x32xf32, #tpu.memory_space<vmem>>, vector<1x16xf32>,
        %swap3A_326 = arith.index_cast %scan3A_126 : i32 to index
        %swap3A_327 = arith.constant 0 : index
        %swap3A_328 = tpu.vector_load %arg10[%swap3A_326, %swap3A_327] {strides = array<i32>} : memref<32x32xf32, #tpu.memory_space<vmem>>, vector<1x16xf32>,
        %swap3A_329 = vector.shape_cast %swap3A_328 : vector<1x16xf32> to vector<16xf32>
        %swap3A_330 = vector.shape_cast %add3A_320 : vector<16xf32> to vector<1x16xf32>
        tpu.vector_store %arg10[%swap3A_326, %swap3A_327], %swap3A_330 {strides = array<i32>} : memref<32x32xf32, #tpu.memory_space<vmem>>, vector<1x16xf32>,
        %swap3A_331 = arith.index_cast %scan3A_126 : i32 to index
        %swap3A_332 = arith.constant 0 : index
        %swap3A_333 = tpu.vector_load %arg11[%swap3A_331, %swap3A_332] {strides = array<i32>} : memref<32x32xf32, #tpu.memory_space<vmem>>, vector<1x16xf32>,
        %swap3A_334 = vector.shape_cast %swap3A_333 : vector<1x16xf32> to vector<16xf32>
        %swap3A_335 = vector.shape_cast %max3A_321 : vector<16xf32> to vector<1x16xf32>
        tpu.vector_store %arg11[%swap3A_331, %swap3A_332], %swap3A_335 {strides = array<i32>} : memref<32x32xf32, #tpu.memory_space<vmem>>, vector<1x16xf32>,
        %get3A_336 = arith.index_cast %mul3A_128 : i32 to index
        %get3A_337 = arith.constant 16 : index
        %get3A_338 = tpu.vector_load %arg8[%get3A_336, %get3A_337] {strides = array<i32>} : memref<640x128xf32, #tpu.memory_space<vmem>>, vector<1x16xf32>,
        %get3A_339 = vector.shape_cast %get3A_338 : vector<1x16xf32> to vector<16xf32>
        %mul3A_340 = arith.mulf %get3A_339, %get3A_339 : vector<16xf32>
        %add3A_341 = arith.constant 1 : i32
        %add3A_342 = arith.addi %mul3A_128, %add3A_341 : i32
        %get3A_343 = arith.index_cast %add3A_342 : i32 to index
        %get3A_344 = arith.constant 16 : index
        %get3A_345 = tpu.vector_load %arg8[%get3A_343, %get3A_344] {strides = array<i32>} : memref<640x128xf32, #tpu.memory_space<vmem>>, vector<1x16xf32>,
        %get3A_346 = vector.shape_cast %get3A_345 : vector<1x16xf32> to vector<16xf32>
        %add3A_347 = arith.addf %get3A_339, %get3A_346 : vector<16xf32>
        %mul3A_348 = arith.mulf %get3A_346, %get3A_346 : vector<16xf32>
        %add3A_349 = arith.addf %mul3A_340, %mul3A_348 : vector<16xf32>
        %max3A_350 = arith.maximumf %get3A_339, %get3A_346 : vector<16xf32>
        %add3A_351 = arith.constant 2 : i32
        %add3A_352 = arith.addi %mul3A_128, %add3A_351 : i32
        %get3A_353 = arith.index_cast %add3A_352 : i32 to index
        %get3A_354 = arith.constant 16 : index
        %get3A_355 = tpu.vector_load %arg8[%get3A_353, %get3A_354] {strides = array<i32>} : memref<640x128xf32, #tpu.memory_space<vmem>>, vector<1x16xf32>,
        %get3A_356 = vector.shape_cast %get3A_355 : vector<1x16xf32> to vector<16xf32>
        %add3A_357 = arith.addf %add3A_347, %get3A_356 : vector<16xf32>
        %mul3A_358 = arith.mulf %get3A_356, %get3A_356 : vector<16xf32>
        %add3A_359 = arith.addf %add3A_349, %mul3A_358 : vector<16xf32>
        %max3A_360 = arith.maximumf %max3A_350, %get3A_356 : vector<16xf32>
        %add3A_361 = arith.constant 3 : i32
        %add3A_362 = arith.addi %mul3A_128, %add3A_361 : i32
        %get3A_363 = arith.index_cast %add3A_362 : i32 to index
        %get3A_364 = arith.constant 16 : index
        %get3A_365 = tpu.vector_load %arg8[%get3A_363, %get3A_364] {strides = array<i32>} : memref<640x128xf32, #tpu.memory_space<vmem>>, vector<1x16xf32>,
        %get3A_366 = vector.shape_cast %get3A_365 : vector<1x16xf32> to vector<16xf32>
        %add3A_367 = arith.addf %add3A_357, %get3A_366 : vector<16xf32>
        %mul3A_368 = arith.mulf %get3A_366, %get3A_366 : vector<16xf32>
        %add3A_369 = arith.addf %add3A_359, %mul3A_368 : vector<16xf32>
        %max3A_370 = arith.maximumf %max3A_360, %get3A_366 : vector<16xf32>
        %add3A_371 = arith.constant 4 : i32
        %add3A_372 = arith.addi %mul3A_128, %add3A_371 : i32
        %get3A_373 = arith.index_cast %add3A_372 : i32 to index
        %get3A_374 = arith.constant 16 : index
        %get3A_375 = tpu.vector_load %arg8[%get3A_373, %get3A_374] {strides = array<i32>} : memref<640x128xf32, #tpu.memory_space<vmem>>, vector<1x16xf32>,
        %get3A_376 = vector.shape_cast %get3A_375 : vector<1x16xf32> to vector<16xf32>
        %add3A_377 = arith.addf %add3A_367, %get3A_376 : vector<16xf32>
        %mul3A_378 = arith.mulf %get3A_376, %get3A_376 : vector<16xf32>
        %add3A_379 = arith.addf %add3A_369, %mul3A_378 : vector<16xf32>
        %max3A_380 = arith.maximumf %max3A_370, %get3A_376 : vector<16xf32>
        %add3A_381 = arith.constant 5 : i32
        %add3A_382 = arith.addi %mul3A_128, %add3A_381 : i32
        %get3A_383 = arith.index_cast %add3A_382 : i32 to index
        %get3A_384 = arith.constant 16 : index
        %get3A_385 = tpu.vector_load %arg8[%get3A_383, %get3A_384] {strides = array<i32>} : memref<640x128xf32, #tpu.memory_space<vmem>>, vector<1x16xf32>,
        %get3A_386 = vector.shape_cast %get3A_385 : vector<1x16xf32> to vector<16xf32>
        %add3A_387 = arith.addf %add3A_377, %get3A_386 : vector<16xf32>
        %mul3A_388 = arith.mulf %get3A_386, %get3A_386 : vector<16xf32>
        %add3A_389 = arith.addf %add3A_379, %mul3A_388 : vector<16xf32>
        %max3A_390 = arith.maximumf %max3A_380, %get3A_386 : vector<16xf32>
        %add3A_391 = arith.constant 6 : i32
        %add3A_392 = arith.addi %mul3A_128, %add3A_391 : i32
        %get3A_393 = arith.index_cast %add3A_392 : i32 to index
        %get3A_394 = arith.constant 16 : index
        %get3A_395 = tpu.vector_load %arg8[%get3A_393, %get3A_394] {strides = array<i32>} : memref<640x128xf32, #tpu.memory_space<vmem>>, vector<1x16xf32>,
        %get3A_396 = vector.shape_cast %get3A_395 : vector<1x16xf32> to vector<16xf32>
        %add3A_397 = arith.addf %add3A_387, %get3A_396 : vector<16xf32>
        %mul3A_398 = arith.mulf %get3A_396, %get3A_396 : vector<16xf32>
        %add3A_399 = arith.addf %add3A_389, %mul3A_398 : vector<16xf32>
        %max3A_400 = arith.maximumf %max3A_390, %get3A_396 : vector<16xf32>
        %add3A_401 = arith.constant 7 : i32
        %add3A_402 = arith.addi %mul3A_128, %add3A_401 : i32
        %get3A_403 = arith.index_cast %add3A_402 : i32 to index
        %get3A_404 = arith.constant 16 : index
        %get3A_405 = tpu.vector_load %arg8[%get3A_403, %get3A_404] {strides = array<i32>} : memref<640x128xf32, #tpu.memory_space<vmem>>, vector<1x16xf32>,
        %get3A_406 = vector.shape_cast %get3A_405 : vector<1x16xf32> to vector<16xf32>
        %add3A_407 = arith.addf %add3A_397, %get3A_406 : vector<16xf32>
        %mul3A_408 = arith.mulf %get3A_406, %get3A_406 : vector<16xf32>
        %add3A_409 = arith.addf %add3A_399, %mul3A_408 : vector<16xf32>
        %max3A_410 = arith.maximumf %max3A_400, %get3A_406 : vector<16xf32>
        %add3A_411 = arith.constant 8 : i32
        %add3A_412 = arith.addi %mul3A_128, %add3A_411 : i32
        %get3A_413 = arith.index_cast %add3A_412 : i32 to index
        %get3A_414 = arith.constant 16 : index
        %get3A_415 = tpu.vector_load %arg8[%get3A_413, %get3A_414] {strides = array<i32>} : memref<640x128xf32, #tpu.memory_space<vmem>>, vector<1x16xf32>,
        %get3A_416 = vector.shape_cast %get3A_415 : vector<1x16xf32> to vector<16xf32>
        %add3A_417 = arith.addf %add3A_407, %get3A_416 : vector<16xf32>
        %mul3A_418 = arith.mulf %get3A_416, %get3A_416 : vector<16xf32>
        %add3A_419 = arith.addf %add3A_409, %mul3A_418 : vector<16xf32>
        %max3A_420 = arith.maximumf %max3A_410, %get3A_416 : vector<16xf32>
        %add3A_421 = arith.constant 9 : i32
        %add3A_422 = arith.addi %mul3A_128, %add3A_421 : i32
        %get3A_423 = arith.index_cast %add3A_422 : i32 to index
        %get3A_424 = arith.constant 16 : index
        %get3A_425 = tpu.vector_load %arg8[%get3A_423, %get3A_424] {strides = array<i32>} : memref<640x128xf32, #tpu.memory_space<vmem>>, vector<1x16xf32>,
        %get3A_426 = vector.shape_cast %get3A_425 : vector<1x16xf32> to vector<16xf32>
        %add3A_427 = arith.addf %add3A_417, %get3A_426 : vector<16xf32>
        %mul3A_428 = arith.mulf %get3A_426, %get3A_426 : vector<16xf32>
        %add3A_429 = arith.addf %add3A_419, %mul3A_428 : vector<16xf32>
        %max3A_430 = arith.maximumf %max3A_420, %get3A_426 : vector<16xf32>
        %add3A_431 = arith.constant 10 : i32
        %add3A_432 = arith.addi %mul3A_128, %add3A_431 : i32
        %get3A_433 = arith.index_cast %add3A_432 : i32 to index
        %get3A_434 = arith.constant 16 : index
        %get3A_435 = tpu.vector_load %arg8[%get3A_433, %get3A_434] {strides = array<i32>} : memref<640x128xf32, #tpu.memory_space<vmem>>, vector<1x16xf32>,
        %get3A_436 = vector.shape_cast %get3A_435 : vector<1x16xf32> to vector<16xf32>
        %add3A_437 = arith.addf %add3A_427, %get3A_436 : vector<16xf32>
        %mul3A_438 = arith.mulf %get3A_436, %get3A_436 : vector<16xf32>
        %add3A_439 = arith.addf %add3A_429, %mul3A_438 : vector<16xf32>
        %max3A_440 = arith.maximumf %max3A_430, %get3A_436 : vector<16xf32>
        %add3A_441 = arith.constant 11 : i32
        %add3A_442 = arith.addi %mul3A_128, %add3A_441 : i32
        %get3A_443 = arith.index_cast %add3A_442 : i32 to index
        %get3A_444 = arith.constant 16 : index
        %get3A_445 = tpu.vector_load %arg8[%get3A_443, %get3A_444] {strides = array<i32>} : memref<640x128xf32, #tpu.memory_space<vmem>>, vector<1x16xf32>,
        %get3A_446 = vector.shape_cast %get3A_445 : vector<1x16xf32> to vector<16xf32>
        %add3A_447 = arith.addf %add3A_437, %get3A_446 : vector<16xf32>
        %mul3A_448 = arith.mulf %get3A_446, %get3A_446 : vector<16xf32>
        %add3A_449 = arith.addf %add3A_439, %mul3A_448 : vector<16xf32>
        %max3A_450 = arith.maximumf %max3A_440, %get3A_446 : vector<16xf32>
        %add3A_451 = arith.constant 12 : i32
        %add3A_452 = arith.addi %mul3A_128, %add3A_451 : i32
        %get3A_453 = arith.index_cast %add3A_452 : i32 to index
        %get3A_454 = arith.constant 16 : index
        %get3A_455 = tpu.vector_load %arg8[%get3A_453, %get3A_454] {strides = array<i32>} : memref<640x128xf32, #tpu.memory_space<vmem>>, vector<1x16xf32>,
        %get3A_456 = vector.shape_cast %get3A_455 : vector<1x16xf32> to vector<16xf32>
        %add3A_457 = arith.addf %add3A_447, %get3A_456 : vector<16xf32>
        %mul3A_458 = arith.mulf %get3A_456, %get3A_456 : vector<16xf32>
        %add3A_459 = arith.addf %add3A_449, %mul3A_458 : vector<16xf32>
        %max3A_460 = arith.maximumf %max3A_450, %get3A_456 : vector<16xf32>
        %add3A_461 = arith.constant 13 : i32
        %add3A_462 = arith.addi %mul3A_128, %add3A_461 : i32
        %get3A_463 = arith.index_cast %add3A_462 : i32 to index
        %get3A_464 = arith.constant 16 : index
        %get3A_465 = tpu.vector_load %arg8[%get3A_463, %get3A_464] {strides = array<i32>} : memref<640x128xf32, #tpu.memory_space<vmem>>, vector<1x16xf32>,
        %get3A_466 = vector.shape_cast %get3A_465 : vector<1x16xf32> to vector<16xf32>
        %add3A_467 = arith.addf %add3A_457, %get3A_466 : vector<16xf32>
        %mul3A_468 = arith.mulf %get3A_466, %get3A_466 : vector<16xf32>
        %add3A_469 = arith.addf %add3A_459, %mul3A_468 : vector<16xf32>
        %max3A_470 = arith.maximumf %max3A_460, %get3A_466 : vector<16xf32>
        %add3A_471 = arith.constant 14 : i32
        %add3A_472 = arith.addi %mul3A_128, %add3A_471 : i32
        %get3A_473 = arith.index_cast %add3A_472 : i32 to index
        %get3A_474 = arith.constant 16 : index
        %get3A_475 = tpu.vector_load %arg8[%get3A_473, %get3A_474] {strides = array<i32>} : memref<640x128xf32, #tpu.memory_space<vmem>>, vector<1x16xf32>,
        %get3A_476 = vector.shape_cast %get3A_475 : vector<1x16xf32> to vector<16xf32>
        %add3A_477 = arith.addf %add3A_467, %get3A_476 : vector<16xf32>
        %mul3A_478 = arith.mulf %get3A_476, %get3A_476 : vector<16xf32>
        %add3A_479 = arith.addf %add3A_469, %mul3A_478 : vector<16xf32>
        %max3A_480 = arith.maximumf %max3A_470, %get3A_476 : vector<16xf32>
        %add3A_481 = arith.constant 15 : i32
        %add3A_482 = arith.addi %mul3A_128, %add3A_481 : i32
        %get3A_483 = arith.index_cast %add3A_482 : i32 to index
        %get3A_484 = arith.constant 16 : index
        %get3A_485 = tpu.vector_load %arg8[%get3A_483, %get3A_484] {strides = array<i32>} : memref<640x128xf32, #tpu.memory_space<vmem>>, vector<1x16xf32>,
        %get3A_486 = vector.shape_cast %get3A_485 : vector<1x16xf32> to vector<16xf32>
        %add3A_487 = arith.addf %add3A_477, %get3A_486 : vector<16xf32>
        %mul3A_488 = arith.mulf %get3A_486, %get3A_486 : vector<16xf32>
        %add3A_489 = arith.addf %add3A_479, %mul3A_488 : vector<16xf32>
        %max3A_490 = arith.maximumf %max3A_480, %get3A_486 : vector<16xf32>
        %add3A_491 = arith.constant 16 : i32
        %add3A_492 = arith.addi %mul3A_128, %add3A_491 : i32
        %get3A_493 = arith.index_cast %add3A_492 : i32 to index
        %get3A_494 = arith.constant 16 : index
        %get3A_495 = tpu.vector_load %arg8[%get3A_493, %get3A_494] {strides = array<i32>} : memref<640x128xf32, #tpu.memory_space<vmem>>, vector<1x16xf32>,
        %get3A_496 = vector.shape_cast %get3A_495 : vector<1x16xf32> to vector<16xf32>
        %add3A_497 = arith.addf %add3A_487, %get3A_496 : vector<16xf32>
        %mul3A_498 = arith.mulf %get3A_496, %get3A_496 : vector<16xf32>
        %add3A_499 = arith.addf %add3A_489, %mul3A_498 : vector<16xf32>
        %max3A_500 = arith.maximumf %max3A_490, %get3A_496 : vector<16xf32>
        %add3A_501 = arith.constant 17 : i32
        %add3A_502 = arith.addi %mul3A_128, %add3A_501 : i32
        %get3A_503 = arith.index_cast %add3A_502 : i32 to index
        %get3A_504 = arith.constant 16 : index
        %get3A_505 = tpu.vector_load %arg8[%get3A_503, %get3A_504] {strides = array<i32>} : memref<640x128xf32, #tpu.memory_space<vmem>>, vector<1x16xf32>,
        %get3A_506 = vector.shape_cast %get3A_505 : vector<1x16xf32> to vector<16xf32>
        %add3A_507 = arith.addf %add3A_497, %get3A_506 : vector<16xf32>
        %mul3A_508 = arith.mulf %get3A_506, %get3A_506 : vector<16xf32>
        %add3A_509 = arith.addf %add3A_499, %mul3A_508 : vector<16xf32>
        %max3A_510 = arith.maximumf %max3A_500, %get3A_506 : vector<16xf32>
        %add3A_511 = arith.constant 18 : i32
        %add3A_512 = arith.addi %mul3A_128, %add3A_511 : i32
        %get3A_513 = arith.index_cast %add3A_512 : i32 to index
        %get3A_514 = arith.constant 16 : index
        %get3A_515 = tpu.vector_load %arg8[%get3A_513, %get3A_514] {strides = array<i32>} : memref<640x128xf32, #tpu.memory_space<vmem>>, vector<1x16xf32>,
        %get3A_516 = vector.shape_cast %get3A_515 : vector<1x16xf32> to vector<16xf32>
        %add3A_517 = arith.addf %add3A_507, %get3A_516 : vector<16xf32>
        %mul3A_518 = arith.mulf %get3A_516, %get3A_516 : vector<16xf32>
        %add3A_519 = arith.addf %add3A_509, %mul3A_518 : vector<16xf32>
        %max3A_520 = arith.maximumf %max3A_510, %get3A_516 : vector<16xf32>
        %add3A_521 = arith.constant 19 : i32
        %add3A_522 = arith.addi %mul3A_128, %add3A_521 : i32
        %get3A_523 = arith.index_cast %add3A_522 : i32 to index
        %get3A_524 = arith.constant 16 : index
        %get3A_525 = tpu.vector_load %arg8[%get3A_523, %get3A_524] {strides = array<i32>} : memref<640x128xf32, #tpu.memory_space<vmem>>, vector<1x16xf32>,
        %get3A_526 = vector.shape_cast %get3A_525 : vector<1x16xf32> to vector<16xf32>
        %add3A_527 = arith.addf %add3A_517, %get3A_526 : vector<16xf32>
        %mul3A_528 = arith.mulf %get3A_526, %get3A_526 : vector<16xf32>
        %add3A_529 = arith.addf %add3A_519, %mul3A_528 : vector<16xf32>
        %max3A_530 = arith.maximumf %max3A_520, %get3A_526 : vector<16xf32>
        %swap3A_531 = arith.index_cast %scan3A_126 : i32 to index
        %swap3A_532 = arith.constant 16 : index
        %swap3A_533 = tpu.vector_load %arg9[%swap3A_531, %swap3A_532] {strides = array<i32>} : memref<32x32xf32, #tpu.memory_space<vmem>>, vector<1x16xf32>,
        %swap3A_534 = vector.shape_cast %swap3A_533 : vector<1x16xf32> to vector<16xf32>
        %swap3A_535 = vector.shape_cast %add3A_527 : vector<16xf32> to vector<1x16xf32>
        tpu.vector_store %arg9[%swap3A_531, %swap3A_532], %swap3A_535 {strides = array<i32>} : memref<32x32xf32, #tpu.memory_space<vmem>>, vector<1x16xf32>,
        %swap3A_536 = arith.index_cast %scan3A_126 : i32 to index
        %swap3A_537 = arith.constant 16 : index
        %swap3A_538 = tpu.vector_load %arg10[%swap3A_536, %swap3A_537] {strides = array<i32>} : memref<32x32xf32, #tpu.memory_space<vmem>>, vector<1x16xf32>,
        %swap3A_539 = vector.shape_cast %swap3A_538 : vector<1x16xf32> to vector<16xf32>
        %swap3A_540 = vector.shape_cast %add3A_529 : vector<16xf32> to vector<1x16xf32>
        tpu.vector_store %arg10[%swap3A_536, %swap3A_537], %swap3A_540 {strides = array<i32>} : memref<32x32xf32, #tpu.memory_space<vmem>>, vector<1x16xf32>,
        %swap3A_541 = arith.index_cast %scan3A_126 : i32 to index
        %swap3A_542 = arith.constant 16 : index
        %swap3A_543 = tpu.vector_load %arg11[%swap3A_541, %swap3A_542] {strides = array<i32>} : memref<32x32xf32, #tpu.memory_space<vmem>>, vector<1x16xf32>,
        %swap3A_544 = vector.shape_cast %swap3A_543 : vector<1x16xf32> to vector<16xf32>
        %swap3A_545 = vector.shape_cast %max3A_530 : vector<16xf32> to vector<1x16xf32>
        tpu.vector_store %arg11[%swap3A_541, %swap3A_542], %swap3A_545 {strides = array<i32>} : memref<32x32xf32, #tpu.memory_space<vmem>>, vector<1x16xf32>,
      }
      %scan3A_125 = arith.constant 32 : i32
      "tpu.region"() ({
        %run_scoped3A = tpu.sem_alloc : memref<!tpu.dma_semaphore, #tpu.memory_space<semaphore_mem>>
        %dma_start3A_126 = arith.constant 0 : i32
        %dma_start3A_127 = tpu.memref_slice %arg4[%add3A_11, %dma_start3A_126] : memref<4096x32xf32, #tpu.memory_space<hbm>> -> memref<32x32xf32, #tpu.memory_space<hbm>>
        %dma_start3A_128 = arith.constant 0 : i32
        %dma_start3A_129 = tpu.memref_slice %arg4[%add3A_11, %dma_start3A_128] : memref<4096x32xf32, #tpu.memory_space<hbm>> -> memref<32x32xf32, #tpu.memory_space<hbm>>
        tpu.enqueue_dma source(%arg9 : memref<32x32xf32, #tpu.memory_space<vmem>>) target(%dma_start3A_129 : memref<32x32xf32, #tpu.memory_space<hbm>>) target_semaphore(%run_scoped3A : memref<!tpu.dma_semaphore, #tpu.memory_space<semaphore_mem>>)
        %dma_wait3A_130 = arith.constant 0 : i32
        %dma_wait3A_131 = tpu.memref_slice %arg4[%add3A_11, %dma_wait3A_130] : memref<4096x32xf32, #tpu.memory_space<hbm>> -> memref<32x32xf32, #tpu.memory_space<hbm>>
        %dma_wait3A_132 = arith.constant 0 : i32
        %dma_wait3A_133 = tpu.memref_slice %arg4[%add3A_11, %dma_wait3A_132] : memref<4096x32xf32, #tpu.memory_space<hbm>> -> memref<32x32xf32, #tpu.memory_space<hbm>>
        tpu.wait_dma2 semaphore(%run_scoped3A : memref<!tpu.dma_semaphore, #tpu.memory_space<semaphore_mem>>) src(%arg9 : memref<32x32xf32, #tpu.memory_space<vmem>>) dst(%dma_wait3A_133 : memref<32x32xf32, #tpu.memory_space<hbm>>)
        tpu.yield
      }) : () -> ()
      "tpu.region"() ({
        %run_scoped3A = tpu.sem_alloc : memref<!tpu.dma_semaphore, #tpu.memory_space<semaphore_mem>>
        %dma_start3A_126 = arith.constant 0 : i32
        %dma_start3A_127 = tpu.memref_slice %arg5[%add3A_11, %dma_start3A_126] : memref<4096x32xf32, #tpu.memory_space<hbm>> -> memref<32x32xf32, #tpu.memory_space<hbm>>
        %dma_start3A_128 = arith.constant 0 : i32
        %dma_start3A_129 = tpu.memref_slice %arg5[%add3A_11, %dma_start3A_128] : memref<4096x32xf32, #tpu.memory_space<hbm>> -> memref<32x32xf32, #tpu.memory_space<hbm>>
        tpu.enqueue_dma source(%arg10 : memref<32x32xf32, #tpu.memory_space<vmem>>) target(%dma_start3A_129 : memref<32x32xf32, #tpu.memory_space<hbm>>) target_semaphore(%run_scoped3A : memref<!tpu.dma_semaphore, #tpu.memory_space<semaphore_mem>>)
        %dma_wait3A_130 = arith.constant 0 : i32
        %dma_wait3A_131 = tpu.memref_slice %arg5[%add3A_11, %dma_wait3A_130] : memref<4096x32xf32, #tpu.memory_space<hbm>> -> memref<32x32xf32, #tpu.memory_space<hbm>>
        %dma_wait3A_132 = arith.constant 0 : i32
        %dma_wait3A_133 = tpu.memref_slice %arg5[%add3A_11, %dma_wait3A_132] : memref<4096x32xf32, #tpu.memory_space<hbm>> -> memref<32x32xf32, #tpu.memory_space<hbm>>
        tpu.wait_dma2 semaphore(%run_scoped3A : memref<!tpu.dma_semaphore, #tpu.memory_space<semaphore_mem>>) src(%arg10 : memref<32x32xf32, #tpu.memory_space<vmem>>) dst(%dma_wait3A_133 : memref<32x32xf32, #tpu.memory_space<hbm>>)
        tpu.yield
      }) : () -> ()
      "tpu.region"() ({
        %run_scoped3A = tpu.sem_alloc : memref<!tpu.dma_semaphore, #tpu.memory_space<semaphore_mem>>
        %dma_start3A_126 = arith.constant 0 : i32
        %dma_start3A_127 = tpu.memref_slice %arg6[%add3A_11, %dma_start3A_126] : memref<4096x32xf32, #tpu.memory_space<hbm>> -> memref<32x32xf32, #tpu.memory_space<hbm>>
        %dma_start3A_128 = arith.constant 0 : i32
        %dma_start3A_129 = tpu.memref_slice %arg6[%add3A_11, %dma_start3A_128] : memref<4096x32xf32, #tpu.memory_space<hbm>> -> memref<32x32xf32, #tpu.memory_space<hbm>>
        tpu.enqueue_dma source(%arg11 : memref<32x32xf32, #tpu.memory_space<vmem>>) target(%dma_start3A_129 : memref<32x32xf32, #tpu.memory_space<hbm>>) target_semaphore(%run_scoped3A : memref<!tpu.dma_semaphore, #tpu.memory_space<semaphore_mem>>)
        %dma_wait3A_130 = arith.constant 0 : i32
        %dma_wait3A_131 = tpu.memref_slice %arg6[%add3A_11, %dma_wait3A_130] : memref<4096x32xf32, #tpu.memory_space<hbm>> -> memref<32x32xf32, #tpu.memory_space<hbm>>
        %dma_wait3A_132 = arith.constant 0 : i32
        %dma_wait3A_133 = tpu.memref_slice %arg6[%add3A_11, %dma_wait3A_132] : memref<4096x32xf32, #tpu.memory_space<hbm>> -> memref<32x32xf32, #tpu.memory_space<hbm>>
        tpu.wait_dma2 semaphore(%run_scoped3A : memref<!tpu.dma_semaphore, #tpu.memory_space<semaphore_mem>>) src(%arg11 : memref<32x32xf32, #tpu.memory_space<vmem>>) dst(%dma_wait3A_133 : memref<32x32xf32, #tpu.memory_space<hbm>>)
        tpu.yield
      }) : () -> ()
    }
    %scan3A_5 = arith.constant 4 : i32
    return
  }
}

#map = affine_map<(d0, d1) -> (0, 0)>
#map1 = affine_map<(d0, d1) -> (0, 0, 0)>
module attributes {stable_mosaic.version = 14 : i64} {
  func.func @_gather_reduce_body(%arg0: i32, %arg1: i32, %arg2: memref<4096x128xf32, #tpu.memory_space<hbm>>, %arg3: memref<32x20x128xi32, #tpu.memory_space<hbm>>, %arg4: memref<4096x32xf32, #tpu.memory_space<hbm>>, %arg5: memref<4096x32xf32, #tpu.memory_space<hbm>>, %arg6: memref<4096x32xf32, #tpu.memory_space<hbm>>, %arg7: memref<20x128xi32, #tpu.memory_space<vmem>>, %arg8: memref<640x128xf32, #tpu.memory_space<vmem>>, %arg9: memref<32x32xf32, #tpu.memory_space<vmem>>, %arg10: memref<32x32xf32, #tpu.memory_space<vmem>>, %arg11: memref<32x32xf32, #tpu.memory_space<vmem>>, %arg12: memref<!tpu.dma_semaphore, #tpu.memory_space<semaphore_mem>>) attributes {dimension_semantics = [#tpu.dimension_semantics<core_parallel>, #tpu.dimension_semantics<subcore_parallel>], iteration_bounds = array<i64: 2, 16>, scalar_prefetch = 0 : i64, scratch_operands = 6 : i64, tpu.core_type = #tpu.core_type<sc_vector_subcore>, window_params = [{transform_indices = #map}, {transform_indices = #map1}, {transform_indices = #map}, {transform_indices = #map}, {transform_indices = #map}]} {
    %mul3A = arith.constant 2 : i32
    %mul3A_0 = arith.muli %arg1, %mul3A : i32
    %add3A = arith.addi %mul3A_0, %arg0 : i32
    "tpu.region"() ({
      %run_scoped3A = tpu.sem_alloc : memref<!tpu.dma_semaphore, #tpu.memory_space<semaphore_mem>>
      %dma_start3A = arith.constant 0 : i32
      %dma_start3A_6 = arith.constant 0 : i32
      %dma_start3A_7 = tpu.memref_slice %arg3[%add3A, %dma_start3A, %dma_start3A_6] : memref<32x20x128xi32, #tpu.memory_space<hbm>> -> memref<1x20x128xi32, #tpu.memory_space<hbm>>
      %dma_start3A_8 = tpu.memref_squeeze %dma_start3A_7 : memref<1x20x128xi32, #tpu.memory_space<hbm>> -> memref<20x128xi32, #tpu.memory_space<hbm>>
      %dma_start3A_9 = arith.constant 0 : i32
      %dma_start3A_10 = arith.constant 0 : i32
      %dma_start3A_11 = tpu.memref_slice %arg3[%add3A, %dma_start3A_9, %dma_start3A_10] : memref<32x20x128xi32, #tpu.memory_space<hbm>> -> memref<1x20x128xi32, #tpu.memory_space<hbm>>
      %dma_start3A_12 = tpu.memref_squeeze %dma_start3A_11 : memref<1x20x128xi32, #tpu.memory_space<hbm>> -> memref<20x128xi32, #tpu.memory_space<hbm>>
      tpu.enqueue_dma source(%dma_start3A_12 : memref<20x128xi32, #tpu.memory_space<hbm>>) target(%arg7 : memref<20x128xi32, #tpu.memory_space<vmem>>) target_semaphore(%run_scoped3A : memref<!tpu.dma_semaphore, #tpu.memory_space<semaphore_mem>>)
      %dma_wait3A = arith.constant 0 : i32
      %dma_wait3A_13 = arith.constant 0 : i32
      %dma_wait3A_14 = tpu.memref_slice %arg3[%add3A, %dma_wait3A, %dma_wait3A_13] : memref<32x20x128xi32, #tpu.memory_space<hbm>> -> memref<1x20x128xi32, #tpu.memory_space<hbm>>
      %dma_wait3A_15 = tpu.memref_squeeze %dma_wait3A_14 : memref<1x20x128xi32, #tpu.memory_space<hbm>> -> memref<20x128xi32, #tpu.memory_space<hbm>>
      %dma_wait3A_16 = arith.constant 0 : i32
      %dma_wait3A_17 = arith.constant 0 : i32
      %dma_wait3A_18 = tpu.memref_slice %arg3[%add3A, %dma_wait3A_16, %dma_wait3A_17] : memref<32x20x128xi32, #tpu.memory_space<hbm>> -> memref<1x20x128xi32, #tpu.memory_space<hbm>>
      %dma_wait3A_19 = tpu.memref_squeeze %dma_wait3A_18 : memref<1x20x128xi32, #tpu.memory_space<hbm>> -> memref<20x128xi32, #tpu.memory_space<hbm>>
      tpu.wait_dma2 semaphore(%run_scoped3A : memref<!tpu.dma_semaphore, #tpu.memory_space<semaphore_mem>>) src(%dma_wait3A_19 : memref<20x128xi32, #tpu.memory_space<hbm>>) dst(%arg7 : memref<20x128xi32, #tpu.memory_space<vmem>>)
      tpu.yield
    }) : () -> ()
    %scan3A = arith.constant 0 : i32
    %scan3A_1 = arith.constant 0 : i32
    %scan3A_2 = arith.constant 4 : i32
    %scan3A_3 = arith.addi %scan3A_1, %scan3A_2 : i32
    %scan3A_4 = arith.constant 1 : i32
    scf.for %scan3A_6 = %scan3A_1 to %scan3A_3 step %scan3A_4  : i32 {
      %mul3A_7 = arith.constant 128 : i32
      %mul3A_8 = arith.muli %add3A, %mul3A_7 : i32
      %mul3A_9 = arith.constant 32 : i32
      %mul3A_10 = arith.muli %scan3A_6, %mul3A_9 : i32
      %add3A_11 = arith.addi %mul3A_8, %mul3A_10 : i32
      %mul3A_12 = arith.constant 5 : i32
      %mul3A_13 = arith.muli %scan3A_6, %mul3A_12 : i32
      %add3A_14 = arith.constant 0 : i32
      %add3A_15 = arith.addi %mul3A_13, %add3A_14 : i32
      %dma_start3A = arith.constant 0 : i32
      %dma_start3A_16 = arith.constant 0 : i32
      %dma_start3A_17 = tpu.memref_slice %arg8[%dma_start3A, %dma_start3A_16] : memref<640x128xf32, #tpu.memory_space<vmem>> -> memref<128x128xf32, #tpu.memory_space<vmem>>
      %dma_start3A_18 = arith.constant 0 : i32
      %dma_start3A_19 = tpu.memref_slice %arg7[%add3A_15, %dma_start3A_18] : memref<20x128xi32, #tpu.memory_space<vmem>> -> memref<1x128xi32, #tpu.memory_space<vmem>>
      %dma_start3A_20 = tpu.memref_squeeze %dma_start3A_19 : memref<1x128xi32, #tpu.memory_space<vmem>> -> memref<128xi32, #tpu.memory_space<vmem>>
      %dma_start3A_21 = arith.constant 0 : i32
      %dma_start3A_22 = arith.constant 0 : i32
      %dma_start3A_23 = tpu.memref_slice %arg2[%dma_start3A_21, %dma_start3A_22] : memref<4096x128xf32, #tpu.memory_space<hbm>> -> memref<4096x128xf32, #tpu.memory_space<hbm>>
      tpu.enqueue_indirect_dma source(%dma_start3A_23 : memref<4096x128xf32, #tpu.memory_space<hbm>>) target(%dma_start3A_17 : memref<128x128xf32, #tpu.memory_space<vmem>>) offsets(%dma_start3A_20 : memref<128xi32, #tpu.memory_space<vmem>>) semaphore(%arg12 : memref<!tpu.dma_semaphore, #tpu.memory_space<semaphore_mem>>)
      %mul3A_24 = arith.constant 5 : i32
      %mul3A_25 = arith.muli %scan3A_6, %mul3A_24 : i32
      %add3A_26 = arith.constant 1 : i32
      %add3A_27 = arith.addi %mul3A_25, %add3A_26 : i32
      %dma_start3A_28 = arith.constant 128 : i32
      %dma_start3A_29 = arith.constant 0 : i32
      %dma_start3A_30 = tpu.memref_slice %arg8[%dma_start3A_28, %dma_start3A_29] : memref<640x128xf32, #tpu.memory_space<vmem>> -> memref<128x128xf32, #tpu.memory_space<vmem>>
      %dma_start3A_31 = arith.constant 0 : i32
      %dma_start3A_32 = tpu.memref_slice %arg7[%add3A_27, %dma_start3A_31] : memref<20x128xi32, #tpu.memory_space<vmem>> -> memref<1x128xi32, #tpu.memory_space<vmem>>
      %dma_start3A_33 = tpu.memref_squeeze %dma_start3A_32 : memref<1x128xi32, #tpu.memory_space<vmem>> -> memref<128xi32, #tpu.memory_space<vmem>>
      %dma_start3A_34 = arith.constant 0 : i32
      %dma_start3A_35 = arith.constant 0 : i32
      %dma_start3A_36 = tpu.memref_slice %arg2[%dma_start3A_34, %dma_start3A_35] : memref<4096x128xf32, #tpu.memory_space<hbm>> -> memref<4096x128xf32, #tpu.memory_space<hbm>>
      tpu.enqueue_indirect_dma source(%dma_start3A_36 : memref<4096x128xf32, #tpu.memory_space<hbm>>) target(%dma_start3A_30 : memref<128x128xf32, #tpu.memory_space<vmem>>) offsets(%dma_start3A_33 : memref<128xi32, #tpu.memory_space<vmem>>) semaphore(%arg12 : memref<!tpu.dma_semaphore, #tpu.memory_space<semaphore_mem>>)
      %mul3A_37 = arith.constant 5 : i32
      %mul3A_38 = arith.muli %scan3A_6, %mul3A_37 : i32
      %add3A_39 = arith.constant 2 : i32
      %add3A_40 = arith.addi %mul3A_38, %add3A_39 : i32
      %dma_start3A_41 = arith.constant 256 : i32
      %dma_start3A_42 = arith.constant 0 : i32
      %dma_start3A_43 = tpu.memref_slice %arg8[%dma_start3A_41, %dma_start3A_42] : memref<640x128xf32, #tpu.memory_space<vmem>> -> memref<128x128xf32, #tpu.memory_space<vmem>>
      %dma_start3A_44 = arith.constant 0 : i32
      %dma_start3A_45 = tpu.memref_slice %arg7[%add3A_40, %dma_start3A_44] : memref<20x128xi32, #tpu.memory_space<vmem>> -> memref<1x128xi32, #tpu.memory_space<vmem>>
      %dma_start3A_46 = tpu.memref_squeeze %dma_start3A_45 : memref<1x128xi32, #tpu.memory_space<vmem>> -> memref<128xi32, #tpu.memory_space<vmem>>
      %dma_start3A_47 = arith.constant 0 : i32
      %dma_start3A_48 = arith.constant 0 : i32
      %dma_start3A_49 = tpu.memref_slice %arg2[%dma_start3A_47, %dma_start3A_48] : memref<4096x128xf32, #tpu.memory_space<hbm>> -> memref<4096x128xf32, #tpu.memory_space<hbm>>
      tpu.enqueue_indirect_dma source(%dma_start3A_49 : memref<4096x128xf32, #tpu.memory_space<hbm>>) target(%dma_start3A_43 : memref<128x128xf32, #tpu.memory_space<vmem>>) offsets(%dma_start3A_46 : memref<128xi32, #tpu.memory_space<vmem>>) semaphore(%arg12 : memref<!tpu.dma_semaphore, #tpu.memory_space<semaphore_mem>>)
      %mul3A_50 = arith.constant 5 : i32
      %mul3A_51 = arith.muli %scan3A_6, %mul3A_50 : i32
      %add3A_52 = arith.constant 3 : i32
      %add3A_53 = arith.addi %mul3A_51, %add3A_52 : i32
      %dma_start3A_54 = arith.constant 384 : i32
      %dma_start3A_55 = arith.constant 0 : i32
      %dma_start3A_56 = tpu.memref_slice %arg8[%dma_start3A_54, %dma_start3A_55] : memref<640x128xf32, #tpu.memory_space<vmem>> -> memref<128x128xf32, #tpu.memory_space<vmem>>
      %dma_start3A_57 = arith.constant 0 : i32
      %dma_start3A_58 = tpu.memref_slice %arg7[%add3A_53, %dma_start3A_57] : memref<20x128xi32, #tpu.memory_space<vmem>> -> memref<1x128xi32, #tpu.memory_space<vmem>>
      %dma_start3A_59 = tpu.memref_squeeze %dma_start3A_58 : memref<1x128xi32, #tpu.memory_space<vmem>> -> memref<128xi32, #tpu.memory_space<vmem>>
      %dma_start3A_60 = arith.constant 0 : i32
      %dma_start3A_61 = arith.constant 0 : i32
      %dma_start3A_62 = tpu.memref_slice %arg2[%dma_start3A_60, %dma_start3A_61] : memref<4096x128xf32, #tpu.memory_space<hbm>> -> memref<4096x128xf32, #tpu.memory_space<hbm>>
      tpu.enqueue_indirect_dma source(%dma_start3A_62 : memref<4096x128xf32, #tpu.memory_space<hbm>>) target(%dma_start3A_56 : memref<128x128xf32, #tpu.memory_space<vmem>>) offsets(%dma_start3A_59 : memref<128xi32, #tpu.memory_space<vmem>>) semaphore(%arg12 : memref<!tpu.dma_semaphore, #tpu.memory_space<semaphore_mem>>)
      %mul3A_63 = arith.constant 5 : i32
      %mul3A_64 = arith.muli %scan3A_6, %mul3A_63 : i32
      %add3A_65 = arith.constant 4 : i32
      %add3A_66 = arith.addi %mul3A_64, %add3A_65 : i32
      %dma_start3A_67 = arith.constant 512 : i32
      %dma_start3A_68 = arith.constant 0 : i32
      %dma_start3A_69 = tpu.memref_slice %arg8[%dma_start3A_67, %dma_start3A_68] : memref<640x128xf32, #tpu.memory_space<vmem>> -> memref<128x128xf32, #tpu.memory_space<vmem>>
      %dma_start3A_70 = arith.constant 0 : i32
      %dma_start3A_71 = tpu.memref_slice %arg7[%add3A_66, %dma_start3A_70] : memref<20x128xi32, #tpu.memory_space<vmem>> -> memref<1x128xi32, #tpu.memory_space<vmem>>
      %dma_start3A_72 = tpu.memref_squeeze %dma_start3A_71 : memref<1x128xi32, #tpu.memory_space<vmem>> -> memref<128xi32, #tpu.memory_space<vmem>>
      %dma_start3A_73 = arith.constant 0 : i32
      %dma_start3A_74 = arith.constant 0 : i32
      %dma_start3A_75 = tpu.memref_slice %arg2[%dma_start3A_73, %dma_start3A_74] : memref<4096x128xf32, #tpu.memory_space<hbm>> -> memref<4096x128xf32, #tpu.memory_space<hbm>>
      tpu.enqueue_indirect_dma source(%dma_start3A_75 : memref<4096x128xf32, #tpu.memory_space<hbm>>) target(%dma_start3A_69 : memref<128x128xf32, #tpu.memory_space<vmem>>) offsets(%dma_start3A_72 : memref<128xi32, #tpu.memory_space<vmem>>) semaphore(%arg12 : memref<!tpu.dma_semaphore, #tpu.memory_space<semaphore_mem>>)
      %dma_wait3A = arith.constant 0 : i32
      %dma_wait3A_76 = arith.constant 0 : i32
      %dma_wait3A_77 = tpu.memref_slice %arg8[%dma_wait3A, %dma_wait3A_76] : memref<640x128xf32, #tpu.memory_space<vmem>> -> memref<128x128xf32, #tpu.memory_space<vmem>>
      %dma_wait3A_78 = arith.constant 0 : i32
      %dma_wait3A_79 = tpu.memref_slice %arg7[%add3A_15, %dma_wait3A_78] : memref<20x128xi32, #tpu.memory_space<vmem>> -> memref<1x128xi32, #tpu.memory_space<vmem>>
      %dma_wait3A_80 = tpu.memref_squeeze %dma_wait3A_79 : memref<1x128xi32, #tpu.memory_space<vmem>> -> memref<128xi32, #tpu.memory_space<vmem>>
      %dma_wait3A_81 = arith.constant 0 : i32
      %dma_wait3A_82 = arith.constant 0 : i32
      %dma_wait3A_83 = tpu.memref_slice %arg2[%dma_wait3A_81, %dma_wait3A_82] : memref<4096x128xf32, #tpu.memory_space<hbm>> -> memref<4096x128xf32, #tpu.memory_space<hbm>>
      tpu.wait_indirect_dma semaphore(%arg12 : memref<!tpu.dma_semaphore, #tpu.memory_space<semaphore_mem>>) src(%dma_wait3A_83 : memref<4096x128xf32, #tpu.memory_space<hbm>>) dst(%dma_wait3A_77 : memref<128x128xf32, #tpu.memory_space<vmem>>)
      %dma_wait3A_84 = arith.constant 128 : i32
      %dma_wait3A_85 = arith.constant 0 : i32
      %dma_wait3A_86 = tpu.memref_slice %arg8[%dma_wait3A_84, %dma_wait3A_85] : memref<640x128xf32, #tpu.memory_space<vmem>> -> memref<128x128xf32, #tpu.memory_space<vmem>>
      %dma_wait3A_87 = arith.constant 0 : i32
      %dma_wait3A_88 = tpu.memref_slice %arg7[%add3A_27, %dma_wait3A_87] : memref<20x128xi32, #tpu.memory_space<vmem>> -> memref<1x128xi32, #tpu.memory_space<vmem>>
      %dma_wait3A_89 = tpu.memref_squeeze %dma_wait3A_88 : memref<1x128xi32, #tpu.memory_space<vmem>> -> memref<128xi32, #tpu.memory_space<vmem>>
      %dma_wait3A_90 = arith.constant 0 : i32
      %dma_wait3A_91 = arith.constant 0 : i32
      %dma_wait3A_92 = tpu.memref_slice %arg2[%dma_wait3A_90, %dma_wait3A_91] : memref<4096x128xf32, #tpu.memory_space<hbm>> -> memref<4096x128xf32, #tpu.memory_space<hbm>>
      tpu.wait_indirect_dma semaphore(%arg12 : memref<!tpu.dma_semaphore, #tpu.memory_space<semaphore_mem>>) src(%dma_wait3A_92 : memref<4096x128xf32, #tpu.memory_space<hbm>>) dst(%dma_wait3A_86 : memref<128x128xf32, #tpu.memory_space<vmem>>)
      %dma_wait3A_93 = arith.constant 256 : i32
      %dma_wait3A_94 = arith.constant 0 : i32
      %dma_wait3A_95 = tpu.memref_slice %arg8[%dma_wait3A_93, %dma_wait3A_94] : memref<640x128xf32, #tpu.memory_space<vmem>> -> memref<128x128xf32, #tpu.memory_space<vmem>>
      %dma_wait3A_96 = arith.constant 0 : i32
      %dma_wait3A_97 = tpu.memref_slice %arg7[%add3A_40, %dma_wait3A_96] : memref<20x128xi32, #tpu.memory_space<vmem>> -> memref<1x128xi32, #tpu.memory_space<vmem>>
      %dma_wait3A_98 = tpu.memref_squeeze %dma_wait3A_97 : memref<1x128xi32, #tpu.memory_space<vmem>> -> memref<128xi32, #tpu.memory_space<vmem>>
      %dma_wait3A_99 = arith.constant 0 : i32
      %dma_wait3A_100 = arith.constant 0 : i32
      %dma_wait3A_101 = tpu.memref_slice %arg2[%dma_wait3A_99, %dma_wait3A_100] : memref<4096x128xf32, #tpu.memory_space<hbm>> -> memref<4096x128xf32, #tpu.memory_space<hbm>>
      tpu.wait_indirect_dma semaphore(%arg12 : memref<!tpu.dma_semaphore, #tpu.memory_space<semaphore_mem>>) src(%dma_wait3A_101 : memref<4096x128xf32, #tpu.memory_space<hbm>>) dst(%dma_wait3A_95 : memref<128x128xf32, #tpu.memory_space<vmem>>)
      %dma_wait3A_102 = arith.constant 384 : i32
      %dma_wait3A_103 = arith.constant 0 : i32
      %dma_wait3A_104 = tpu.memref_slice %arg8[%dma_wait3A_102, %dma_wait3A_103] : memref<640x128xf32, #tpu.memory_space<vmem>> -> memref<128x128xf32, #tpu.memory_space<vmem>>
      %dma_wait3A_105 = arith.constant 0 : i32
      %dma_wait3A_106 = tpu.memref_slice %arg7[%add3A_53, %dma_wait3A_105] : memref<20x128xi32, #tpu.memory_space<vmem>> -> memref<1x128xi32, #tpu.memory_space<vmem>>
      %dma_wait3A_107 = tpu.memref_squeeze %dma_wait3A_106 : memref<1x128xi32, #tpu.memory_space<vmem>> -> memref<128xi32, #tpu.memory_space<vmem>>
      %dma_wait3A_108 = arith.constant 0 : i32
      %dma_wait3A_109 = arith.constant 0 : i32
      %dma_wait3A_110 = tpu.memref_slice %arg2[%dma_wait3A_108, %dma_wait3A_109] : memref<4096x128xf32, #tpu.memory_space<hbm>> -> memref<4096x128xf32, #tpu.memory_space<hbm>>
      tpu.wait_indirect_dma semaphore(%arg12 : memref<!tpu.dma_semaphore, #tpu.memory_space<semaphore_mem>>) src(%dma_wait3A_110 : memref<4096x128xf32, #tpu.memory_space<hbm>>) dst(%dma_wait3A_104 : memref<128x128xf32, #tpu.memory_space<vmem>>)
      %dma_wait3A_111 = arith.constant 512 : i32
      %dma_wait3A_112 = arith.constant 0 : i32
      %dma_wait3A_113 = tpu.memref_slice %arg8[%dma_wait3A_111, %dma_wait3A_112] : memref<640x128xf32, #tpu.memory_space<vmem>> -> memref<128x128xf32, #tpu.memory_space<vmem>>
      %dma_wait3A_114 = arith.constant 0 : i32
      %dma_wait3A_115 = tpu.memref_slice %arg7[%add3A_66, %dma_wait3A_114] : memref<20x128xi32, #tpu.memory_space<vmem>> -> memref<1x128xi32, #tpu.memory_space<vmem>>
      %dma_wait3A_116 = tpu.memref_squeeze %dma_wait3A_115 : memref<1x128xi32, #tpu.memory_space<vmem>> -> memref<128xi32, #tpu.memory_space<vmem>>
      %dma_wait3A_117 = arith.constant 0 : i32
      %dma_wait3A_118 = arith.constant 0 : i32
      %dma_wait3A_119 = tpu.memref_slice %arg2[%dma_wait3A_117, %dma_wait3A_118] : memref<4096x128xf32, #tpu.memory_space<hbm>> -> memref<4096x128xf32, #tpu.memory_space<hbm>>
      tpu.wait_indirect_dma semaphore(%arg12 : memref<!tpu.dma_semaphore, #tpu.memory_space<semaphore_mem>>) src(%dma_wait3A_119 : memref<4096x128xf32, #tpu.memory_space<hbm>>) dst(%dma_wait3A_113 : memref<128x128xf32, #tpu.memory_space<vmem>>)
      %scan3A_120 = arith.constant 0 : i32
      %scan3A_121 = arith.constant 0 : i32
      %scan3A_122 = arith.constant 32 : i32
      %scan3A_123 = arith.addi %scan3A_121, %scan3A_122 : i32
      %scan3A_124 = arith.constant 1 : i32
      scf.for %scan3A_126 = %scan3A_121 to %scan3A_123 step %scan3A_124  : i32 {
        %mul3A_127 = arith.constant 20 : i32
        %mul3A_128 = arith.muli %scan3A_126, %mul3A_127 : i32
        %get3A = arith.index_cast %mul3A_128 : i32 to index
        %get3A_129 = arith.constant 0 : index
        %get3A_130 = tpu.vector_load %arg8[%get3A, %get3A_129] {strides = array<i32>} : memref<640x128xf32, #tpu.memory_space<vmem>>, vector<1x16xf32>,
        %get3A_131 = vector.shape_cast %get3A_130 : vector<1x16xf32> to vector<16xf32>
        %mul3A_132 = arith.mulf %get3A_131, %get3A_131 : vector<16xf32>
        %add3A_133 = arith.constant 1 : i32
        %add3A_134 = arith.addi %mul3A_128, %add3A_133 : i32
        %get3A_135 = arith.index_cast %add3A_134 : i32 to index
        %get3A_136 = arith.constant 0 : index
        %get3A_137 = tpu.vector_load %arg8[%get3A_135, %get3A_136] {strides = array<i32>} : memref<640x128xf32, #tpu.memory_space<vmem>>, vector<1x16xf32>,
        %get3A_138 = vector.shape_cast %get3A_137 : vector<1x16xf32> to vector<16xf32>
        %add3A_139 = arith.addf %get3A_131, %get3A_138 : vector<16xf32>
        %mul3A_140 = arith.mulf %get3A_138, %get3A_138 : vector<16xf32>
        %add3A_141 = arith.addf %mul3A_132, %mul3A_140 : vector<16xf32>
        %max3A = arith.maximumf %get3A_131, %get3A_138 : vector<16xf32>
        %add3A_142 = arith.constant 2 : i32
        %add3A_143 = arith.addi %mul3A_128, %add3A_142 : i32
        %get3A_144 = arith.index_cast %add3A_143 : i32 to index
        %get3A_145 = arith.constant 0 : index
        %get3A_146 = tpu.vector_load %arg8[%get3A_144, %get3A_145] {strides = array<i32>} : memref<640x128xf32, #tpu.memory_space<vmem>>, vector<1x16xf32>,
        %get3A_147 = vector.shape_cast %get3A_146 : vector<1x16xf32> to vector<16xf32>
        %add3A_148 = arith.addf %add3A_139, %get3A_147 : vector<16xf32>
        %mul3A_149 = arith.mulf %get3A_147, %get3A_147 : vector<16xf32>
        %add3A_150 = arith.addf %add3A_141, %mul3A_149 : vector<16xf32>
        %max3A_151 = arith.maximumf %max3A, %get3A_147 : vector<16xf32>
        %add3A_152 = arith.constant 3 : i32
        %add3A_153 = arith.addi %mul3A_128, %add3A_152 : i32
        %get3A_154 = arith.index_cast %add3A_153 : i32 to index
        %get3A_155 = arith.constant 0 : index
        %get3A_156 = tpu.vector_load %arg8[%get3A_154, %get3A_155] {strides = array<i32>} : memref<640x128xf32, #tpu.memory_space<vmem>>, vector<1x16xf32>,
        %get3A_157 = vector.shape_cast %get3A_156 : vector<1x16xf32> to vector<16xf32>
        %add3A_158 = arith.addf %add3A_148, %get3A_157 : vector<16xf32>
        %mul3A_159 = arith.mulf %get3A_157, %get3A_157 : vector<16xf32>
        %add3A_160 = arith.addf %add3A_150, %mul3A_159 : vector<16xf32>
        %max3A_161 = arith.maximumf %max3A_151, %get3A_157 : vector<16xf32>
        %add3A_162 = arith.constant 4 : i32
        %add3A_163 = arith.addi %mul3A_128, %add3A_162 : i32
        %get3A_164 = arith.index_cast %add3A_163 : i32 to index
        %get3A_165 = arith.constant 0 : index
        %get3A_166 = tpu.vector_load %arg8[%get3A_164, %get3A_165] {strides = array<i32>} : memref<640x128xf32, #tpu.memory_space<vmem>>, vector<1x16xf32>,
        %get3A_167 = vector.shape_cast %get3A_166 : vector<1x16xf32> to vector<16xf32>
        %add3A_168 = arith.addf %add3A_158, %get3A_167 : vector<16xf32>
        %mul3A_169 = arith.mulf %get3A_167, %get3A_167 : vector<16xf32>
        %add3A_170 = arith.addf %add3A_160, %mul3A_169 : vector<16xf32>
        %max3A_171 = arith.maximumf %max3A_161, %get3A_167 : vector<16xf32>
        %add3A_172 = arith.constant 5 : i32
        %add3A_173 = arith.addi %mul3A_128, %add3A_172 : i32
        %get3A_174 = arith.index_cast %add3A_173 : i32 to index
        %get3A_175 = arith.constant 0 : index
        %get3A_176 = tpu.vector_load %arg8[%get3A_174, %get3A_175] {strides = array<i32>} : memref<640x128xf32, #tpu.memory_space<vmem>>, vector<1x16xf32>,
        %get3A_177 = vector.shape_cast %get3A_176 : vector<1x16xf32> to vector<16xf32>
        %add3A_178 = arith.addf %add3A_168, %get3A_177 : vector<16xf32>
        %mul3A_179 = arith.mulf %get3A_177, %get3A_177 : vector<16xf32>
        %add3A_180 = arith.addf %add3A_170, %mul3A_179 : vector<16xf32>
        %max3A_181 = arith.maximumf %max3A_171, %get3A_177 : vector<16xf32>
        %add3A_182 = arith.constant 6 : i32
        %add3A_183 = arith.addi %mul3A_128, %add3A_182 : i32
        %get3A_184 = arith.index_cast %add3A_183 : i32 to index
        %get3A_185 = arith.constant 0 : index
        %get3A_186 = tpu.vector_load %arg8[%get3A_184, %get3A_185] {strides = array<i32>} : memref<640x128xf32, #tpu.memory_space<vmem>>, vector<1x16xf32>,
        %get3A_187 = vector.shape_cast %get3A_186 : vector<1x16xf32> to vector<16xf32>
        %add3A_188 = arith.addf %add3A_178, %get3A_187 : vector<16xf32>
        %mul3A_189 = arith.mulf %get3A_187, %get3A_187 : vector<16xf32>
        %add3A_190 = arith.addf %add3A_180, %mul3A_189 : vector<16xf32>
        %max3A_191 = arith.maximumf %max3A_181, %get3A_187 : vector<16xf32>
        %add3A_192 = arith.constant 7 : i32
        %add3A_193 = arith.addi %mul3A_128, %add3A_192 : i32
        %get3A_194 = arith.index_cast %add3A_193 : i32 to index
        %get3A_195 = arith.constant 0 : index
        %get3A_196 = tpu.vector_load %arg8[%get3A_194, %get3A_195] {strides = array<i32>} : memref<640x128xf32, #tpu.memory_space<vmem>>, vector<1x16xf32>,
        %get3A_197 = vector.shape_cast %get3A_196 : vector<1x16xf32> to vector<16xf32>
        %add3A_198 = arith.addf %add3A_188, %get3A_197 : vector<16xf32>
        %mul3A_199 = arith.mulf %get3A_197, %get3A_197 : vector<16xf32>
        %add3A_200 = arith.addf %add3A_190, %mul3A_199 : vector<16xf32>
        %max3A_201 = arith.maximumf %max3A_191, %get3A_197 : vector<16xf32>
        %add3A_202 = arith.constant 8 : i32
        %add3A_203 = arith.addi %mul3A_128, %add3A_202 : i32
        %get3A_204 = arith.index_cast %add3A_203 : i32 to index
        %get3A_205 = arith.constant 0 : index
        %get3A_206 = tpu.vector_load %arg8[%get3A_204, %get3A_205] {strides = array<i32>} : memref<640x128xf32, #tpu.memory_space<vmem>>, vector<1x16xf32>,
        %get3A_207 = vector.shape_cast %get3A_206 : vector<1x16xf32> to vector<16xf32>
        %add3A_208 = arith.addf %add3A_198, %get3A_207 : vector<16xf32>
        %mul3A_209 = arith.mulf %get3A_207, %get3A_207 : vector<16xf32>
        %add3A_210 = arith.addf %add3A_200, %mul3A_209 : vector<16xf32>
        %max3A_211 = arith.maximumf %max3A_201, %get3A_207 : vector<16xf32>
        %add3A_212 = arith.constant 9 : i32
        %add3A_213 = arith.addi %mul3A_128, %add3A_212 : i32
        %get3A_214 = arith.index_cast %add3A_213 : i32 to index
        %get3A_215 = arith.constant 0 : index
        %get3A_216 = tpu.vector_load %arg8[%get3A_214, %get3A_215] {strides = array<i32>} : memref<640x128xf32, #tpu.memory_space<vmem>>, vector<1x16xf32>,
        %get3A_217 = vector.shape_cast %get3A_216 : vector<1x16xf32> to vector<16xf32>
        %add3A_218 = arith.addf %add3A_208, %get3A_217 : vector<16xf32>
        %mul3A_219 = arith.mulf %get3A_217, %get3A_217 : vector<16xf32>
        %add3A_220 = arith.addf %add3A_210, %mul3A_219 : vector<16xf32>
        %max3A_221 = arith.maximumf %max3A_211, %get3A_217 : vector<16xf32>
        %add3A_222 = arith.constant 10 : i32
        %add3A_223 = arith.addi %mul3A_128, %add3A_222 : i32
        %get3A_224 = arith.index_cast %add3A_223 : i32 to index
        %get3A_225 = arith.constant 0 : index
        %get3A_226 = tpu.vector_load %arg8[%get3A_224, %get3A_225] {strides = array<i32>} : memref<640x128xf32, #tpu.memory_space<vmem>>, vector<1x16xf32>,
        %get3A_227 = vector.shape_cast %get3A_226 : vector<1x16xf32> to vector<16xf32>
        %add3A_228 = arith.addf %add3A_218, %get3A_227 : vector<16xf32>
        %mul3A_229 = arith.mulf %get3A_227, %get3A_227 : vector<16xf32>
        %add3A_230 = arith.addf %add3A_220, %mul3A_229 : vector<16xf32>
        %max3A_231 = arith.maximumf %max3A_221, %get3A_227 : vector<16xf32>
        %add3A_232 = arith.constant 11 : i32
        %add3A_233 = arith.addi %mul3A_128, %add3A_232 : i32
        %get3A_234 = arith.index_cast %add3A_233 : i32 to index
        %get3A_235 = arith.constant 0 : index
        %get3A_236 = tpu.vector_load %arg8[%get3A_234, %get3A_235] {strides = array<i32>} : memref<640x128xf32, #tpu.memory_space<vmem>>, vector<1x16xf32>,
        %get3A_237 = vector.shape_cast %get3A_236 : vector<1x16xf32> to vector<16xf32>
        %add3A_238 = arith.addf %add3A_228, %get3A_237 : vector<16xf32>
        %mul3A_239 = arith.mulf %get3A_237, %get3A_237 : vector<16xf32>
        %add3A_240 = arith.addf %add3A_230, %mul3A_239 : vector<16xf32>
        %max3A_241 = arith.maximumf %max3A_231, %get3A_237 : vector<16xf32>
        %add3A_242 = arith.constant 12 : i32
        %add3A_243 = arith.addi %mul3A_128, %add3A_242 : i32
        %get3A_244 = arith.index_cast %add3A_243 : i32 to index
        %get3A_245 = arith.constant 0 : index
        %get3A_246 = tpu.vector_load %arg8[%get3A_244, %get3A_245] {strides = array<i32>} : memref<640x128xf32, #tpu.memory_space<vmem>>, vector<1x16xf32>,
        %get3A_247 = vector.shape_cast %get3A_246 : vector<1x16xf32> to vector<16xf32>
        %add3A_248 = arith.addf %add3A_238, %get3A_247 : vector<16xf32>
        %mul3A_249 = arith.mulf %get3A_247, %get3A_247 : vector<16xf32>
        %add3A_250 = arith.addf %add3A_240, %mul3A_249 : vector<16xf32>
        %max3A_251 = arith.maximumf %max3A_241, %get3A_247 : vector<16xf32>
        %add3A_252 = arith.constant 13 : i32
        %add3A_253 = arith.addi %mul3A_128, %add3A_252 : i32
        %get3A_254 = arith.index_cast %add3A_253 : i32 to index
        %get3A_255 = arith.constant 0 : index
        %get3A_256 = tpu.vector_load %arg8[%get3A_254, %get3A_255] {strides = array<i32>} : memref<640x128xf32, #tpu.memory_space<vmem>>, vector<1x16xf32>,
        %get3A_257 = vector.shape_cast %get3A_256 : vector<1x16xf32> to vector<16xf32>
        %add3A_258 = arith.addf %add3A_248, %get3A_257 : vector<16xf32>
        %mul3A_259 = arith.mulf %get3A_257, %get3A_257 : vector<16xf32>
        %add3A_260 = arith.addf %add3A_250, %mul3A_259 : vector<16xf32>
        %max3A_261 = arith.maximumf %max3A_251, %get3A_257 : vector<16xf32>
        %add3A_262 = arith.constant 14 : i32
        %add3A_263 = arith.addi %mul3A_128, %add3A_262 : i32
        %get3A_264 = arith.index_cast %add3A_263 : i32 to index
        %get3A_265 = arith.constant 0 : index
        %get3A_266 = tpu.vector_load %arg8[%get3A_264, %get3A_265] {strides = array<i32>} : memref<640x128xf32, #tpu.memory_space<vmem>>, vector<1x16xf32>,
        %get3A_267 = vector.shape_cast %get3A_266 : vector<1x16xf32> to vector<16xf32>
        %add3A_268 = arith.addf %add3A_258, %get3A_267 : vector<16xf32>
        %mul3A_269 = arith.mulf %get3A_267, %get3A_267 : vector<16xf32>
        %add3A_270 = arith.addf %add3A_260, %mul3A_269 : vector<16xf32>
        %max3A_271 = arith.maximumf %max3A_261, %get3A_267 : vector<16xf32>
        %add3A_272 = arith.constant 15 : i32
        %add3A_273 = arith.addi %mul3A_128, %add3A_272 : i32
        %get3A_274 = arith.index_cast %add3A_273 : i32 to index
        %get3A_275 = arith.constant 0 : index
        %get3A_276 = tpu.vector_load %arg8[%get3A_274, %get3A_275] {strides = array<i32>} : memref<640x128xf32, #tpu.memory_space<vmem>>, vector<1x16xf32>,
        %get3A_277 = vector.shape_cast %get3A_276 : vector<1x16xf32> to vector<16xf32>
        %add3A_278 = arith.addf %add3A_268, %get3A_277 : vector<16xf32>
        %mul3A_279 = arith.mulf %get3A_277, %get3A_277 : vector<16xf32>
        %add3A_280 = arith.addf %add3A_270, %mul3A_279 : vector<16xf32>
        %max3A_281 = arith.maximumf %max3A_271, %get3A_277 : vector<16xf32>
        %add3A_282 = arith.constant 16 : i32
        %add3A_283 = arith.addi %mul3A_128, %add3A_282 : i32
        %get3A_284 = arith.index_cast %add3A_283 : i32 to index
        %get3A_285 = arith.constant 0 : index
        %get3A_286 = tpu.vector_load %arg8[%get3A_284, %get3A_285] {strides = array<i32>} : memref<640x128xf32, #tpu.memory_space<vmem>>, vector<1x16xf32>,
        %get3A_287 = vector.shape_cast %get3A_286 : vector<1x16xf32> to vector<16xf32>
        %add3A_288 = arith.addf %add3A_278, %get3A_287 : vector<16xf32>
        %mul3A_289 = arith.mulf %get3A_287, %get3A_287 : vector<16xf32>
        %add3A_290 = arith.addf %add3A_280, %mul3A_289 : vector<16xf32>
        %max3A_291 = arith.maximumf %max3A_281, %get3A_287 : vector<16xf32>
        %add3A_292 = arith.constant 17 : i32
        %add3A_293 = arith.addi %mul3A_128, %add3A_292 : i32
        %get3A_294 = arith.index_cast %add3A_293 : i32 to index
        %get3A_295 = arith.constant 0 : index
        %get3A_296 = tpu.vector_load %arg8[%get3A_294, %get3A_295] {strides = array<i32>} : memref<640x128xf32, #tpu.memory_space<vmem>>, vector<1x16xf32>,
        %get3A_297 = vector.shape_cast %get3A_296 : vector<1x16xf32> to vector<16xf32>
        %add3A_298 = arith.addf %add3A_288, %get3A_297 : vector<16xf32>
        %mul3A_299 = arith.mulf %get3A_297, %get3A_297 : vector<16xf32>
        %add3A_300 = arith.addf %add3A_290, %mul3A_299 : vector<16xf32>
        %max3A_301 = arith.maximumf %max3A_291, %get3A_297 : vector<16xf32>
        %add3A_302 = arith.constant 18 : i32
        %add3A_303 = arith.addi %mul3A_128, %add3A_302 : i32
        %get3A_304 = arith.index_cast %add3A_303 : i32 to index
        %get3A_305 = arith.constant 0 : index
        %get3A_306 = tpu.vector_load %arg8[%get3A_304, %get3A_305] {strides = array<i32>} : memref<640x128xf32, #tpu.memory_space<vmem>>, vector<1x16xf32>,
        %get3A_307 = vector.shape_cast %get3A_306 : vector<1x16xf32> to vector<16xf32>
        %add3A_308 = arith.addf %add3A_298, %get3A_307 : vector<16xf32>
        %mul3A_309 = arith.mulf %get3A_307, %get3A_307 : vector<16xf32>
        %add3A_310 = arith.addf %add3A_300, %mul3A_309 : vector<16xf32>
        %max3A_311 = arith.maximumf %max3A_301, %get3A_307 : vector<16xf32>
        %add3A_312 = arith.constant 19 : i32
        %add3A_313 = arith.addi %mul3A_128, %add3A_312 : i32
        %get3A_314 = arith.index_cast %add3A_313 : i32 to index
        %get3A_315 = arith.constant 0 : index
        %get3A_316 = tpu.vector_load %arg8[%get3A_314, %get3A_315] {strides = array<i32>} : memref<640x128xf32, #tpu.memory_space<vmem>>, vector<1x16xf32>,
        %get3A_317 = vector.shape_cast %get3A_316 : vector<1x16xf32> to vector<16xf32>
        %add3A_318 = arith.addf %add3A_308, %get3A_317 : vector<16xf32>
        %mul3A_319 = arith.mulf %get3A_317, %get3A_317 : vector<16xf32>
        %add3A_320 = arith.addf %add3A_310, %mul3A_319 : vector<16xf32>
        %max3A_321 = arith.maximumf %max3A_311, %get3A_317 : vector<16xf32>
        %swap3A = arith.index_cast %scan3A_126 : i32 to index
        %swap3A_322 = arith.constant 0 : index
        %swap3A_323 = tpu.vector_load %arg9[%swap3A, %swap3A_322] {strides = array<i32>} : memref<32x32xf32, #tpu.memory_space<vmem>>, vector<1x16xf32>,
        %swap3A_324 = vector.shape_cast %swap3A_323 : vector<1x16xf32> to vector<16xf32>
        %swap3A_325 = vector.shape_cast %add3A_318 : vector<16xf32> to vector<1x16xf32>
        tpu.vector_store %arg9[%swap3A, %swap3A_322], %swap3A_325 {strides = array<i32>} : memref<32x32xf32, #tpu.memory_space<vmem>>, vector<1x16xf32>,
        %swap3A_326 = arith.index_cast %scan3A_126 : i32 to index
        %swap3A_327 = arith.constant 0 : index
        %swap3A_328 = tpu.vector_load %arg10[%swap3A_326, %swap3A_327] {strides = array<i32>} : memref<32x32xf32, #tpu.memory_space<vmem>>, vector<1x16xf32>,
        %swap3A_329 = vector.shape_cast %swap3A_328 : vector<1x16xf32> to vector<16xf32>
        %swap3A_330 = vector.shape_cast %add3A_320 : vector<16xf32> to vector<1x16xf32>
        tpu.vector_store %arg10[%swap3A_326, %swap3A_327], %swap3A_330 {strides = array<i32>} : memref<32x32xf32, #tpu.memory_space<vmem>>, vector<1x16xf32>,
        %swap3A_331 = arith.index_cast %scan3A_126 : i32 to index
        %swap3A_332 = arith.constant 0 : index
        %swap3A_333 = tpu.vector_load %arg11[%swap3A_331, %swap3A_332] {strides = array<i32>} : memref<32x32xf32, #tpu.memory_space<vmem>>, vector<1x16xf32>,
        %swap3A_334 = vector.shape_cast %swap3A_333 : vector<1x16xf32> to vector<16xf32>
        %swap3A_335 = vector.shape_cast %max3A_321 : vector<16xf32> to vector<1x16xf32>
        tpu.vector_store %arg11[%swap3A_331, %swap3A_332], %swap3A_335 {strides = array<i32>} : memref<32x32xf32, #tpu.memory_space<vmem>>, vector<1x16xf32>,
        %get3A_336 = arith.index_cast %mul3A_128 : i32 to index
        %get3A_337 = arith.constant 16 : index
        %get3A_338 = tpu.vector_load %arg8[%get3A_336, %get3A_337] {strides = array<i32>} : memref<640x128xf32, #tpu.memory_space<vmem>>, vector<1x16xf32>,
        %get3A_339 = vector.shape_cast %get3A_338 : vector<1x16xf32> to vector<16xf32>
        %mul3A_340 = arith.mulf %get3A_339, %get3A_339 : vector<16xf32>
        %add3A_341 = arith.constant 1 : i32
        %add3A_342 = arith.addi %mul3A_128, %add3A_341 : i32
        %get3A_343 = arith.index_cast %add3A_342 : i32 to index
        %get3A_344 = arith.constant 16 : index
        %get3A_345 = tpu.vector_load %arg8[%get3A_343, %get3A_344] {strides = array<i32>} : memref<640x128xf32, #tpu.memory_space<vmem>>, vector<1x16xf32>,
        %get3A_346 = vector.shape_cast %get3A_345 : vector<1x16xf32> to vector<16xf32>
        %add3A_347 = arith.addf %get3A_339, %get3A_346 : vector<16xf32>
        %mul3A_348 = arith.mulf %get3A_346, %get3A_346 : vector<16xf32>
        %add3A_349 = arith.addf %mul3A_340, %mul3A_348 : vector<16xf32>
        %max3A_350 = arith.maximumf %get3A_339, %get3A_346 : vector<16xf32>
        %add3A_351 = arith.constant 2 : i32
        %add3A_352 = arith.addi %mul3A_128, %add3A_351 : i32
        %get3A_353 = arith.index_cast %add3A_352 : i32 to index
        %get3A_354 = arith.constant 16 : index
        %get3A_355 = tpu.vector_load %arg8[%get3A_353, %get3A_354] {strides = array<i32>} : memref<640x128xf32, #tpu.memory_space<vmem>>, vector<1x16xf32>,
        %get3A_356 = vector.shape_cast %get3A_355 : vector<1x16xf32> to vector<16xf32>
        %add3A_357 = arith.addf %add3A_347, %get3A_356 : vector<16xf32>
        %mul3A_358 = arith.mulf %get3A_356, %get3A_356 : vector<16xf32>
        %add3A_359 = arith.addf %add3A_349, %mul3A_358 : vector<16xf32>
        %max3A_360 = arith.maximumf %max3A_350, %get3A_356 : vector<16xf32>
        %add3A_361 = arith.constant 3 : i32
        %add3A_362 = arith.addi %mul3A_128, %add3A_361 : i32
        %get3A_363 = arith.index_cast %add3A_362 : i32 to index
        %get3A_364 = arith.constant 16 : index
        %get3A_365 = tpu.vector_load %arg8[%get3A_363, %get3A_364] {strides = array<i32>} : memref<640x128xf32, #tpu.memory_space<vmem>>, vector<1x16xf32>,
        %get3A_366 = vector.shape_cast %get3A_365 : vector<1x16xf32> to vector<16xf32>
        %add3A_367 = arith.addf %add3A_357, %get3A_366 : vector<16xf32>
        %mul3A_368 = arith.mulf %get3A_366, %get3A_366 : vector<16xf32>
        %add3A_369 = arith.addf %add3A_359, %mul3A_368 : vector<16xf32>
        %max3A_370 = arith.maximumf %max3A_360, %get3A_366 : vector<16xf32>
        %add3A_371 = arith.constant 4 : i32
        %add3A_372 = arith.addi %mul3A_128, %add3A_371 : i32
        %get3A_373 = arith.index_cast %add3A_372 : i32 to index
        %get3A_374 = arith.constant 16 : index
        %get3A_375 = tpu.vector_load %arg8[%get3A_373, %get3A_374] {strides = array<i32>} : memref<640x128xf32, #tpu.memory_space<vmem>>, vector<1x16xf32>,
        %get3A_376 = vector.shape_cast %get3A_375 : vector<1x16xf32> to vector<16xf32>
        %add3A_377 = arith.addf %add3A_367, %get3A_376 : vector<16xf32>
        %mul3A_378 = arith.mulf %get3A_376, %get3A_376 : vector<16xf32>
        %add3A_379 = arith.addf %add3A_369, %mul3A_378 : vector<16xf32>
        %max3A_380 = arith.maximumf %max3A_370, %get3A_376 : vector<16xf32>
        %add3A_381 = arith.constant 5 : i32
        %add3A_382 = arith.addi %mul3A_128, %add3A_381 : i32
        %get3A_383 = arith.index_cast %add3A_382 : i32 to index
        %get3A_384 = arith.constant 16 : index
        %get3A_385 = tpu.vector_load %arg8[%get3A_383, %get3A_384] {strides = array<i32>} : memref<640x128xf32, #tpu.memory_space<vmem>>, vector<1x16xf32>,
        %get3A_386 = vector.shape_cast %get3A_385 : vector<1x16xf32> to vector<16xf32>
        %add3A_387 = arith.addf %add3A_377, %get3A_386 : vector<16xf32>
        %mul3A_388 = arith.mulf %get3A_386, %get3A_386 : vector<16xf32>
        %add3A_389 = arith.addf %add3A_379, %mul3A_388 : vector<16xf32>
        %max3A_390 = arith.maximumf %max3A_380, %get3A_386 : vector<16xf32>
        %add3A_391 = arith.constant 6 : i32
        %add3A_392 = arith.addi %mul3A_128, %add3A_391 : i32
        %get3A_393 = arith.index_cast %add3A_392 : i32 to index
        %get3A_394 = arith.constant 16 : index
        %get3A_395 = tpu.vector_load %arg8[%get3A_393, %get3A_394] {strides = array<i32>} : memref<640x128xf32, #tpu.memory_space<vmem>>, vector<1x16xf32>,
        %get3A_396 = vector.shape_cast %get3A_395 : vector<1x16xf32> to vector<16xf32>
        %add3A_397 = arith.addf %add3A_387, %get3A_396 : vector<16xf32>
        %mul3A_398 = arith.mulf %get3A_396, %get3A_396 : vector<16xf32>
        %add3A_399 = arith.addf %add3A_389, %mul3A_398 : vector<16xf32>
        %max3A_400 = arith.maximumf %max3A_390, %get3A_396 : vector<16xf32>
        %add3A_401 = arith.constant 7 : i32
        %add3A_402 = arith.addi %mul3A_128, %add3A_401 : i32
        %get3A_403 = arith.index_cast %add3A_402 : i32 to index
        %get3A_404 = arith.constant 16 : index
        %get3A_405 = tpu.vector_load %arg8[%get3A_403, %get3A_404] {strides = array<i32>} : memref<640x128xf32, #tpu.memory_space<vmem>>, vector<1x16xf32>,
        %get3A_406 = vector.shape_cast %get3A_405 : vector<1x16xf32> to vector<16xf32>
        %add3A_407 = arith.addf %add3A_397, %get3A_406 : vector<16xf32>
        %mul3A_408 = arith.mulf %get3A_406, %get3A_406 : vector<16xf32>
        %add3A_409 = arith.addf %add3A_399, %mul3A_408 : vector<16xf32>
        %max3A_410 = arith.maximumf %max3A_400, %get3A_406 : vector<16xf32>
        %add3A_411 = arith.constant 8 : i32
        %add3A_412 = arith.addi %mul3A_128, %add3A_411 : i32
        %get3A_413 = arith.index_cast %add3A_412 : i32 to index
        %get3A_414 = arith.constant 16 : index
        %get3A_415 = tpu.vector_load %arg8[%get3A_413, %get3A_414] {strides = array<i32>} : memref<640x128xf32, #tpu.memory_space<vmem>>, vector<1x16xf32>,
        %get3A_416 = vector.shape_cast %get3A_415 : vector<1x16xf32> to vector<16xf32>
        %add3A_417 = arith.addf %add3A_407, %get3A_416 : vector<16xf32>
        %mul3A_418 = arith.mulf %get3A_416, %get3A_416 : vector<16xf32>
        %add3A_419 = arith.addf %add3A_409, %mul3A_418 : vector<16xf32>
        %max3A_420 = arith.maximumf %max3A_410, %get3A_416 : vector<16xf32>
        %add3A_421 = arith.constant 9 : i32
        %add3A_422 = arith.addi %mul3A_128, %add3A_421 : i32
        %get3A_423 = arith.index_cast %add3A_422 : i32 to index
        %get3A_424 = arith.constant 16 : index
        %get3A_425 = tpu.vector_load %arg8[%get3A_423, %get3A_424] {strides = array<i32>} : memref<640x128xf32, #tpu.memory_space<vmem>>, vector<1x16xf32>,
        %get3A_426 = vector.shape_cast %get3A_425 : vector<1x16xf32> to vector<16xf32>
        %add3A_427 = arith.addf %add3A_417, %get3A_426 : vector<16xf32>
        %mul3A_428 = arith.mulf %get3A_426, %get3A_426 : vector<16xf32>
        %add3A_429 = arith.addf %add3A_419, %mul3A_428 : vector<16xf32>
        %max3A_430 = arith.maximumf %max3A_420, %get3A_426 : vector<16xf32>
        %add3A_431 = arith.constant 10 : i32
        %add3A_432 = arith.addi %mul3A_128, %add3A_431 : i32
        %get3A_433 = arith.index_cast %add3A_432 : i32 to index
        %get3A_434 = arith.constant 16 : index
        %get3A_435 = tpu.vector_load %arg8[%get3A_433, %get3A_434] {strides = array<i32>} : memref<640x128xf32, #tpu.memory_space<vmem>>, vector<1x16xf32>,
        %get3A_436 = vector.shape_cast %get3A_435 : vector<1x16xf32> to vector<16xf32>
        %add3A_437 = arith.addf %add3A_427, %get3A_436 : vector<16xf32>
        %mul3A_438 = arith.mulf %get3A_436, %get3A_436 : vector<16xf32>
        %add3A_439 = arith.addf %add3A_429, %mul3A_438 : vector<16xf32>
        %max3A_440 = arith.maximumf %max3A_430, %get3A_436 : vector<16xf32>
        %add3A_441 = arith.constant 11 : i32
        %add3A_442 = arith.addi %mul3A_128, %add3A_441 : i32
        %get3A_443 = arith.index_cast %add3A_442 : i32 to index
        %get3A_444 = arith.constant 16 : index
        %get3A_445 = tpu.vector_load %arg8[%get3A_443, %get3A_444] {strides = array<i32>} : memref<640x128xf32, #tpu.memory_space<vmem>>, vector<1x16xf32>,
        %get3A_446 = vector.shape_cast %get3A_445 : vector<1x16xf32> to vector<16xf32>
        %add3A_447 = arith.addf %add3A_437, %get3A_446 : vector<16xf32>
        %mul3A_448 = arith.mulf %get3A_446, %get3A_446 : vector<16xf32>
        %add3A_449 = arith.addf %add3A_439, %mul3A_448 : vector<16xf32>
        %max3A_450 = arith.maximumf %max3A_440, %get3A_446 : vector<16xf32>
        %add3A_451 = arith.constant 12 : i32
        %add3A_452 = arith.addi %mul3A_128, %add3A_451 : i32
        %get3A_453 = arith.index_cast %add3A_452 : i32 to index
        %get3A_454 = arith.constant 16 : index
        %get3A_455 = tpu.vector_load %arg8[%get3A_453, %get3A_454] {strides = array<i32>} : memref<640x128xf32, #tpu.memory_space<vmem>>, vector<1x16xf32>,
        %get3A_456 = vector.shape_cast %get3A_455 : vector<1x16xf32> to vector<16xf32>
        %add3A_457 = arith.addf %add3A_447, %get3A_456 : vector<16xf32>
        %mul3A_458 = arith.mulf %get3A_456, %get3A_456 : vector<16xf32>
        %add3A_459 = arith.addf %add3A_449, %mul3A_458 : vector<16xf32>
        %max3A_460 = arith.maximumf %max3A_450, %get3A_456 : vector<16xf32>
        %add3A_461 = arith.constant 13 : i32
        %add3A_462 = arith.addi %mul3A_128, %add3A_461 : i32
        %get3A_463 = arith.index_cast %add3A_462 : i32 to index
        %get3A_464 = arith.constant 16 : index
        %get3A_465 = tpu.vector_load %arg8[%get3A_463, %get3A_464] {strides = array<i32>} : memref<640x128xf32, #tpu.memory_space<vmem>>, vector<1x16xf32>,
        %get3A_466 = vector.shape_cast %get3A_465 : vector<1x16xf32> to vector<16xf32>
        %add3A_467 = arith.addf %add3A_457, %get3A_466 : vector<16xf32>
        %mul3A_468 = arith.mulf %get3A_466, %get3A_466 : vector<16xf32>
        %add3A_469 = arith.addf %add3A_459, %mul3A_468 : vector<16xf32>
        %max3A_470 = arith.maximumf %max3A_460, %get3A_466 : vector<16xf32>
        %add3A_471 = arith.constant 14 : i32
        %add3A_472 = arith.addi %mul3A_128, %add3A_471 : i32
        %get3A_473 = arith.index_cast %add3A_472 : i32 to index
        %get3A_474 = arith.constant 16 : index
        %get3A_475 = tpu.vector_load %arg8[%get3A_473, %get3A_474] {strides = array<i32>} : memref<640x128xf32, #tpu.memory_space<vmem>>, vector<1x16xf32>,
        %get3A_476 = vector.shape_cast %get3A_475 : vector<1x16xf32> to vector<16xf32>
        %add3A_477 = arith.addf %add3A_467, %get3A_476 : vector<16xf32>
        %mul3A_478 = arith.mulf %get3A_476, %get3A_476 : vector<16xf32>
        %add3A_479 = arith.addf %add3A_469, %mul3A_478 : vector<16xf32>
        %max3A_480 = arith.maximumf %max3A_470, %get3A_476 : vector<16xf32>
        %add3A_481 = arith.constant 15 : i32
        %add3A_482 = arith.addi %mul3A_128, %add3A_481 : i32
        %get3A_483 = arith.index_cast %add3A_482 : i32 to index
        %get3A_484 = arith.constant 16 : index
        %get3A_485 = tpu.vector_load %arg8[%get3A_483, %get3A_484] {strides = array<i32>} : memref<640x128xf32, #tpu.memory_space<vmem>>, vector<1x16xf32>,
        %get3A_486 = vector.shape_cast %get3A_485 : vector<1x16xf32> to vector<16xf32>
        %add3A_487 = arith.addf %add3A_477, %get3A_486 : vector<16xf32>
        %mul3A_488 = arith.mulf %get3A_486, %get3A_486 : vector<16xf32>
        %add3A_489 = arith.addf %add3A_479, %mul3A_488 : vector<16xf32>
        %max3A_490 = arith.maximumf %max3A_480, %get3A_486 : vector<16xf32>
        %add3A_491 = arith.constant 16 : i32
        %add3A_492 = arith.addi %mul3A_128, %add3A_491 : i32
        %get3A_493 = arith.index_cast %add3A_492 : i32 to index
        %get3A_494 = arith.constant 16 : index
        %get3A_495 = tpu.vector_load %arg8[%get3A_493, %get3A_494] {strides = array<i32>} : memref<640x128xf32, #tpu.memory_space<vmem>>, vector<1x16xf32>,
        %get3A_496 = vector.shape_cast %get3A_495 : vector<1x16xf32> to vector<16xf32>
        %add3A_497 = arith.addf %add3A_487, %get3A_496 : vector<16xf32>
        %mul3A_498 = arith.mulf %get3A_496, %get3A_496 : vector<16xf32>
        %add3A_499 = arith.addf %add3A_489, %mul3A_498 : vector<16xf32>
        %max3A_500 = arith.maximumf %max3A_490, %get3A_496 : vector<16xf32>
        %add3A_501 = arith.constant 17 : i32
        %add3A_502 = arith.addi %mul3A_128, %add3A_501 : i32
        %get3A_503 = arith.index_cast %add3A_502 : i32 to index
        %get3A_504 = arith.constant 16 : index
        %get3A_505 = tpu.vector_load %arg8[%get3A_503, %get3A_504] {strides = array<i32>} : memref<640x128xf32, #tpu.memory_space<vmem>>, vector<1x16xf32>,
        %get3A_506 = vector.shape_cast %get3A_505 : vector<1x16xf32> to vector<16xf32>
        %add3A_507 = arith.addf %add3A_497, %get3A_506 : vector<16xf32>
        %mul3A_508 = arith.mulf %get3A_506, %get3A_506 : vector<16xf32>
        %add3A_509 = arith.addf %add3A_499, %mul3A_508 : vector<16xf32>
        %max3A_510 = arith.maximumf %max3A_500, %get3A_506 : vector<16xf32>
        %add3A_511 = arith.constant 18 : i32
        %add3A_512 = arith.addi %mul3A_128, %add3A_511 : i32
        %get3A_513 = arith.index_cast %add3A_512 : i32 to index
        %get3A_514 = arith.constant 16 : index
        %get3A_515 = tpu.vector_load %arg8[%get3A_513, %get3A_514] {strides = array<i32>} : memref<640x128xf32, #tpu.memory_space<vmem>>, vector<1x16xf32>,
        %get3A_516 = vector.shape_cast %get3A_515 : vector<1x16xf32> to vector<16xf32>
        %add3A_517 = arith.addf %add3A_507, %get3A_516 : vector<16xf32>
        %mul3A_518 = arith.mulf %get3A_516, %get3A_516 : vector<16xf32>
        %add3A_519 = arith.addf %add3A_509, %mul3A_518 : vector<16xf32>
        %max3A_520 = arith.maximumf %max3A_510, %get3A_516 : vector<16xf32>
        %add3A_521 = arith.constant 19 : i32
        %add3A_522 = arith.addi %mul3A_128, %add3A_521 : i32
        %get3A_523 = arith.index_cast %add3A_522 : i32 to index
        %get3A_524 = arith.constant 16 : index
        %get3A_525 = tpu.vector_load %arg8[%get3A_523, %get3A_524] {strides = array<i32>} : memref<640x128xf32, #tpu.memory_space<vmem>>, vector<1x16xf32>,
        %get3A_526 = vector.shape_cast %get3A_525 : vector<1x16xf32> to vector<16xf32>
        %add3A_527 = arith.addf %add3A_517, %get3A_526 : vector<16xf32>
        %mul3A_528 = arith.mulf %get3A_526, %get3A_526 : vector<16xf32>
        %add3A_529 = arith.addf %add3A_519, %mul3A_528 : vector<16xf32>
        %max3A_530 = arith.maximumf %max3A_520, %get3A_526 : vector<16xf32>
        %swap3A_531 = arith.index_cast %scan3A_126 : i32 to index
        %swap3A_532 = arith.constant 16 : index
        %swap3A_533 = tpu.vector_load %arg9[%swap3A_531, %swap3A_532] {strides = array<i32>} : memref<32x32xf32, #tpu.memory_space<vmem>>, vector<1x16xf32>,
        %swap3A_534 = vector.shape_cast %swap3A_533 : vector<1x16xf32> to vector<16xf32>
        %swap3A_535 = vector.shape_cast %add3A_527 : vector<16xf32> to vector<1x16xf32>
        tpu.vector_store %arg9[%swap3A_531, %swap3A_532], %swap3A_535 {strides = array<i32>} : memref<32x32xf32, #tpu.memory_space<vmem>>, vector<1x16xf32>,
        %swap3A_536 = arith.index_cast %scan3A_126 : i32 to index
        %swap3A_537 = arith.constant 16 : index
        %swap3A_538 = tpu.vector_load %arg10[%swap3A_536, %swap3A_537] {strides = array<i32>} : memref<32x32xf32, #tpu.memory_space<vmem>>, vector<1x16xf32>,
        %swap3A_539 = vector.shape_cast %swap3A_538 : vector<1x16xf32> to vector<16xf32>
        %swap3A_540 = vector.shape_cast %add3A_529 : vector<16xf32> to vector<1x16xf32>
        tpu.vector_store %arg10[%swap3A_536, %swap3A_537], %swap3A_540 {strides = array<i32>} : memref<32x32xf32, #tpu.memory_space<vmem>>, vector<1x16xf32>,
        %swap3A_541 = arith.index_cast %scan3A_126 : i32 to index
        %swap3A_542 = arith.constant 16 : index
        %swap3A_543 = tpu.vector_load %arg11[%swap3A_541, %swap3A_542] {strides = array<i32>} : memref<32x32xf32, #tpu.memory_space<vmem>>, vector<1x16xf32>,
        %swap3A_544 = vector.shape_cast %swap3A_543 : vector<1x16xf32> to vector<16xf32>
        %swap3A_545 = vector.shape_cast %max3A_530 : vector<16xf32> to vector<1x16xf32>
        tpu.vector_store %arg11[%swap3A_541, %swap3A_542], %swap3A_545 {strides = array<i32>} : memref<32x32xf32, #tpu.memory_space<vmem>>, vector<1x16xf32>,
      }
      %scan3A_125 = arith.constant 32 : i32
      "tpu.region"() ({
        %run_scoped3A = tpu.sem_alloc : memref<!tpu.dma_semaphore, #tpu.memory_space<semaphore_mem>>
        %dma_start3A_126 = arith.constant 0 : i32
        %dma_start3A_127 = tpu.memref_slice %arg4[%add3A_11, %dma_start3A_126] : memref<4096x32xf32, #tpu.memory_space<hbm>> -> memref<32x32xf32, #tpu.memory_space<hbm>>
        %dma_start3A_128 = arith.constant 0 : i32
        %dma_start3A_129 = tpu.memref_slice %arg4[%add3A_11, %dma_start3A_128] : memref<4096x32xf32, #tpu.memory_space<hbm>> -> memref<32x32xf32, #tpu.memory_space<hbm>>
        tpu.enqueue_dma source(%arg9 : memref<32x32xf32, #tpu.memory_space<vmem>>) target(%dma_start3A_129 : memref<32x32xf32, #tpu.memory_space<hbm>>) target_semaphore(%run_scoped3A : memref<!tpu.dma_semaphore, #tpu.memory_space<semaphore_mem>>)
        %dma_wait3A_130 = arith.constant 0 : i32
        %dma_wait3A_131 = tpu.memref_slice %arg4[%add3A_11, %dma_wait3A_130] : memref<4096x32xf32, #tpu.memory_space<hbm>> -> memref<32x32xf32, #tpu.memory_space<hbm>>
        %dma_wait3A_132 = arith.constant 0 : i32
        %dma_wait3A_133 = tpu.memref_slice %arg4[%add3A_11, %dma_wait3A_132] : memref<4096x32xf32, #tpu.memory_space<hbm>> -> memref<32x32xf32, #tpu.memory_space<hbm>>
        tpu.wait_dma2 semaphore(%run_scoped3A : memref<!tpu.dma_semaphore, #tpu.memory_space<semaphore_mem>>) src(%arg9 : memref<32x32xf32, #tpu.memory_space<vmem>>) dst(%dma_wait3A_133 : memref<32x32xf32, #tpu.memory_space<hbm>>)
        tpu.yield
      }) : () -> ()
      "tpu.region"() ({
        %run_scoped3A = tpu.sem_alloc : memref<!tpu.dma_semaphore, #tpu.memory_space<semaphore_mem>>
        %dma_start3A_126 = arith.constant 0 : i32
        %dma_start3A_127 = tpu.memref_slice %arg5[%add3A_11, %dma_start3A_126] : memref<4096x32xf32, #tpu.memory_space<hbm>> -> memref<32x32xf32, #tpu.memory_space<hbm>>
        %dma_start3A_128 = arith.constant 0 : i32
        %dma_start3A_129 = tpu.memref_slice %arg5[%add3A_11, %dma_start3A_128] : memref<4096x32xf32, #tpu.memory_space<hbm>> -> memref<32x32xf32, #tpu.memory_space<hbm>>
        tpu.enqueue_dma source(%arg10 : memref<32x32xf32, #tpu.memory_space<vmem>>) target(%dma_start3A_129 : memref<32x32xf32, #tpu.memory_space<hbm>>) target_semaphore(%run_scoped3A : memref<!tpu.dma_semaphore, #tpu.memory_space<semaphore_mem>>)
        %dma_wait3A_130 = arith.constant 0 : i32
        %dma_wait3A_131 = tpu.memref_slice %arg5[%add3A_11, %dma_wait3A_130] : memref<4096x32xf32, #tpu.memory_space<hbm>> -> memref<32x32xf32, #tpu.memory_space<hbm>>
        %dma_wait3A_132 = arith.constant 0 : i32
        %dma_wait3A_133 = tpu.memref_slice %arg5[%add3A_11, %dma_wait3A_132] : memref<4096x32xf32, #tpu.memory_space<hbm>> -> memref<32x32xf32, #tpu.memory_space<hbm>>
        tpu.wait_dma2 semaphore(%run_scoped3A : memref<!tpu.dma_semaphore, #tpu.memory_space<semaphore_mem>>) src(%arg10 : memref<32x32xf32, #tpu.memory_space<vmem>>) dst(%dma_wait3A_133 : memref<32x32xf32, #tpu.memory_space<hbm>>)
        tpu.yield
      }) : () -> ()
      "tpu.region"() ({
        %run_scoped3A = tpu.sem_alloc : memref<!tpu.dma_semaphore, #tpu.memory_space<semaphore_mem>>
        %dma_start3A_126 = arith.constant 0 : i32
        %dma_start3A_127 = tpu.memref_slice %arg6[%add3A_11, %dma_start3A_126] : memref<4096x32xf32, #tpu.memory_space<hbm>> -> memref<32x32xf32, #tpu.memory_space<hbm>>
        %dma_start3A_128 = arith.constant 0 : i32
        %dma_start3A_129 = tpu.memref_slice %arg6[%add3A_11, %dma_start3A_128] : memref<4096x32xf32, #tpu.memory_space<hbm>> -> memref<32x32xf32, #tpu.memory_space<hbm>>
        tpu.enqueue_dma source(%arg11 : memref<32x32xf32, #tpu.memory_space<vmem>>) target(%dma_start3A_129 : memref<32x32xf32, #tpu.memory_space<hbm>>) target_semaphore(%run_scoped3A : memref<!tpu.dma_semaphore, #tpu.memory_space<semaphore_mem>>)
        %dma_wait3A_130 = arith.constant 0 : i32
        %dma_wait3A_131 = tpu.memref_slice %arg6[%add3A_11, %dma_wait3A_130] : memref<4096x32xf32, #tpu.memory_space<hbm>> -> memref<32x32xf32, #tpu.memory_space<hbm>>
        %dma_wait3A_132 = arith.constant 0 : i32
        %dma_wait3A_133 = tpu.memref_slice %arg6[%add3A_11, %dma_wait3A_132] : memref<4096x32xf32, #tpu.memory_space<hbm>> -> memref<32x32xf32, #tpu.memory_space<hbm>>
        tpu.wait_dma2 semaphore(%run_scoped3A : memref<!tpu.dma_semaphore, #tpu.memory_space<semaphore_mem>>) src(%arg11 : memref<32x32xf32, #tpu.memory_space<vmem>>) dst(%dma_wait3A_133 : memref<32x32xf32, #tpu.memory_space<hbm>>)
        tpu.yield
      }) : () -> ()
    }
    %scan3A_5 = arith.constant 4 : i32
    return
  }
}

module attributes {stable_mosaic.version = 14 : i64} {
  func.func @_knn_proj_kernel(%arg0: i32, %arg1: memref<512x3xf32, #tpu.memory_space<vmem>>, %arg2: memref<3x4096xf32, #tpu.memory_space<vmem>>, %arg3: memref<512x256xf32, #tpu.memory_space<vmem>>, %arg4: memref<256x32xf32, #tpu.memory_space<vmem>>, %arg5: memref<256x32xf32, #tpu.memory_space<vmem>>, %arg6: memref<512x20xi32, #tpu.memory_space<vmem>>, %arg7: memref<512x128xf32, #tpu.memory_space<vmem>>, %arg8: memref<512x32xf32, #tpu.memory_space<vmem>>) attributes {dimension_semantics = [#tpu.dimension_semantics<arbitrary>], iteration_bounds = array<i64: 8>, scalar_prefetch = 0 : i64, scratch_operands = 0 : i64, tpu.core_type = #tpu.core_type<tc>, window_params = [{transform_indices = @transform_0, window_bounds = array<i64: 512, 3>}, {pipeline_mode = #tpu.pipeline_mode<synchronous>, transform_indices = @transform_1, window_bounds = array<i64: 3, 4096>}, {transform_indices = @transform_2, window_bounds = array<i64: 512, 256>}, {pipeline_mode = #tpu.pipeline_mode<synchronous>, transform_indices = @transform_3, window_bounds = array<i64: 256, 32>}, {pipeline_mode = #tpu.pipeline_mode<synchronous>, transform_indices = @transform_4, window_bounds = array<i64: 256, 32>}, {transform_indices = @transform_5, window_bounds = array<i64: 512, 20>}, {transform_indices = @transform_6, window_bounds = array<i64: 512, 128>}, {transform_indices = @transform_7, window_bounds = array<i64: 512, 32>}]} {
    %get3A = arith.constant 0 : index
    %get3A_0 = arith.constant 0 : index
    %get3A_1 = vector.load %arg3[%get3A, %get3A_0] : memref<512x256xf32, #tpu.memory_space<vmem>>, vector<512x256xf32>
    %get3A_2 = arith.constant 0 : index
    %get3A_3 = arith.constant 0 : index
    %get3A_4 = vector.load %arg4[%get3A_2, %get3A_3] : memref<256x32xf32, #tpu.memory_space<vmem>>, vector<256x32xf32>
    %dot_general3A = arith.constant dense<0.000000e+00> : vector<512x32xf32>
    %dot_general3A_5 = tpu.matmul %get3A_1, %get3A_4, %dot_general3A {dimension_numbers = #tpu.dot_dimension_numbers<[1], [0], [0], [1], [0, 0, 1, 1], [], []>, transpose_lhs_hint = false} : vector<512x256xf32>, vector<256x32xf32>, vector<512x32xf32> -> vector<512x32xf32>
    %get3A_6 = arith.constant 0 : index
    %get3A_7 = arith.constant 0 : index
    %get3A_8 = vector.load %arg5[%get3A_6, %get3A_7] : memref<256x32xf32, #tpu.memory_space<vmem>>, vector<256x32xf32>
    %dot_general3A_9 = arith.constant dense<0.000000e+00> : vector<512x32xf32>
    %dot_general3A_10 = tpu.matmul %get3A_1, %get3A_8, %dot_general3A_9 {dimension_numbers = #tpu.dot_dimension_numbers<[1], [0], [0], [1], [0, 0, 1, 1], [], []>, transpose_lhs_hint = false} : vector<512x256xf32>, vector<256x32xf32>, vector<512x32xf32> -> vector<512x32xf32>
    %broadcast_in_dim3A = arith.constant 0.000000e+00 : f32
    %broadcast_in_dim3A_11 = vector.broadcast %broadcast_in_dim3A : f32 to vector<512x96xf32>
    %concatenate3A = tpu.concatenate %dot_general3A_5, %broadcast_in_dim3A_11 in 1 : vector<512x32xf32>, vector<512x96xf32> -> vector<512x128xf32>
    %swap3A = arith.constant 0 : index
    %swap3A_12 = arith.constant 0 : index
    %swap3A_13 = vector.load %arg7[%swap3A, %swap3A_12] : memref<512x128xf32, #tpu.memory_space<vmem>>, vector<512x128xf32>
    tpu.vector_store %arg7[%swap3A, %swap3A_12], %concatenate3A {strides = array<i32>} : memref<512x128xf32, #tpu.memory_space<vmem>>, vector<512x128xf32>,
    %sub3A = arith.subf %dot_general3A_5, %dot_general3A_10 : vector<512x32xf32>
    %swap3A_14 = arith.constant 0 : index
    %swap3A_15 = arith.constant 0 : index
    %swap3A_16 = vector.load %arg8[%swap3A_14, %swap3A_15] : memref<512x32xf32, #tpu.memory_space<vmem>>, vector<512x32xf32>
    tpu.vector_store %arg8[%swap3A_14, %swap3A_15], %sub3A {strides = array<i32>} : memref<512x32xf32, #tpu.memory_space<vmem>>, vector<512x32xf32>,
    %get3A_17 = arith.constant 0 : index
    %get3A_18 = arith.constant 0 : index
    %get3A_19 = vector.load %arg1[%get3A_17, %get3A_18] : memref<512x3xf32, #tpu.memory_space<vmem>>, vector<512x3xf32>
    %get3A_20 = arith.constant 0 : index
    %get3A_21 = arith.constant 0 : index
    %get3A_22 = vector.load %arg2[%get3A_20, %get3A_21] : memref<3x4096xf32, #tpu.memory_space<vmem>>, vector<3x4096xf32>
    %mul3A = arith.mulf %get3A_19, %get3A_19 : vector<512x3xf32>
    %reduce_sum3A = arith.constant dense<0.000000e+00> : vector<512xf32>
    %reduce_sum3A_23 = vector.multi_reduction <add>, %mul3A, %reduce_sum3A [1] : vector<512x3xf32> to vector<512xf32>
    %broadcast_in_dim3A_24 = vector.shape_cast %reduce_sum3A_23 : vector<512xf32> to vector<512x1xf32>
    %mul3A_25 = arith.mulf %get3A_22, %get3A_22 : vector<3x4096xf32>
    %reduce_sum3A_26 = arith.constant dense<0.000000e+00> : vector<4096xf32>
    %reduce_sum3A_27 = vector.multi_reduction <add>, %mul3A_25, %reduce_sum3A_26 [0] : vector<3x4096xf32> to vector<4096xf32>
    %broadcast_in_dim3A_28 = vector.shape_cast %reduce_sum3A_27 : vector<4096xf32> to vector<1x4096xf32>
    %dot_general3A_29 = arith.constant dense<0.000000e+00> : vector<512x4096xf32>
    %dot_general3A_30 = tpu.matmul %get3A_19, %get3A_22, %dot_general3A_29 {dimension_numbers = #tpu.dot_dimension_numbers<[1], [0], [0], [1], [0, 0, 1, 1], [], []>, transpose_lhs_hint = false} : vector<512x3xf32>, vector<3x4096xf32>, vector<512x4096xf32> -> vector<512x4096xf32>
    %mul3A_31 = arith.constant -2.000000e+00 : f32
    %mul3A_32 = vector.broadcast %mul3A_31 : f32 to vector<512x4096xf32>
    %mul3A_33 = arith.mulf %mul3A_32, %dot_general3A_30 : vector<512x4096xf32>
    %add3A = vector.broadcast %broadcast_in_dim3A_24 : vector<512x1xf32> to vector<512x4096xf32>
    %add3A_34 = arith.addf %mul3A_33, %add3A : vector<512x4096xf32>
    %add3A_35 = vector.broadcast %broadcast_in_dim3A_28 : vector<1x4096xf32> to vector<512x4096xf32>
    %add3A_36 = arith.addf %add3A_34, %add3A_35 : vector<512x4096xf32>
    %iota3A = tpu.iota {dimensions = array<i32: 1>} : vector<512x4096xi32>
    %convert_element_type3A = arith.sitofp %iota3A : vector<512x4096xi32> to vector<512x4096xf32>
    %reduce_min3A = arith.constant dense<0x7F800000> : vector<512xf32>
    %reduce_min3A_37 = vector.multi_reduction <minimumf>, %add3A_36, %reduce_min3A [1] : vector<512x4096xf32> to vector<512xf32>
    %broadcast_in_dim3A_38 = vector.shape_cast %reduce_min3A_37 : vector<512xf32> to vector<512x1xf32>
    %eq3A = vector.broadcast %broadcast_in_dim3A_38 : vector<512x1xf32> to vector<512x4096xf32>
    %eq3A_39 = arith.cmpf oeq, %add3A_36, %eq3A : vector<512x4096xf32>
    %jit3A = arith.constant 1.000000e+09 : f32
    %broadcast_in_dim3A_40 = vector.broadcast %jit3A : f32 to vector<512x4096xf32>
    %select_n3A = arith.select %eq3A_39, %convert_element_type3A, %broadcast_in_dim3A_40 : vector<512x4096xi1>, vector<512x4096xf32>
    %reduce_min3A_41 = arith.constant dense<0x7F800000> : vector<512xf32>
    %reduce_min3A_42 = vector.multi_reduction <minimumf>, %select_n3A, %reduce_min3A_41 [1] : vector<512x4096xf32> to vector<512xf32>
    %broadcast_in_dim3A_43 = vector.shape_cast %reduce_min3A_42 : vector<512xf32> to vector<512x1xf32>
    %convert_element_type3A_44 = arith.fptosi %broadcast_in_dim3A_43 : vector<512x1xf32> to vector<512x1xi32>
    %swap3A_45 = arith.constant 0 : index
    %swap3A_46 = arith.constant 0 : index
    %swap3A_47 = vector.load %arg6[%swap3A_45, %swap3A_46] : memref<512x20xi32, #tpu.memory_space<vmem>>, vector<512x1xi32>
    tpu.vector_store %arg6[%swap3A_45, %swap3A_46], %convert_element_type3A_44 {strides = array<i32>} : memref<512x20xi32, #tpu.memory_space<vmem>>, vector<512x1xi32>,
    %eq3A_48 = vector.broadcast %broadcast_in_dim3A_43 : vector<512x1xf32> to vector<512x4096xf32>
    %eq3A_49 = arith.cmpf oeq, %convert_element_type3A, %eq3A_48 : vector<512x4096xf32>
    %jit3A_50 = arith.constant 0x7F800000 : f32
    %broadcast_in_dim3A_51 = vector.broadcast %jit3A_50 : f32 to vector<512x4096xf32>
    %select_n3A_52 = arith.select %eq3A_49, %broadcast_in_dim3A_51, %add3A_36 : vector<512x4096xi1>, vector<512x4096xf32>
    %reduce_min3A_53 = arith.constant dense<0x7F800000> : vector<512xf32>
    %reduce_min3A_54 = vector.multi_reduction <minimumf>, %select_n3A_52, %reduce_min3A_53 [1] : vector<512x4096xf32> to vector<512xf32>
    %broadcast_in_dim3A_55 = vector.shape_cast %reduce_min3A_54 : vector<512xf32> to vector<512x1xf32>
    %eq3A_56 = vector.broadcast %broadcast_in_dim3A_55 : vector<512x1xf32> to vector<512x4096xf32>
    %eq3A_57 = arith.cmpf oeq, %select_n3A_52, %eq3A_56 : vector<512x4096xf32>
    %jit3A_58 = arith.constant 1.000000e+09 : f32
    %broadcast_in_dim3A_59 = vector.broadcast %jit3A_58 : f32 to vector<512x4096xf32>
    %select_n3A_60 = arith.select %eq3A_57, %convert_element_type3A, %broadcast_in_dim3A_59 : vector<512x4096xi1>, vector<512x4096xf32>
    %reduce_min3A_61 = arith.constant dense<0x7F800000> : vector<512xf32>
    %reduce_min3A_62 = vector.multi_reduction <minimumf>, %select_n3A_60, %reduce_min3A_61 [1] : vector<512x4096xf32> to vector<512xf32>
    %broadcast_in_dim3A_63 = vector.shape_cast %reduce_min3A_62 : vector<512xf32> to vector<512x1xf32>
    %convert_element_type3A_64 = arith.fptosi %broadcast_in_dim3A_63 : vector<512x1xf32> to vector<512x1xi32>
    %swap3A_65 = arith.constant 0 : index
    %swap3A_66 = arith.constant 1 : index
    %swap3A_67 = vector.load %arg6[%swap3A_65, %swap3A_66] : memref<512x20xi32, #tpu.memory_space<vmem>>, vector<512x1xi32>
    tpu.vector_store %arg6[%swap3A_65, %swap3A_66], %convert_element_type3A_64 {strides = array<i32>} : memref<512x20xi32, #tpu.memory_space<vmem>>, vector<512x1xi32>,
    %eq3A_68 = vector.broadcast %broadcast_in_dim3A_63 : vector<512x1xf32> to vector<512x4096xf32>
    %eq3A_69 = arith.cmpf oeq, %convert_element_type3A, %eq3A_68 : vector<512x4096xf32>
    %jit3A_70 = arith.constant 0x7F800000 : f32
    %broadcast_in_dim3A_71 = vector.broadcast %jit3A_70 : f32 to vector<512x4096xf32>
    %select_n3A_72 = arith.select %eq3A_69, %broadcast_in_dim3A_71, %select_n3A_52 : vector<512x4096xi1>, vector<512x4096xf32>
    %reduce_min3A_73 = arith.constant dense<0x7F800000> : vector<512xf32>
    %reduce_min3A_74 = vector.multi_reduction <minimumf>, %select_n3A_72, %reduce_min3A_73 [1] : vector<512x4096xf32> to vector<512xf32>
    %broadcast_in_dim3A_75 = vector.shape_cast %reduce_min3A_74 : vector<512xf32> to vector<512x1xf32>
    %eq3A_76 = vector.broadcast %broadcast_in_dim3A_75 : vector<512x1xf32> to vector<512x4096xf32>
    %eq3A_77 = arith.cmpf oeq, %select_n3A_72, %eq3A_76 : vector<512x4096xf32>
    %jit3A_78 = arith.constant 1.000000e+09 : f32
    %broadcast_in_dim3A_79 = vector.broadcast %jit3A_78 : f32 to vector<512x4096xf32>
    %select_n3A_80 = arith.select %eq3A_77, %convert_element_type3A, %broadcast_in_dim3A_79 : vector<512x4096xi1>, vector<512x4096xf32>
    %reduce_min3A_81 = arith.constant dense<0x7F800000> : vector<512xf32>
    %reduce_min3A_82 = vector.multi_reduction <minimumf>, %select_n3A_80, %reduce_min3A_81 [1] : vector<512x4096xf32> to vector<512xf32>
    %broadcast_in_dim3A_83 = vector.shape_cast %reduce_min3A_82 : vector<512xf32> to vector<512x1xf32>
    %convert_element_type3A_84 = arith.fptosi %broadcast_in_dim3A_83 : vector<512x1xf32> to vector<512x1xi32>
    %swap3A_85 = arith.constant 0 : index
    %swap3A_86 = arith.constant 2 : index
    %swap3A_87 = vector.load %arg6[%swap3A_85, %swap3A_86] : memref<512x20xi32, #tpu.memory_space<vmem>>, vector<512x1xi32>
    tpu.vector_store %arg6[%swap3A_85, %swap3A_86], %convert_element_type3A_84 {strides = array<i32>} : memref<512x20xi32, #tpu.memory_space<vmem>>, vector<512x1xi32>,
    %eq3A_88 = vector.broadcast %broadcast_in_dim3A_83 : vector<512x1xf32> to vector<512x4096xf32>
    %eq3A_89 = arith.cmpf oeq, %convert_element_type3A, %eq3A_88 : vector<512x4096xf32>
    %jit3A_90 = arith.constant 0x7F800000 : f32
    %broadcast_in_dim3A_91 = vector.broadcast %jit3A_90 : f32 to vector<512x4096xf32>
    %select_n3A_92 = arith.select %eq3A_89, %broadcast_in_dim3A_91, %select_n3A_72 : vector<512x4096xi1>, vector<512x4096xf32>
    %reduce_min3A_93 = arith.constant dense<0x7F800000> : vector<512xf32>
    %reduce_min3A_94 = vector.multi_reduction <minimumf>, %select_n3A_92, %reduce_min3A_93 [1] : vector<512x4096xf32> to vector<512xf32>
    %broadcast_in_dim3A_95 = vector.shape_cast %reduce_min3A_94 : vector<512xf32> to vector<512x1xf32>
    %eq3A_96 = vector.broadcast %broadcast_in_dim3A_95 : vector<512x1xf32> to vector<512x4096xf32>
    %eq3A_97 = arith.cmpf oeq, %select_n3A_92, %eq3A_96 : vector<512x4096xf32>
    %jit3A_98 = arith.constant 1.000000e+09 : f32
    %broadcast_in_dim3A_99 = vector.broadcast %jit3A_98 : f32 to vector<512x4096xf32>
    %select_n3A_100 = arith.select %eq3A_97, %convert_element_type3A, %broadcast_in_dim3A_99 : vector<512x4096xi1>, vector<512x4096xf32>
    %reduce_min3A_101 = arith.constant dense<0x7F800000> : vector<512xf32>
    %reduce_min3A_102 = vector.multi_reduction <minimumf>, %select_n3A_100, %reduce_min3A_101 [1] : vector<512x4096xf32> to vector<512xf32>
    %broadcast_in_dim3A_103 = vector.shape_cast %reduce_min3A_102 : vector<512xf32> to vector<512x1xf32>
    %convert_element_type3A_104 = arith.fptosi %broadcast_in_dim3A_103 : vector<512x1xf32> to vector<512x1xi32>
    %swap3A_105 = arith.constant 0 : index
    %swap3A_106 = arith.constant 3 : index
    %swap3A_107 = vector.load %arg6[%swap3A_105, %swap3A_106] : memref<512x20xi32, #tpu.memory_space<vmem>>, vector<512x1xi32>
    tpu.vector_store %arg6[%swap3A_105, %swap3A_106], %convert_element_type3A_104 {strides = array<i32>} : memref<512x20xi32, #tpu.memory_space<vmem>>, vector<512x1xi32>,
    %eq3A_108 = vector.broadcast %broadcast_in_dim3A_103 : vector<512x1xf32> to vector<512x4096xf32>
    %eq3A_109 = arith.cmpf oeq, %convert_element_type3A, %eq3A_108 : vector<512x4096xf32>
    %jit3A_110 = arith.constant 0x7F800000 : f32
    %broadcast_in_dim3A_111 = vector.broadcast %jit3A_110 : f32 to vector<512x4096xf32>
    %select_n3A_112 = arith.select %eq3A_109, %broadcast_in_dim3A_111, %select_n3A_92 : vector<512x4096xi1>, vector<512x4096xf32>
    %reduce_min3A_113 = arith.constant dense<0x7F800000> : vector<512xf32>
    %reduce_min3A_114 = vector.multi_reduction <minimumf>, %select_n3A_112, %reduce_min3A_113 [1] : vector<512x4096xf32> to vector<512xf32>
    %broadcast_in_dim3A_115 = vector.shape_cast %reduce_min3A_114 : vector<512xf32> to vector<512x1xf32>
    %eq3A_116 = vector.broadcast %broadcast_in_dim3A_115 : vector<512x1xf32> to vector<512x4096xf32>
    %eq3A_117 = arith.cmpf oeq, %select_n3A_112, %eq3A_116 : vector<512x4096xf32>
    %jit3A_118 = arith.constant 1.000000e+09 : f32
    %broadcast_in_dim3A_119 = vector.broadcast %jit3A_118 : f32 to vector<512x4096xf32>
    %select_n3A_120 = arith.select %eq3A_117, %convert_element_type3A, %broadcast_in_dim3A_119 : vector<512x4096xi1>, vector<512x4096xf32>
    %reduce_min3A_121 = arith.constant dense<0x7F800000> : vector<512xf32>
    %reduce_min3A_122 = vector.multi_reduction <minimumf>, %select_n3A_120, %reduce_min3A_121 [1] : vector<512x4096xf32> to vector<512xf32>
    %broadcast_in_dim3A_123 = vector.shape_cast %reduce_min3A_122 : vector<512xf32> to vector<512x1xf32>
    %convert_element_type3A_124 = arith.fptosi %broadcast_in_dim3A_123 : vector<512x1xf32> to vector<512x1xi32>
    %swap3A_125 = arith.constant 0 : index
    %swap3A_126 = arith.constant 4 : index
    %swap3A_127 = vector.load %arg6[%swap3A_125, %swap3A_126] : memref<512x20xi32, #tpu.memory_space<vmem>>, vector<512x1xi32>
    tpu.vector_store %arg6[%swap3A_125, %swap3A_126], %convert_element_type3A_124 {strides = array<i32>} : memref<512x20xi32, #tpu.memory_space<vmem>>, vector<512x1xi32>,
    %eq3A_128 = vector.broadcast %broadcast_in_dim3A_123 : vector<512x1xf32> to vector<512x4096xf32>
    %eq3A_129 = arith.cmpf oeq, %convert_element_type3A, %eq3A_128 : vector<512x4096xf32>
    %jit3A_130 = arith.constant 0x7F800000 : f32
    %broadcast_in_dim3A_131 = vector.broadcast %jit3A_130 : f32 to vector<512x4096xf32>
    %select_n3A_132 = arith.select %eq3A_129, %broadcast_in_dim3A_131, %select_n3A_112 : vector<512x4096xi1>, vector<512x4096xf32>
    %reduce_min3A_133 = arith.constant dense<0x7F800000> : vector<512xf32>
    %reduce_min3A_134 = vector.multi_reduction <minimumf>, %select_n3A_132, %reduce_min3A_133 [1] : vector<512x4096xf32> to vector<512xf32>
    %broadcast_in_dim3A_135 = vector.shape_cast %reduce_min3A_134 : vector<512xf32> to vector<512x1xf32>
    %eq3A_136 = vector.broadcast %broadcast_in_dim3A_135 : vector<512x1xf32> to vector<512x4096xf32>
    %eq3A_137 = arith.cmpf oeq, %select_n3A_132, %eq3A_136 : vector<512x4096xf32>
    %jit3A_138 = arith.constant 1.000000e+09 : f32
    %broadcast_in_dim3A_139 = vector.broadcast %jit3A_138 : f32 to vector<512x4096xf32>
    %select_n3A_140 = arith.select %eq3A_137, %convert_element_type3A, %broadcast_in_dim3A_139 : vector<512x4096xi1>, vector<512x4096xf32>
    %reduce_min3A_141 = arith.constant dense<0x7F800000> : vector<512xf32>
    %reduce_min3A_142 = vector.multi_reduction <minimumf>, %select_n3A_140, %reduce_min3A_141 [1] : vector<512x4096xf32> to vector<512xf32>
    %broadcast_in_dim3A_143 = vector.shape_cast %reduce_min3A_142 : vector<512xf32> to vector<512x1xf32>
    %convert_element_type3A_144 = arith.fptosi %broadcast_in_dim3A_143 : vector<512x1xf32> to vector<512x1xi32>
    %swap3A_145 = arith.constant 0 : index
    %swap3A_146 = arith.constant 5 : index
    %swap3A_147 = vector.load %arg6[%swap3A_145, %swap3A_146] : memref<512x20xi32, #tpu.memory_space<vmem>>, vector<512x1xi32>
    tpu.vector_store %arg6[%swap3A_145, %swap3A_146], %convert_element_type3A_144 {strides = array<i32>} : memref<512x20xi32, #tpu.memory_space<vmem>>, vector<512x1xi32>,
    %eq3A_148 = vector.broadcast %broadcast_in_dim3A_143 : vector<512x1xf32> to vector<512x4096xf32>
    %eq3A_149 = arith.cmpf oeq, %convert_element_type3A, %eq3A_148 : vector<512x4096xf32>
    %jit3A_150 = arith.constant 0x7F800000 : f32
    %broadcast_in_dim3A_151 = vector.broadcast %jit3A_150 : f32 to vector<512x4096xf32>
    %select_n3A_152 = arith.select %eq3A_149, %broadcast_in_dim3A_151, %select_n3A_132 : vector<512x4096xi1>, vector<512x4096xf32>
    %reduce_min3A_153 = arith.constant dense<0x7F800000> : vector<512xf32>
    %reduce_min3A_154 = vector.multi_reduction <minimumf>, %select_n3A_152, %reduce_min3A_153 [1] : vector<512x4096xf32> to vector<512xf32>
    %broadcast_in_dim3A_155 = vector.shape_cast %reduce_min3A_154 : vector<512xf32> to vector<512x1xf32>
    %eq3A_156 = vector.broadcast %broadcast_in_dim3A_155 : vector<512x1xf32> to vector<512x4096xf32>
    %eq3A_157 = arith.cmpf oeq, %select_n3A_152, %eq3A_156 : vector<512x4096xf32>
    %jit3A_158 = arith.constant 1.000000e+09 : f32
    %broadcast_in_dim3A_159 = vector.broadcast %jit3A_158 : f32 to vector<512x4096xf32>
    %select_n3A_160 = arith.select %eq3A_157, %convert_element_type3A, %broadcast_in_dim3A_159 : vector<512x4096xi1>, vector<512x4096xf32>
    %reduce_min3A_161 = arith.constant dense<0x7F800000> : vector<512xf32>
    %reduce_min3A_162 = vector.multi_reduction <minimumf>, %select_n3A_160, %reduce_min3A_161 [1] : vector<512x4096xf32> to vector<512xf32>
    %broadcast_in_dim3A_163 = vector.shape_cast %reduce_min3A_162 : vector<512xf32> to vector<512x1xf32>
    %convert_element_type3A_164 = arith.fptosi %broadcast_in_dim3A_163 : vector<512x1xf32> to vector<512x1xi32>
    %swap3A_165 = arith.constant 0 : index
    %swap3A_166 = arith.constant 6 : index
    %swap3A_167 = vector.load %arg6[%swap3A_165, %swap3A_166] : memref<512x20xi32, #tpu.memory_space<vmem>>, vector<512x1xi32>
    tpu.vector_store %arg6[%swap3A_165, %swap3A_166], %convert_element_type3A_164 {strides = array<i32>} : memref<512x20xi32, #tpu.memory_space<vmem>>, vector<512x1xi32>,
    %eq3A_168 = vector.broadcast %broadcast_in_dim3A_163 : vector<512x1xf32> to vector<512x4096xf32>
    %eq3A_169 = arith.cmpf oeq, %convert_element_type3A, %eq3A_168 : vector<512x4096xf32>
    %jit3A_170 = arith.constant 0x7F800000 : f32
    %broadcast_in_dim3A_171 = vector.broadcast %jit3A_170 : f32 to vector<512x4096xf32>
    %select_n3A_172 = arith.select %eq3A_169, %broadcast_in_dim3A_171, %select_n3A_152 : vector<512x4096xi1>, vector<512x4096xf32>
    %reduce_min3A_173 = arith.constant dense<0x7F800000> : vector<512xf32>
    %reduce_min3A_174 = vector.multi_reduction <minimumf>, %select_n3A_172, %reduce_min3A_173 [1] : vector<512x4096xf32> to vector<512xf32>
    %broadcast_in_dim3A_175 = vector.shape_cast %reduce_min3A_174 : vector<512xf32> to vector<512x1xf32>
    %eq3A_176 = vector.broadcast %broadcast_in_dim3A_175 : vector<512x1xf32> to vector<512x4096xf32>
    %eq3A_177 = arith.cmpf oeq, %select_n3A_172, %eq3A_176 : vector<512x4096xf32>
    %jit3A_178 = arith.constant 1.000000e+09 : f32
    %broadcast_in_dim3A_179 = vector.broadcast %jit3A_178 : f32 to vector<512x4096xf32>
    %select_n3A_180 = arith.select %eq3A_177, %convert_element_type3A, %broadcast_in_dim3A_179 : vector<512x4096xi1>, vector<512x4096xf32>
    %reduce_min3A_181 = arith.constant dense<0x7F800000> : vector<512xf32>
    %reduce_min3A_182 = vector.multi_reduction <minimumf>, %select_n3A_180, %reduce_min3A_181 [1] : vector<512x4096xf32> to vector<512xf32>
    %broadcast_in_dim3A_183 = vector.shape_cast %reduce_min3A_182 : vector<512xf32> to vector<512x1xf32>
    %convert_element_type3A_184 = arith.fptosi %broadcast_in_dim3A_183 : vector<512x1xf32> to vector<512x1xi32>
    %swap3A_185 = arith.constant 0 : index
    %swap3A_186 = arith.constant 7 : index
    %swap3A_187 = vector.load %arg6[%swap3A_185, %swap3A_186] : memref<512x20xi32, #tpu.memory_space<vmem>>, vector<512x1xi32>
    tpu.vector_store %arg6[%swap3A_185, %swap3A_186], %convert_element_type3A_184 {strides = array<i32>} : memref<512x20xi32, #tpu.memory_space<vmem>>, vector<512x1xi32>,
    %eq3A_188 = vector.broadcast %broadcast_in_dim3A_183 : vector<512x1xf32> to vector<512x4096xf32>
    %eq3A_189 = arith.cmpf oeq, %convert_element_type3A, %eq3A_188 : vector<512x4096xf32>
    %jit3A_190 = arith.constant 0x7F800000 : f32
    %broadcast_in_dim3A_191 = vector.broadcast %jit3A_190 : f32 to vector<512x4096xf32>
    %select_n3A_192 = arith.select %eq3A_189, %broadcast_in_dim3A_191, %select_n3A_172 : vector<512x4096xi1>, vector<512x4096xf32>
    %reduce_min3A_193 = arith.constant dense<0x7F800000> : vector<512xf32>
    %reduce_min3A_194 = vector.multi_reduction <minimumf>, %select_n3A_192, %reduce_min3A_193 [1] : vector<512x4096xf32> to vector<512xf32>
    %broadcast_in_dim3A_195 = vector.shape_cast %reduce_min3A_194 : vector<512xf32> to vector<512x1xf32>
    %eq3A_196 = vector.broadcast %broadcast_in_dim3A_195 : vector<512x1xf32> to vector<512x4096xf32>
    %eq3A_197 = arith.cmpf oeq, %select_n3A_192, %eq3A_196 : vector<512x4096xf32>
    %jit3A_198 = arith.constant 1.000000e+09 : f32
    %broadcast_in_dim3A_199 = vector.broadcast %jit3A_198 : f32 to vector<512x4096xf32>
    %select_n3A_200 = arith.select %eq3A_197, %convert_element_type3A, %broadcast_in_dim3A_199 : vector<512x4096xi1>, vector<512x4096xf32>
    %reduce_min3A_201 = arith.constant dense<0x7F800000> : vector<512xf32>
    %reduce_min3A_202 = vector.multi_reduction <minimumf>, %select_n3A_200, %reduce_min3A_201 [1] : vector<512x4096xf32> to vector<512xf32>
    %broadcast_in_dim3A_203 = vector.shape_cast %reduce_min3A_202 : vector<512xf32> to vector<512x1xf32>
    %convert_element_type3A_204 = arith.fptosi %broadcast_in_dim3A_203 : vector<512x1xf32> to vector<512x1xi32>
    %swap3A_205 = arith.constant 0 : index
    %swap3A_206 = arith.constant 8 : index
    %swap3A_207 = vector.load %arg6[%swap3A_205, %swap3A_206] : memref<512x20xi32, #tpu.memory_space<vmem>>, vector<512x1xi32>
    tpu.vector_store %arg6[%swap3A_205, %swap3A_206], %convert_element_type3A_204 {strides = array<i32>} : memref<512x20xi32, #tpu.memory_space<vmem>>, vector<512x1xi32>,
    %eq3A_208 = vector.broadcast %broadcast_in_dim3A_203 : vector<512x1xf32> to vector<512x4096xf32>
    %eq3A_209 = arith.cmpf oeq, %convert_element_type3A, %eq3A_208 : vector<512x4096xf32>
    %jit3A_210 = arith.constant 0x7F800000 : f32
    %broadcast_in_dim3A_211 = vector.broadcast %jit3A_210 : f32 to vector<512x4096xf32>
    %select_n3A_212 = arith.select %eq3A_209, %broadcast_in_dim3A_211, %select_n3A_192 : vector<512x4096xi1>, vector<512x4096xf32>
    %reduce_min3A_213 = arith.constant dense<0x7F800000> : vector<512xf32>
    %reduce_min3A_214 = vector.multi_reduction <minimumf>, %select_n3A_212, %reduce_min3A_213 [1] : vector<512x4096xf32> to vector<512xf32>
    %broadcast_in_dim3A_215 = vector.shape_cast %reduce_min3A_214 : vector<512xf32> to vector<512x1xf32>
    %eq3A_216 = vector.broadcast %broadcast_in_dim3A_215 : vector<512x1xf32> to vector<512x4096xf32>
    %eq3A_217 = arith.cmpf oeq, %select_n3A_212, %eq3A_216 : vector<512x4096xf32>
    %jit3A_218 = arith.constant 1.000000e+09 : f32
    %broadcast_in_dim3A_219 = vector.broadcast %jit3A_218 : f32 to vector<512x4096xf32>
    %select_n3A_220 = arith.select %eq3A_217, %convert_element_type3A, %broadcast_in_dim3A_219 : vector<512x4096xi1>, vector<512x4096xf32>
    %reduce_min3A_221 = arith.constant dense<0x7F800000> : vector<512xf32>
    %reduce_min3A_222 = vector.multi_reduction <minimumf>, %select_n3A_220, %reduce_min3A_221 [1] : vector<512x4096xf32> to vector<512xf32>
    %broadcast_in_dim3A_223 = vector.shape_cast %reduce_min3A_222 : vector<512xf32> to vector<512x1xf32>
    %convert_element_type3A_224 = arith.fptosi %broadcast_in_dim3A_223 : vector<512x1xf32> to vector<512x1xi32>
    %swap3A_225 = arith.constant 0 : index
    %swap3A_226 = arith.constant 9 : index
    %swap3A_227 = vector.load %arg6[%swap3A_225, %swap3A_226] : memref<512x20xi32, #tpu.memory_space<vmem>>, vector<512x1xi32>
    tpu.vector_store %arg6[%swap3A_225, %swap3A_226], %convert_element_type3A_224 {strides = array<i32>} : memref<512x20xi32, #tpu.memory_space<vmem>>, vector<512x1xi32>,
    %eq3A_228 = vector.broadcast %broadcast_in_dim3A_223 : vector<512x1xf32> to vector<512x4096xf32>
    %eq3A_229 = arith.cmpf oeq, %convert_element_type3A, %eq3A_228 : vector<512x4096xf32>
    %jit3A_230 = arith.constant 0x7F800000 : f32
    %broadcast_in_dim3A_231 = vector.broadcast %jit3A_230 : f32 to vector<512x4096xf32>
    %select_n3A_232 = arith.select %eq3A_229, %broadcast_in_dim3A_231, %select_n3A_212 : vector<512x4096xi1>, vector<512x4096xf32>
    %reduce_min3A_233 = arith.constant dense<0x7F800000> : vector<512xf32>
    %reduce_min3A_234 = vector.multi_reduction <minimumf>, %select_n3A_232, %reduce_min3A_233 [1] : vector<512x4096xf32> to vector<512xf32>
    %broadcast_in_dim3A_235 = vector.shape_cast %reduce_min3A_234 : vector<512xf32> to vector<512x1xf32>
    %eq3A_236 = vector.broadcast %broadcast_in_dim3A_235 : vector<512x1xf32> to vector<512x4096xf32>
    %eq3A_237 = arith.cmpf oeq, %select_n3A_232, %eq3A_236 : vector<512x4096xf32>
    %jit3A_238 = arith.constant 1.000000e+09 : f32
    %broadcast_in_dim3A_239 = vector.broadcast %jit3A_238 : f32 to vector<512x4096xf32>
    %select_n3A_240 = arith.select %eq3A_237, %convert_element_type3A, %broadcast_in_dim3A_239 : vector<512x4096xi1>, vector<512x4096xf32>
    %reduce_min3A_241 = arith.constant dense<0x7F800000> : vector<512xf32>
    %reduce_min3A_242 = vector.multi_reduction <minimumf>, %select_n3A_240, %reduce_min3A_241 [1] : vector<512x4096xf32> to vector<512xf32>
    %broadcast_in_dim3A_243 = vector.shape_cast %reduce_min3A_242 : vector<512xf32> to vector<512x1xf32>
    %convert_element_type3A_244 = arith.fptosi %broadcast_in_dim3A_243 : vector<512x1xf32> to vector<512x1xi32>
    %swap3A_245 = arith.constant 0 : index
    %swap3A_246 = arith.constant 10 : index
    %swap3A_247 = vector.load %arg6[%swap3A_245, %swap3A_246] : memref<512x20xi32, #tpu.memory_space<vmem>>, vector<512x1xi32>
    tpu.vector_store %arg6[%swap3A_245, %swap3A_246], %convert_element_type3A_244 {strides = array<i32>} : memref<512x20xi32, #tpu.memory_space<vmem>>, vector<512x1xi32>,
    %eq3A_248 = vector.broadcast %broadcast_in_dim3A_243 : vector<512x1xf32> to vector<512x4096xf32>
    %eq3A_249 = arith.cmpf oeq, %convert_element_type3A, %eq3A_248 : vector<512x4096xf32>
    %jit3A_250 = arith.constant 0x7F800000 : f32
    %broadcast_in_dim3A_251 = vector.broadcast %jit3A_250 : f32 to vector<512x4096xf32>
    %select_n3A_252 = arith.select %eq3A_249, %broadcast_in_dim3A_251, %select_n3A_232 : vector<512x4096xi1>, vector<512x4096xf32>
    %reduce_min3A_253 = arith.constant dense<0x7F800000> : vector<512xf32>
    %reduce_min3A_254 = vector.multi_reduction <minimumf>, %select_n3A_252, %reduce_min3A_253 [1] : vector<512x4096xf32> to vector<512xf32>
    %broadcast_in_dim3A_255 = vector.shape_cast %reduce_min3A_254 : vector<512xf32> to vector<512x1xf32>
    %eq3A_256 = vector.broadcast %broadcast_in_dim3A_255 : vector<512x1xf32> to vector<512x4096xf32>
    %eq3A_257 = arith.cmpf oeq, %select_n3A_252, %eq3A_256 : vector<512x4096xf32>
    %jit3A_258 = arith.constant 1.000000e+09 : f32
    %broadcast_in_dim3A_259 = vector.broadcast %jit3A_258 : f32 to vector<512x4096xf32>
    %select_n3A_260 = arith.select %eq3A_257, %convert_element_type3A, %broadcast_in_dim3A_259 : vector<512x4096xi1>, vector<512x4096xf32>
    %reduce_min3A_261 = arith.constant dense<0x7F800000> : vector<512xf32>
    %reduce_min3A_262 = vector.multi_reduction <minimumf>, %select_n3A_260, %reduce_min3A_261 [1] : vector<512x4096xf32> to vector<512xf32>
    %broadcast_in_dim3A_263 = vector.shape_cast %reduce_min3A_262 : vector<512xf32> to vector<512x1xf32>
    %convert_element_type3A_264 = arith.fptosi %broadcast_in_dim3A_263 : vector<512x1xf32> to vector<512x1xi32>
    %swap3A_265 = arith.constant 0 : index
    %swap3A_266 = arith.constant 11 : index
    %swap3A_267 = vector.load %arg6[%swap3A_265, %swap3A_266] : memref<512x20xi32, #tpu.memory_space<vmem>>, vector<512x1xi32>
    tpu.vector_store %arg6[%swap3A_265, %swap3A_266], %convert_element_type3A_264 {strides = array<i32>} : memref<512x20xi32, #tpu.memory_space<vmem>>, vector<512x1xi32>,
    %eq3A_268 = vector.broadcast %broadcast_in_dim3A_263 : vector<512x1xf32> to vector<512x4096xf32>
    %eq3A_269 = arith.cmpf oeq, %convert_element_type3A, %eq3A_268 : vector<512x4096xf32>
    %jit3A_270 = arith.constant 0x7F800000 : f32
    %broadcast_in_dim3A_271 = vector.broadcast %jit3A_270 : f32 to vector<512x4096xf32>
    %select_n3A_272 = arith.select %eq3A_269, %broadcast_in_dim3A_271, %select_n3A_252 : vector<512x4096xi1>, vector<512x4096xf32>
    %reduce_min3A_273 = arith.constant dense<0x7F800000> : vector<512xf32>
    %reduce_min3A_274 = vector.multi_reduction <minimumf>, %select_n3A_272, %reduce_min3A_273 [1] : vector<512x4096xf32> to vector<512xf32>
    %broadcast_in_dim3A_275 = vector.shape_cast %reduce_min3A_274 : vector<512xf32> to vector<512x1xf32>
    %eq3A_276 = vector.broadcast %broadcast_in_dim3A_275 : vector<512x1xf32> to vector<512x4096xf32>
    %eq3A_277 = arith.cmpf oeq, %select_n3A_272, %eq3A_276 : vector<512x4096xf32>
    %jit3A_278 = arith.constant 1.000000e+09 : f32
    %broadcast_in_dim3A_279 = vector.broadcast %jit3A_278 : f32 to vector<512x4096xf32>
    %select_n3A_280 = arith.select %eq3A_277, %convert_element_type3A, %broadcast_in_dim3A_279 : vector<512x4096xi1>, vector<512x4096xf32>
    %reduce_min3A_281 = arith.constant dense<0x7F800000> : vector<512xf32>
    %reduce_min3A_282 = vector.multi_reduction <minimumf>, %select_n3A_280, %reduce_min3A_281 [1] : vector<512x4096xf32> to vector<512xf32>
    %broadcast_in_dim3A_283 = vector.shape_cast %reduce_min3A_282 : vector<512xf32> to vector<512x1xf32>
    %convert_element_type3A_284 = arith.fptosi %broadcast_in_dim3A_283 : vector<512x1xf32> to vector<512x1xi32>
    %swap3A_285 = arith.constant 0 : index
    %swap3A_286 = arith.constant 12 : index
    %swap3A_287 = vector.load %arg6[%swap3A_285, %swap3A_286] : memref<512x20xi32, #tpu.memory_space<vmem>>, vector<512x1xi32>
    tpu.vector_store %arg6[%swap3A_285, %swap3A_286], %convert_element_type3A_284 {strides = array<i32>} : memref<512x20xi32, #tpu.memory_space<vmem>>, vector<512x1xi32>,
    %eq3A_288 = vector.broadcast %broadcast_in_dim3A_283 : vector<512x1xf32> to vector<512x4096xf32>
    %eq3A_289 = arith.cmpf oeq, %convert_element_type3A, %eq3A_288 : vector<512x4096xf32>
    %jit3A_290 = arith.constant 0x7F800000 : f32
    %broadcast_in_dim3A_291 = vector.broadcast %jit3A_290 : f32 to vector<512x4096xf32>
    %select_n3A_292 = arith.select %eq3A_289, %broadcast_in_dim3A_291, %select_n3A_272 : vector<512x4096xi1>, vector<512x4096xf32>
    %reduce_min3A_293 = arith.constant dense<0x7F800000> : vector<512xf32>
    %reduce_min3A_294 = vector.multi_reduction <minimumf>, %select_n3A_292, %reduce_min3A_293 [1] : vector<512x4096xf32> to vector<512xf32>
    %broadcast_in_dim3A_295 = vector.shape_cast %reduce_min3A_294 : vector<512xf32> to vector<512x1xf32>
    %eq3A_296 = vector.broadcast %broadcast_in_dim3A_295 : vector<512x1xf32> to vector<512x4096xf32>
    %eq3A_297 = arith.cmpf oeq, %select_n3A_292, %eq3A_296 : vector<512x4096xf32>
    %jit3A_298 = arith.constant 1.000000e+09 : f32
    %broadcast_in_dim3A_299 = vector.broadcast %jit3A_298 : f32 to vector<512x4096xf32>
    %select_n3A_300 = arith.select %eq3A_297, %convert_element_type3A, %broadcast_in_dim3A_299 : vector<512x4096xi1>, vector<512x4096xf32>
    %reduce_min3A_301 = arith.constant dense<0x7F800000> : vector<512xf32>
    %reduce_min3A_302 = vector.multi_reduction <minimumf>, %select_n3A_300, %reduce_min3A_301 [1] : vector<512x4096xf32> to vector<512xf32>
    %broadcast_in_dim3A_303 = vector.shape_cast %reduce_min3A_302 : vector<512xf32> to vector<512x1xf32>
    %convert_element_type3A_304 = arith.fptosi %broadcast_in_dim3A_303 : vector<512x1xf32> to vector<512x1xi32>
    %swap3A_305 = arith.constant 0 : index
    %swap3A_306 = arith.constant 13 : index
    %swap3A_307 = vector.load %arg6[%swap3A_305, %swap3A_306] : memref<512x20xi32, #tpu.memory_space<vmem>>, vector<512x1xi32>
    tpu.vector_store %arg6[%swap3A_305, %swap3A_306], %convert_element_type3A_304 {strides = array<i32>} : memref<512x20xi32, #tpu.memory_space<vmem>>, vector<512x1xi32>,
    %eq3A_308 = vector.broadcast %broadcast_in_dim3A_303 : vector<512x1xf32> to vector<512x4096xf32>
    %eq3A_309 = arith.cmpf oeq, %convert_element_type3A, %eq3A_308 : vector<512x4096xf32>
    %jit3A_310 = arith.constant 0x7F800000 : f32
    %broadcast_in_dim3A_311 = vector.broadcast %jit3A_310 : f32 to vector<512x4096xf32>
    %select_n3A_312 = arith.select %eq3A_309, %broadcast_in_dim3A_311, %select_n3A_292 : vector<512x4096xi1>, vector<512x4096xf32>
    %reduce_min3A_313 = arith.constant dense<0x7F800000> : vector<512xf32>
    %reduce_min3A_314 = vector.multi_reduction <minimumf>, %select_n3A_312, %reduce_min3A_313 [1] : vector<512x4096xf32> to vector<512xf32>
    %broadcast_in_dim3A_315 = vector.shape_cast %reduce_min3A_314 : vector<512xf32> to vector<512x1xf32>
    %eq3A_316 = vector.broadcast %broadcast_in_dim3A_315 : vector<512x1xf32> to vector<512x4096xf32>
    %eq3A_317 = arith.cmpf oeq, %select_n3A_312, %eq3A_316 : vector<512x4096xf32>
    %jit3A_318 = arith.constant 1.000000e+09 : f32
    %broadcast_in_dim3A_319 = vector.broadcast %jit3A_318 : f32 to vector<512x4096xf32>
    %select_n3A_320 = arith.select %eq3A_317, %convert_element_type3A, %broadcast_in_dim3A_319 : vector<512x4096xi1>, vector<512x4096xf32>
    %reduce_min3A_321 = arith.constant dense<0x7F800000> : vector<512xf32>
    %reduce_min3A_322 = vector.multi_reduction <minimumf>, %select_n3A_320, %reduce_min3A_321 [1] : vector<512x4096xf32> to vector<512xf32>
    %broadcast_in_dim3A_323 = vector.shape_cast %reduce_min3A_322 : vector<512xf32> to vector<512x1xf32>
    %convert_element_type3A_324 = arith.fptosi %broadcast_in_dim3A_323 : vector<512x1xf32> to vector<512x1xi32>
    %swap3A_325 = arith.constant 0 : index
    %swap3A_326 = arith.constant 14 : index
    %swap3A_327 = vector.load %arg6[%swap3A_325, %swap3A_326] : memref<512x20xi32, #tpu.memory_space<vmem>>, vector<512x1xi32>
    tpu.vector_store %arg6[%swap3A_325, %swap3A_326], %convert_element_type3A_324 {strides = array<i32>} : memref<512x20xi32, #tpu.memory_space<vmem>>, vector<512x1xi32>,
    %eq3A_328 = vector.broadcast %broadcast_in_dim3A_323 : vector<512x1xf32> to vector<512x4096xf32>
    %eq3A_329 = arith.cmpf oeq, %convert_element_type3A, %eq3A_328 : vector<512x4096xf32>
    %jit3A_330 = arith.constant 0x7F800000 : f32
    %broadcast_in_dim3A_331 = vector.broadcast %jit3A_330 : f32 to vector<512x4096xf32>
    %select_n3A_332 = arith.select %eq3A_329, %broadcast_in_dim3A_331, %select_n3A_312 : vector<512x4096xi1>, vector<512x4096xf32>
    %reduce_min3A_333 = arith.constant dense<0x7F800000> : vector<512xf32>
    %reduce_min3A_334 = vector.multi_reduction <minimumf>, %select_n3A_332, %reduce_min3A_333 [1] : vector<512x4096xf32> to vector<512xf32>
    %broadcast_in_dim3A_335 = vector.shape_cast %reduce_min3A_334 : vector<512xf32> to vector<512x1xf32>
    %eq3A_336 = vector.broadcast %broadcast_in_dim3A_335 : vector<512x1xf32> to vector<512x4096xf32>
    %eq3A_337 = arith.cmpf oeq, %select_n3A_332, %eq3A_336 : vector<512x4096xf32>
    %jit3A_338 = arith.constant 1.000000e+09 : f32
    %broadcast_in_dim3A_339 = vector.broadcast %jit3A_338 : f32 to vector<512x4096xf32>
    %select_n3A_340 = arith.select %eq3A_337, %convert_element_type3A, %broadcast_in_dim3A_339 : vector<512x4096xi1>, vector<512x4096xf32>
    %reduce_min3A_341 = arith.constant dense<0x7F800000> : vector<512xf32>
    %reduce_min3A_342 = vector.multi_reduction <minimumf>, %select_n3A_340, %reduce_min3A_341 [1] : vector<512x4096xf32> to vector<512xf32>
    %broadcast_in_dim3A_343 = vector.shape_cast %reduce_min3A_342 : vector<512xf32> to vector<512x1xf32>
    %convert_element_type3A_344 = arith.fptosi %broadcast_in_dim3A_343 : vector<512x1xf32> to vector<512x1xi32>
    %swap3A_345 = arith.constant 0 : index
    %swap3A_346 = arith.constant 15 : index
    %swap3A_347 = vector.load %arg6[%swap3A_345, %swap3A_346] : memref<512x20xi32, #tpu.memory_space<vmem>>, vector<512x1xi32>
    tpu.vector_store %arg6[%swap3A_345, %swap3A_346], %convert_element_type3A_344 {strides = array<i32>} : memref<512x20xi32, #tpu.memory_space<vmem>>, vector<512x1xi32>,
    %eq3A_348 = vector.broadcast %broadcast_in_dim3A_343 : vector<512x1xf32> to vector<512x4096xf32>
    %eq3A_349 = arith.cmpf oeq, %convert_element_type3A, %eq3A_348 : vector<512x4096xf32>
    %jit3A_350 = arith.constant 0x7F800000 : f32
    %broadcast_in_dim3A_351 = vector.broadcast %jit3A_350 : f32 to vector<512x4096xf32>
    %select_n3A_352 = arith.select %eq3A_349, %broadcast_in_dim3A_351, %select_n3A_332 : vector<512x4096xi1>, vector<512x4096xf32>
    %reduce_min3A_353 = arith.constant dense<0x7F800000> : vector<512xf32>
    %reduce_min3A_354 = vector.multi_reduction <minimumf>, %select_n3A_352, %reduce_min3A_353 [1] : vector<512x4096xf32> to vector<512xf32>
    %broadcast_in_dim3A_355 = vector.shape_cast %reduce_min3A_354 : vector<512xf32> to vector<512x1xf32>
    %eq3A_356 = vector.broadcast %broadcast_in_dim3A_355 : vector<512x1xf32> to vector<512x4096xf32>
    %eq3A_357 = arith.cmpf oeq, %select_n3A_352, %eq3A_356 : vector<512x4096xf32>
    %jit3A_358 = arith.constant 1.000000e+09 : f32
    %broadcast_in_dim3A_359 = vector.broadcast %jit3A_358 : f32 to vector<512x4096xf32>
    %select_n3A_360 = arith.select %eq3A_357, %convert_element_type3A, %broadcast_in_dim3A_359 : vector<512x4096xi1>, vector<512x4096xf32>
    %reduce_min3A_361 = arith.constant dense<0x7F800000> : vector<512xf32>
    %reduce_min3A_362 = vector.multi_reduction <minimumf>, %select_n3A_360, %reduce_min3A_361 [1] : vector<512x4096xf32> to vector<512xf32>
    %broadcast_in_dim3A_363 = vector.shape_cast %reduce_min3A_362 : vector<512xf32> to vector<512x1xf32>
    %convert_element_type3A_364 = arith.fptosi %broadcast_in_dim3A_363 : vector<512x1xf32> to vector<512x1xi32>
    %swap3A_365 = arith.constant 0 : index
    %swap3A_366 = arith.constant 16 : index
    %swap3A_367 = vector.load %arg6[%swap3A_365, %swap3A_366] : memref<512x20xi32, #tpu.memory_space<vmem>>, vector<512x1xi32>
    tpu.vector_store %arg6[%swap3A_365, %swap3A_366], %convert_element_type3A_364 {strides = array<i32>} : memref<512x20xi32, #tpu.memory_space<vmem>>, vector<512x1xi32>,
    %eq3A_368 = vector.broadcast %broadcast_in_dim3A_363 : vector<512x1xf32> to vector<512x4096xf32>
    %eq3A_369 = arith.cmpf oeq, %convert_element_type3A, %eq3A_368 : vector<512x4096xf32>
    %jit3A_370 = arith.constant 0x7F800000 : f32
    %broadcast_in_dim3A_371 = vector.broadcast %jit3A_370 : f32 to vector<512x4096xf32>
    %select_n3A_372 = arith.select %eq3A_369, %broadcast_in_dim3A_371, %select_n3A_352 : vector<512x4096xi1>, vector<512x4096xf32>
    %reduce_min3A_373 = arith.constant dense<0x7F800000> : vector<512xf32>
    %reduce_min3A_374 = vector.multi_reduction <minimumf>, %select_n3A_372, %reduce_min3A_373 [1] : vector<512x4096xf32> to vector<512xf32>
    %broadcast_in_dim3A_375 = vector.shape_cast %reduce_min3A_374 : vector<512xf32> to vector<512x1xf32>
    %eq3A_376 = vector.broadcast %broadcast_in_dim3A_375 : vector<512x1xf32> to vector<512x4096xf32>
    %eq3A_377 = arith.cmpf oeq, %select_n3A_372, %eq3A_376 : vector<512x4096xf32>
    %jit3A_378 = arith.constant 1.000000e+09 : f32
    %broadcast_in_dim3A_379 = vector.broadcast %jit3A_378 : f32 to vector<512x4096xf32>
    %select_n3A_380 = arith.select %eq3A_377, %convert_element_type3A, %broadcast_in_dim3A_379 : vector<512x4096xi1>, vector<512x4096xf32>
    %reduce_min3A_381 = arith.constant dense<0x7F800000> : vector<512xf32>
    %reduce_min3A_382 = vector.multi_reduction <minimumf>, %select_n3A_380, %reduce_min3A_381 [1] : vector<512x4096xf32> to vector<512xf32>
    %broadcast_in_dim3A_383 = vector.shape_cast %reduce_min3A_382 : vector<512xf32> to vector<512x1xf32>
    %convert_element_type3A_384 = arith.fptosi %broadcast_in_dim3A_383 : vector<512x1xf32> to vector<512x1xi32>
    %swap3A_385 = arith.constant 0 : index
    %swap3A_386 = arith.constant 17 : index
    %swap3A_387 = vector.load %arg6[%swap3A_385, %swap3A_386] : memref<512x20xi32, #tpu.memory_space<vmem>>, vector<512x1xi32>
    tpu.vector_store %arg6[%swap3A_385, %swap3A_386], %convert_element_type3A_384 {strides = array<i32>} : memref<512x20xi32, #tpu.memory_space<vmem>>, vector<512x1xi32>,
    %eq3A_388 = vector.broadcast %broadcast_in_dim3A_383 : vector<512x1xf32> to vector<512x4096xf32>
    %eq3A_389 = arith.cmpf oeq, %convert_element_type3A, %eq3A_388 : vector<512x4096xf32>
    %jit3A_390 = arith.constant 0x7F800000 : f32
    %broadcast_in_dim3A_391 = vector.broadcast %jit3A_390 : f32 to vector<512x4096xf32>
    %select_n3A_392 = arith.select %eq3A_389, %broadcast_in_dim3A_391, %select_n3A_372 : vector<512x4096xi1>, vector<512x4096xf32>
    %reduce_min3A_393 = arith.constant dense<0x7F800000> : vector<512xf32>
    %reduce_min3A_394 = vector.multi_reduction <minimumf>, %select_n3A_392, %reduce_min3A_393 [1] : vector<512x4096xf32> to vector<512xf32>
    %broadcast_in_dim3A_395 = vector.shape_cast %reduce_min3A_394 : vector<512xf32> to vector<512x1xf32>
    %eq3A_396 = vector.broadcast %broadcast_in_dim3A_395 : vector<512x1xf32> to vector<512x4096xf32>
    %eq3A_397 = arith.cmpf oeq, %select_n3A_392, %eq3A_396 : vector<512x4096xf32>
    %jit3A_398 = arith.constant 1.000000e+09 : f32
    %broadcast_in_dim3A_399 = vector.broadcast %jit3A_398 : f32 to vector<512x4096xf32>
    %select_n3A_400 = arith.select %eq3A_397, %convert_element_type3A, %broadcast_in_dim3A_399 : vector<512x4096xi1>, vector<512x4096xf32>
    %reduce_min3A_401 = arith.constant dense<0x7F800000> : vector<512xf32>
    %reduce_min3A_402 = vector.multi_reduction <minimumf>, %select_n3A_400, %reduce_min3A_401 [1] : vector<512x4096xf32> to vector<512xf32>
    %broadcast_in_dim3A_403 = vector.shape_cast %reduce_min3A_402 : vector<512xf32> to vector<512x1xf32>
    %convert_element_type3A_404 = arith.fptosi %broadcast_in_dim3A_403 : vector<512x1xf32> to vector<512x1xi32>
    %swap3A_405 = arith.constant 0 : index
    %swap3A_406 = arith.constant 18 : index
    %swap3A_407 = vector.load %arg6[%swap3A_405, %swap3A_406] : memref<512x20xi32, #tpu.memory_space<vmem>>, vector<512x1xi32>
    tpu.vector_store %arg6[%swap3A_405, %swap3A_406], %convert_element_type3A_404 {strides = array<i32>} : memref<512x20xi32, #tpu.memory_space<vmem>>, vector<512x1xi32>,
    %eq3A_408 = vector.broadcast %broadcast_in_dim3A_403 : vector<512x1xf32> to vector<512x4096xf32>
    %eq3A_409 = arith.cmpf oeq, %convert_element_type3A, %eq3A_408 : vector<512x4096xf32>
    %jit3A_410 = arith.constant 0x7F800000 : f32
    %broadcast_in_dim3A_411 = vector.broadcast %jit3A_410 : f32 to vector<512x4096xf32>
    %select_n3A_412 = arith.select %eq3A_409, %broadcast_in_dim3A_411, %select_n3A_392 : vector<512x4096xi1>, vector<512x4096xf32>
    %reduce_min3A_413 = arith.constant dense<0x7F800000> : vector<512xf32>
    %reduce_min3A_414 = vector.multi_reduction <minimumf>, %select_n3A_412, %reduce_min3A_413 [1] : vector<512x4096xf32> to vector<512xf32>
    %broadcast_in_dim3A_415 = vector.shape_cast %reduce_min3A_414 : vector<512xf32> to vector<512x1xf32>
    %eq3A_416 = vector.broadcast %broadcast_in_dim3A_415 : vector<512x1xf32> to vector<512x4096xf32>
    %eq3A_417 = arith.cmpf oeq, %select_n3A_412, %eq3A_416 : vector<512x4096xf32>
    %jit3A_418 = arith.constant 1.000000e+09 : f32
    %broadcast_in_dim3A_419 = vector.broadcast %jit3A_418 : f32 to vector<512x4096xf32>
    %select_n3A_420 = arith.select %eq3A_417, %convert_element_type3A, %broadcast_in_dim3A_419 : vector<512x4096xi1>, vector<512x4096xf32>
    %reduce_min3A_421 = arith.constant dense<0x7F800000> : vector<512xf32>
    %reduce_min3A_422 = vector.multi_reduction <minimumf>, %select_n3A_420, %reduce_min3A_421 [1] : vector<512x4096xf32> to vector<512xf32>
    %broadcast_in_dim3A_423 = vector.shape_cast %reduce_min3A_422 : vector<512xf32> to vector<512x1xf32>
    %convert_element_type3A_424 = arith.fptosi %broadcast_in_dim3A_423 : vector<512x1xf32> to vector<512x1xi32>
    %swap3A_425 = arith.constant 0 : index
    %swap3A_426 = arith.constant 19 : index
    %swap3A_427 = vector.load %arg6[%swap3A_425, %swap3A_426] : memref<512x20xi32, #tpu.memory_space<vmem>>, vector<512x1xi32>
    tpu.vector_store %arg6[%swap3A_425, %swap3A_426], %convert_element_type3A_424 {strides = array<i32>} : memref<512x20xi32, #tpu.memory_space<vmem>>, vector<512x1xi32>,
    return
  }
  func.func @transform_0(%arg0: i32) -> (i32, i32) {
    %c0_i32 = arith.constant 0 : i32
    %c0_i32_0 = arith.constant 0 : i32
    return %arg0, %c0_i32 : i32, i32
  }
  func.func @transform_1(%arg0: i32) -> (i32, i32) {
    %c0_i32 = arith.constant 0 : i32
    %c0_i32_0 = arith.constant 0 : i32
    %c0_i32_1 = arith.constant 0 : i32
    return %c0_i32, %c0_i32_0 : i32, i32
  }
  func.func @transform_2(%arg0: i32) -> (i32, i32) {
    %c0_i32 = arith.constant 0 : i32
    %c0_i32_0 = arith.constant 0 : i32
    return %arg0, %c0_i32 : i32, i32
  }
  func.func @transform_3(%arg0: i32) -> (i32, i32) {
    %c0_i32 = arith.constant 0 : i32
    %c0_i32_0 = arith.constant 0 : i32
    %c0_i32_1 = arith.constant 0 : i32
    return %c0_i32, %c0_i32_0 : i32, i32
  }
  func.func @transform_4(%arg0: i32) -> (i32, i32) {
    %c0_i32 = arith.constant 0 : i32
    %c0_i32_0 = arith.constant 0 : i32
    %c0_i32_1 = arith.constant 0 : i32
    return %c0_i32, %c0_i32_0 : i32, i32
  }
  func.func @transform_5(%arg0: i32) -> (i32, i32) {
    %c0_i32 = arith.constant 0 : i32
    %c0_i32_0 = arith.constant 0 : i32
    return %arg0, %c0_i32 : i32, i32
  }
  func.func @transform_6(%arg0: i32) -> (i32, i32) {
    %c0_i32 = arith.constant 0 : i32
    %c0_i32_0 = arith.constant 0 : i32
    return %arg0, %c0_i32 : i32, i32
  }
  func.func @transform_7(%arg0: i32) -> (i32, i32) {
    %c0_i32 = arith.constant 0 : i32
    %c0_i32_0 = arith.constant 0 : i32
    return %arg0, %c0_i32 : i32, i32
  }
}

module attributes {stable_mosaic.version = 14 : i64} {
  func.func @_final_kernel(%arg0: memref<4096x32xf32, #tpu.memory_space<vmem>>, %arg1: memref<4096x32xf32, #tpu.memory_space<vmem>>, %arg2: memref<4096x32xf32, #tpu.memory_space<vmem>>, %arg3: memref<4096x32xf32, #tpu.memory_space<vmem>>, %arg4: memref<4096x32xf32, #tpu.memory_space<vmem>>, %arg5: memref<4096x32xf32, #tpu.memory_space<vmem>>, %arg6: memref<4096x32xf32, #tpu.memory_space<vmem>>, %arg7: memref<4096x32xf32, #tpu.memory_space<vmem>>, %arg8: memref<32x256xf32, #tpu.memory_space<vmem>>, %arg9: memref<1x32xf32, #tpu.memory_space<vmem>>, %arg10: memref<1x32xf32, #tpu.memory_space<vmem>>, %arg11: memref<1x256xf32, #tpu.memory_space<vmem>>, %arg12: memref<1x256xf32, #tpu.memory_space<vmem>>, %arg13: memref<8192x256xf32, #tpu.memory_space<vmem>>) attributes {dimension_semantics = [], scalar_prefetch = 0 : i64, scratch_operands = 0 : i64, tpu.core_type = #tpu.core_type<tc>} {
    %get3A = arith.constant 0 : index
    %get3A_0 = arith.constant 0 : index
    %get3A_1 = vector.load %arg0[%get3A, %get3A_0] : memref<4096x32xf32, #tpu.memory_space<vmem>>, vector<4096x32xf32>
    %get3A_2 = arith.constant 0 : index
    %get3A_3 = arith.constant 0 : index
    %get3A_4 = vector.load %arg1[%get3A_2, %get3A_3] : memref<4096x32xf32, #tpu.memory_space<vmem>>, vector<4096x32xf32>
    %concatenate3A = tpu.concatenate %get3A_1, %get3A_4 in 0 : vector<4096x32xf32>, vector<4096x32xf32> -> vector<8192x32xf32>
    %get3A_5 = arith.constant 0 : index
    %get3A_6 = arith.constant 0 : index
    %get3A_7 = vector.load %arg2[%get3A_5, %get3A_6] : memref<4096x32xf32, #tpu.memory_space<vmem>>, vector<4096x32xf32>
    %get3A_8 = arith.constant 0 : index
    %get3A_9 = arith.constant 0 : index
    %get3A_10 = vector.load %arg3[%get3A_8, %get3A_9] : memref<4096x32xf32, #tpu.memory_space<vmem>>, vector<4096x32xf32>
    %concatenate3A_11 = tpu.concatenate %get3A_7, %get3A_10 in 0 : vector<4096x32xf32>, vector<4096x32xf32> -> vector<8192x32xf32>
    %get3A_12 = arith.constant 0 : index
    %get3A_13 = arith.constant 0 : index
    %get3A_14 = vector.load %arg4[%get3A_12, %get3A_13] : memref<4096x32xf32, #tpu.memory_space<vmem>>, vector<4096x32xf32>
    %get3A_15 = arith.constant 0 : index
    %get3A_16 = arith.constant 0 : index
    %get3A_17 = vector.load %arg5[%get3A_15, %get3A_16] : memref<4096x32xf32, #tpu.memory_space<vmem>>, vector<4096x32xf32>
    %concatenate3A_18 = tpu.concatenate %get3A_14, %get3A_17 in 0 : vector<4096x32xf32>, vector<4096x32xf32> -> vector<8192x32xf32>
    %get3A_19 = arith.constant 0 : index
    %get3A_20 = arith.constant 0 : index
    %get3A_21 = vector.load %arg6[%get3A_19, %get3A_20] : memref<4096x32xf32, #tpu.memory_space<vmem>>, vector<4096x32xf32>
    %get3A_22 = arith.constant 0 : index
    %get3A_23 = arith.constant 0 : index
    %get3A_24 = vector.load %arg7[%get3A_22, %get3A_23] : memref<4096x32xf32, #tpu.memory_space<vmem>>, vector<4096x32xf32>
    %concatenate3A_25 = tpu.concatenate %get3A_21, %get3A_24 in 0 : vector<4096x32xf32>, vector<4096x32xf32> -> vector<8192x32xf32>
    %mul3A = arith.constant 2.000000e+01 : f32
    %mul3A_26 = vector.broadcast %mul3A : f32 to vector<8192x32xf32>
    %mul3A_27 = arith.mulf %mul3A_26, %concatenate3A : vector<8192x32xf32>
    %sub3A = arith.subf %concatenate3A_11, %mul3A_27 : vector<8192x32xf32>
    %reduce_sum3A = arith.constant dense<0.000000e+00> : vector<32xf32>
    %reduce_sum3A_28 = vector.multi_reduction <add>, %sub3A, %reduce_sum3A [0] : vector<8192x32xf32> to vector<32xf32>
    %broadcast_in_dim3A = vector.shape_cast %reduce_sum3A_28 : vector<32xf32> to vector<1x32xf32>
    %div3A = arith.constant 1.638400e+05 : f32
    %div3A_29 = vector.broadcast %div3A : f32 to vector<1x32xf32>
    %div3A_30 = arith.divf %broadcast_in_dim3A, %div3A_29 : vector<1x32xf32>
    %mul3A_31 = arith.constant 2.000000e+00 : f32
    %mul3A_32 = vector.broadcast %mul3A_31 : f32 to vector<8192x32xf32>
    %mul3A_33 = arith.mulf %mul3A_32, %concatenate3A : vector<8192x32xf32>
    %mul3A_34 = arith.mulf %mul3A_33, %concatenate3A_11 : vector<8192x32xf32>
    %sub3A_35 = arith.subf %concatenate3A_18, %mul3A_34 : vector<8192x32xf32>
    %mul3A_36 = arith.mulf %concatenate3A, %concatenate3A : vector<8192x32xf32>
    %mul3A_37 = arith.constant 2.000000e+01 : f32
    %mul3A_38 = vector.broadcast %mul3A_37 : f32 to vector<8192x32xf32>
    %mul3A_39 = arith.mulf %mul3A_38, %mul3A_36 : vector<8192x32xf32>
    %add3A = arith.addf %sub3A_35, %mul3A_39 : vector<8192x32xf32>
    %reduce_sum3A_40 = arith.constant dense<0.000000e+00> : vector<32xf32>
    %reduce_sum3A_41 = vector.multi_reduction <add>, %add3A, %reduce_sum3A_40 [0] : vector<8192x32xf32> to vector<32xf32>
    %broadcast_in_dim3A_42 = vector.shape_cast %reduce_sum3A_41 : vector<32xf32> to vector<1x32xf32>
    %div3A_43 = arith.constant 1.638400e+05 : f32
    %div3A_44 = vector.broadcast %div3A_43 : f32 to vector<1x32xf32>
    %div3A_45 = arith.divf %broadcast_in_dim3A_42, %div3A_44 : vector<1x32xf32>
    %mul3A_46 = arith.mulf %div3A_30, %div3A_30 : vector<1x32xf32>
    %sub3A_47 = arith.subf %div3A_45, %mul3A_46 : vector<1x32xf32>
    %get3A_48 = arith.constant 0 : index
    %get3A_49 = arith.constant 0 : index
    %get3A_50 = vector.load %arg9[%get3A_48, %get3A_49] : memref<1x32xf32, #tpu.memory_space<vmem>>, vector<1x32xf32>
    %add3A_51 = arith.constant 9.99999974E-6 : f32
    %add3A_52 = vector.broadcast %add3A_51 : f32 to vector<1x32xf32>
    %add3A_53 = arith.addf %sub3A_47, %add3A_52 : vector<1x32xf32>
    %sqrt3A = math.sqrt %add3A_53 : vector<1x32xf32>
    %div3A_54 = arith.divf %get3A_50, %sqrt3A : vector<1x32xf32>
    %sub3A_55 = arith.subf %concatenate3A_25, %concatenate3A : vector<8192x32xf32>
    %sub3A_56 = vector.broadcast %div3A_30 : vector<1x32xf32> to vector<8192x32xf32>
    %sub3A_57 = arith.subf %sub3A_55, %sub3A_56 : vector<8192x32xf32>
    %mul3A_58 = vector.broadcast %div3A_54 : vector<1x32xf32> to vector<8192x32xf32>
    %mul3A_59 = arith.mulf %sub3A_57, %mul3A_58 : vector<8192x32xf32>
    %get3A_60 = arith.constant 0 : index
    %get3A_61 = arith.constant 0 : index
    %get3A_62 = vector.load %arg10[%get3A_60, %get3A_61] : memref<1x32xf32, #tpu.memory_space<vmem>>, vector<1x32xf32>
    %add3A_63 = vector.broadcast %get3A_62 : vector<1x32xf32> to vector<8192x32xf32>
    %add3A_64 = arith.addf %mul3A_59, %add3A_63 : vector<8192x32xf32>
    %ge3A = arith.constant 0.000000e+00 : f32
    %ge3A_65 = vector.broadcast %ge3A : f32 to vector<8192x32xf32>
    %ge3A_66 = arith.cmpf oge, %add3A_64, %ge3A_65 : vector<8192x32xf32>
    %mul3A_67 = arith.constant 2.000000e-01 : f32
    %mul3A_68 = vector.broadcast %mul3A_67 : f32 to vector<8192x32xf32>
    %mul3A_69 = arith.mulf %mul3A_68, %add3A_64 : vector<8192x32xf32>
    %select_n3A = arith.select %ge3A_66, %add3A_64, %mul3A_69 : vector<8192x32xi1>, vector<8192x32xf32>
    %get3A_70 = arith.constant 0 : index
    %get3A_71 = arith.constant 0 : index
    %get3A_72 = vector.load %arg8[%get3A_70, %get3A_71] : memref<32x256xf32, #tpu.memory_space<vmem>>, vector<32x256xf32>
    %dot_general3A = arith.constant dense<0.000000e+00> : vector<8192x256xf32>
    %dot_general3A_73 = tpu.matmul %select_n3A, %get3A_72, %dot_general3A {dimension_numbers = #tpu.dot_dimension_numbers<[1], [0], [0], [1], [0, 0, 1, 1], [], []>, transpose_lhs_hint = false} : vector<8192x32xf32>, vector<32x256xf32>, vector<8192x256xf32> -> vector<8192x256xf32>
    %reduce_sum3A_74 = arith.constant dense<0.000000e+00> : vector<256xf32>
    %reduce_sum3A_75 = vector.multi_reduction <add>, %dot_general3A_73, %reduce_sum3A_74 [0] : vector<8192x256xf32> to vector<256xf32>
    %broadcast_in_dim3A_76 = vector.shape_cast %reduce_sum3A_75 : vector<256xf32> to vector<1x256xf32>
    %div3A_77 = arith.constant 8.192000e+03 : f32
    %div3A_78 = vector.broadcast %div3A_77 : f32 to vector<1x256xf32>
    %div3A_79 = arith.divf %broadcast_in_dim3A_76, %div3A_78 : vector<1x256xf32>
    %mul3A_80 = arith.mulf %dot_general3A_73, %dot_general3A_73 : vector<8192x256xf32>
    %reduce_sum3A_81 = arith.constant dense<0.000000e+00> : vector<256xf32>
    %reduce_sum3A_82 = vector.multi_reduction <add>, %mul3A_80, %reduce_sum3A_81 [0] : vector<8192x256xf32> to vector<256xf32>
    %broadcast_in_dim3A_83 = vector.shape_cast %reduce_sum3A_82 : vector<256xf32> to vector<1x256xf32>
    %div3A_84 = arith.constant 8.192000e+03 : f32
    %div3A_85 = vector.broadcast %div3A_84 : f32 to vector<1x256xf32>
    %div3A_86 = arith.divf %broadcast_in_dim3A_83, %div3A_85 : vector<1x256xf32>
    %mul3A_87 = arith.mulf %div3A_79, %div3A_79 : vector<1x256xf32>
    %sub3A_88 = arith.subf %div3A_86, %mul3A_87 : vector<1x256xf32>
    %sub3A_89 = vector.broadcast %div3A_79 : vector<1x256xf32> to vector<8192x256xf32>
    %sub3A_90 = arith.subf %dot_general3A_73, %sub3A_89 : vector<8192x256xf32>
    %get3A_91 = arith.constant 0 : index
    %get3A_92 = arith.constant 0 : index
    %get3A_93 = vector.load %arg11[%get3A_91, %get3A_92] : memref<1x256xf32, #tpu.memory_space<vmem>>, vector<1x256xf32>
    %add3A_94 = arith.constant 9.99999974E-6 : f32
    %add3A_95 = vector.broadcast %add3A_94 : f32 to vector<1x256xf32>
    %add3A_96 = arith.addf %sub3A_88, %add3A_95 : vector<1x256xf32>
    %sqrt3A_97 = math.sqrt %add3A_96 : vector<1x256xf32>
    %div3A_98 = arith.divf %get3A_93, %sqrt3A_97 : vector<1x256xf32>
    %mul3A_99 = vector.broadcast %div3A_98 : vector<1x256xf32> to vector<8192x256xf32>
    %mul3A_100 = arith.mulf %sub3A_90, %mul3A_99 : vector<8192x256xf32>
    %get3A_101 = arith.constant 0 : index
    %get3A_102 = arith.constant 0 : index
    %get3A_103 = vector.load %arg12[%get3A_101, %get3A_102] : memref<1x256xf32, #tpu.memory_space<vmem>>, vector<1x256xf32>
    %add3A_104 = vector.broadcast %get3A_103 : vector<1x256xf32> to vector<8192x256xf32>
    %add3A_105 = arith.addf %mul3A_100, %add3A_104 : vector<8192x256xf32>
    %ge3A_106 = arith.constant 0.000000e+00 : f32
    %ge3A_107 = vector.broadcast %ge3A_106 : f32 to vector<8192x256xf32>
    %ge3A_108 = arith.cmpf oge, %add3A_105, %ge3A_107 : vector<8192x256xf32>
    %mul3A_109 = arith.constant 2.000000e-01 : f32
    %mul3A_110 = vector.broadcast %mul3A_109 : f32 to vector<8192x256xf32>
    %mul3A_111 = arith.mulf %mul3A_110, %add3A_105 : vector<8192x256xf32>
    %select_n3A_112 = arith.select %ge3A_108, %add3A_105, %mul3A_111 : vector<8192x256xi1>, vector<8192x256xf32>
    %swap3A = arith.constant 0 : index
    %swap3A_113 = arith.constant 0 : index
    %swap3A_114 = vector.load %arg13[%swap3A, %swap3A_113] : memref<8192x256xf32, #tpu.memory_space<vmem>>, vector<8192x256xf32>
    tpu.vector_store %arg13[%swap3A, %swap3A_113], %select_n3A_112 {strides = array<i32>} : memref<8192x256xf32, #tpu.memory_space<vmem>>, vector<8192x256xf32>,
    return
  }
}

</mosaic_0001>

<sc_bundles>
// kernel: kernel.10.cloned.1.call-start
scs
__scs_entry_jumppad:
0x0: {  	(pc) =	sbr.rel $0x88, $3  }
0x1: {  	(tag) =	ssettag $0x0;
	lr =	simm.s32 $0x1  }
0x2: {  	[smem:$0x3F99] =	sst lr;
	_ =	strace $0xD0000000  }
0x3: {  	_ = 	snop  }
0x4: {  	_ = 	snop  }
0x5: {  	_ = 	snop  }
0x6: {  	_ = 	snop  }
0x7: {  	_ = 	snop  }
__scs_overlays_trampoline_lowered:
0x8: {  	[smem:$0x3FA8] =	sst s0  }
0x9: {  	[smem:$0x3FA9] =	sst s1  }
0xa: {  	[smem:$0x3FAA] =	sst s2  }
0xb: {  	[smem:$0x3FAB] =	sst s3  }
0xc: {  	[smem:$0x3FAC] =	sst s4  }
0xd: {  	[smem:$0x3FAD] =	sst s5  }
0xe: {  	[smem:$0x3FAE] =	sst s6  }
0xf: {  	[smem:$0x3FAF] =	sst s7  }
0x10: {  	[smem:$0x3FB0] =	sst s8  }
0x11: {  	[smem:$0x3FB1] =	sst s9;
	s0 =	simm.s32 @!p0 $0x0  }
0x12: {  	s1 =	sld [smem:$0x3F97];
	s0 =	simm.s32 @p0 $0x1  }
0x13: {  	[smem:$0x3FB2] =	sst s0;
	s0 =	simm.s32 @!p1 $0x0  }
0x14: {  	s2 =	sld [smem:$0x3F96];
	s0 =	simm.s32 @p1 $0x1  }
0x15: {  	[smem:$0x3FB3] =	sst s0;
	s0 =	simm.s32 @!p2 $0x0  }
0x16: {  	s3 =	sld [smem:$0x3FDB];
	s0 =	simm.s32 @p2 $0x1  }
0x17: {  	s4 =	simm.s32 $0x1BF5;
	[smem:$0x3FB5] =	sst s0  }
0x18: {  	s0 =	sld [smem:$0x3F98];
	_ =	swait.ge [sflag:s4], $0x0  }
0x19: {  	s7 =	sld [smem:$0x3F99]  }
0x1a: {  	s8 =	sadd.s32 $0xFFFFE003, lr  }
0x1b: {  	s9 =	sadd.s32 $0xFFFFFEF7, lr;
	s5 =	simm.s32 $0xFFFFFFFF;
	p2 =	slt.u32 s8, $0xFFFFF086  }
0x1c: {  	p1 =	slt.u32 s9, $0xF7A;
	s5 =	simm.s32 @!p2 $0x0  }
0x1d: {  	s5 =	simm.s32 @p1 $0x1;
	p0 =	seq.s32 s7, s2  }
0x1e: {  	s7 =	smul.u32 @!p0 $0xF7A, s2;
	p2 =	seq.s32 @!p0 s5, $0x0  }
0x1f: {  	s9 =	smul.u32 $0xF7A, s1;
	s8 =	simm.s32 @!p0 $0x1BF5;
	p2 =	por !p2, p0  }
0x20: {  	[sflag:s8] =	ssyncset.s32 @!p0 $0xFFFFF086;
	s6 =	sadd.s32 @!p0 s3, s7;
	s7 =	simm.s32 @!p0 $0x108  }
0x21: {  	s3 =	sadd.s32 s3, s9;
	s6 =	sadd.s32 @!p0 $0x88, s6;
	s7 =	simm.s32 @p2 $0x1082  }
0x22: {  	[simem:s7], [sflag:s8] =	dma.local @!p0 [hbm:s6], $0xF7A  }
0x23: {  	s9 =	sor.u32 $0xD0000000, s2;
	s6 =	simm.s32 $0x108;
	_ =	swait.ge @!p0 [sflag:s8], $0x0  }
0x24: {  	s3 =	sadd.s32 $0x88, s3;
	s6 =	simm.s32 @!p1 $0x1082;
	[sflag:s4] =	ssyncset.s32 $0xFFFFF086  }
0x25: {  	[simem:s6], [sflag:s4] =	dma.local [hbm:s3], $0xF7A  }
0x26: {  	[smem:$0x3F99] =	sst s1;
	(tag) =	ssettag s2;
	_ =	strace s9  }
0x27: {  	s1 =	sld [smem:$0x3FA9]  }
0x28: {  	s2 =	sld [smem:$0x3FAA]  }
0x29: {  	s4 =	sld [smem:$0x3FAC]  }
0x2a: {  	p0 =	seq.s32 s5, $0x0;
	s5 =	sld [smem:$0x3FAD]  }
0x2b: {  	s6 =	sld [smem:$0x3FAE]  }
0x2c: {  	s7 =	sld [smem:$0x3FAF]  }
0x2d: {  	s3 =	simm.s32 $0x108;
	s8 =	sld [smem:$0x3FB0]  }
0x2e: {  	s3 =	simm.s32 @!p0 $0x1082;
	s9 =	sld [smem:$0x3FB1]  }
0x2f: {  	lr =	sadd.s32 s0, s3;
	s0 =	sld [smem:$0x3FA8]  }
0x30: {  	s3 =	sld [smem:$0x3FAB]  }
0x31: {  	[smem:$0x3FB4] =	sst s10  }
0x32: {  	s10 =	sld [smem:$0x3FB2];
	_ =	sdelay $0x3  }
0x33: {  	p0 =	seq.s32 s10, $0x1;
	s10 =	sld [smem:$0x3FB4];
	_ =	sdelay $0x3  }
0x34: {  	[smem:$0x3FB4] =	sst s10  }
0x35: {  	s10 =	sld [smem:$0x3FB3];
	_ =	sdelay $0x3  }
0x36: {  	p1 =	seq.s32 s10, $0x1;
	s10 =	sld [smem:$0x3FB4];
	_ =	sdelay $0x3  }
0x37: {  	[smem:$0x3FB4] =	sst s10  }
0x38: {  	s10 =	sld [smem:$0x3FB5]  }
0x39: {  	_ = 	snop;
	(pc) =	sbr.ind lr, $3  }
0x3a: {  	_ = 	snop  }
0x3b: {  	_ = 	snop  }
0x3c: {  	p2 =	seq.s32 s10, $0x1;
	s10 =	sld [smem:$0x3FB4]  }
0x3d: {  	_ =	shalt  }
0x3e: {  	_ =	shalt  }
0x3f: {  	_ =	shalt  }
0x40: {  	_ =	shalt  }
0x41: {  	_ =	shalt  }
0x42: {  	_ =	shalt  }
0x43: {  	_ =	shalt  }
0x44: {  	_ =	shalt  }
0x45: {  	_ =	shalt  }
0x46: {  	_ =	shalt  }
0x47: {  	_ =	shalt  }
0x48: {  	_ =	shalt  }
0x49: {  	_ =	shalt  }
0x4a: {  	_ =	shalt  }
0x4b: {  	_ =	shalt  }
0x4c: {  	_ =	shalt  }
0x4d: {  	_ =	shalt  }
0x4e: {  	_ =	shalt  }
0x4f: {  	_ =	shalt  }
0x50: {  	_ =	shalt  }
0x51: {  	_ =	shalt  }
0x52: {  	_ =	shalt  }
0x53: {  	_ =	shalt  }
0x54: {  	_ =	shalt  }
0x55: {  	_ =	shalt  }
0x56: {  	_ =	shalt  }
0x57: {  	_ =	shalt  }
0x58: {  	_ =	shalt  }
0x59: {  	_ =	shalt  }
0x5a: {  	_ =	shalt  }
0x5b: {  	_ =	shalt  }
0x5c: {  	_ =	shalt  }
0x5d: {  	_ =	shalt  }
0x5e: {  	_ =	shalt  }
0x5f: {  	_ =	shalt  }
0x60: {  	_ =	shalt  }
0x61: {  	_ =	shalt  }
0x62: {  	_ =	shalt  }
0x63: {  	_ =	shalt  }
0x64: {  	_ =	shalt  }
0x65: {  	_ =	shalt  }
0x66: {  	_ =	shalt  }
0x67: {  	_ =	shalt  }
0x68: {  	_ =	shalt  }
0x69: {  	_ =	shalt  }
0x6a: {  	_ =	shalt  }
0x6b: {  	_ =	shalt  }
0x6c: {  	_ =	shalt  }
0x6d: {  	_ =	shalt  }
0x6e: {  	_ =	shalt  }
0x6f: {  	_ =	shalt  }
0x70: {  	_ =	shalt  }
0x71: {  	_ =	shalt  }
0x72: {  	_ =	shalt  }
0x73: {  	_ =	shalt  }
0x74: {  	_ =	shalt  }
0x75: {  	_ =	shalt  }
0x76: {  	_ =	shalt  }
0x77: {  	_ =	shalt  }
0x78: {  	_ =	shalt  }
0x79: {  	_ =	shalt  }
0x7a: {  	_ =	shalt  }
0x7b: {  	_ =	shalt  }
0x7c: {  	_ =	shalt  }
0x7d: {  	_ =	shalt  }
0x7e: {  	_ =	shalt  }
0x7f: {  	_ =	shalt  }
0x80: {  	_ =	shalt  }
0x81: {  	_ =	shalt  }
0x82: {  	_ =	shalt  }
0x83: {  	_ =	shalt  }
0x84: {  	_ =	shalt  }
0x85: {  	_ =	shalt  }
0x86: {  	_ =	shalt  }
0x87: {  	_ =	shalt  }
.Lfunc_end0:
.L_simem_size_0:
called_computation.1_lowered:
.L_overlay_start_0:
0x88: {  	s2 =	sld [smem:$0x3FD9]  }
0x89: {  	s3 =	sld [smem:$0x3FFE];
	_ =	sdelay $0x1  }
0x8a: {  	s1 =	srdreg.scid  }
0x8b: {  	s0 =	sand.u32 $0x1, s1  }
0x8c: {  	s17 =	sshll.u32 s0, $0xA;
	s2 =	sadd.s32 s3, s2  }
0x8d: {  	s2 =	sadd.s32 s2, s17  }
0x8e: {  	[smem:$0x3FC0] =	sst s2  }
0x8f: {  	_ = 	snop  }
0x90: {  	(tm) =	ssettm $0x1  }
0x91: {  	s18 =	sld [smem:$0x3FFB];
	_ =	sdelay $0x3  }
0x92: {  	_ =	strace s18  }
0x93: {  	s2 =	sld [smem:$0x3FFC];
	_ =	sdelay $0x3  }
0x94: {  	_ =	strace s2  }
0x95: {  	s2 =	sld [smem:$0x3FFD];
	_ =	sdelay $0x3  }
0x96: {  	_ =	strace s2  }
0x97: {  	_ =	strace $0x8FFFFFFF  }
0x98: {  	s19 =	sld [smem:$0x3FDB];
	_ =	sdelay $0x1  }
0x99: {  	s20 =	simm.s32 $_scs_section_size  }
0x9a: {  	s4 =	simm.s32 $_size__tile_overlayer_lowered;
	s5 =	simm.s32 $_tile_overlayer_lowered  }
0x9b: {  	s6 =	simm.s32 $0x1BFF;
	s21 =	sshll.u32 s5, $0x1;
	s3 =	sadd.s32 s20, s19  }
0x9c: {  	s22 =	simm.s32 $0x0;
	s4 =	sshll.u32 s4, $0x1;
	s5 =	sadd.s32 s21, s3  }
0x9d: {  	[timem:s22], [sflag:s6] =	dma.local [hbm:s5], s4  }
0x9e: {  	_ =	swait.ge [sflag:s6], s4  }
0x9f: {  	s4 =	ssub.s32 $0x0, s4;
	[sflag:s6] =	ssyncset.done $0x0  }
0xa0: {  	[sflag:s6] =	ssyncadd.s32 s4;
	_ =	sdelay $0x1  }
0xa1: {  	s23 =	simm.s32 $0x1B8B  }
0xa2: {  	_ =	swait.ge [sflag:s23], $0x1  }
0xa3: {  	[sflag:s23] =	ssyncset.done $0x0  }
0xa4: {  	[sflag:s23] =	ssyncadd.s32 $0xFFFFFFFF  }
0xa5: {  	s4 =	sld [smem:$0x0]  }
0xa6: {  	s5 =	sand.u32 $0xFFFFFFFE, s1  }
0xa7: {  	p0 =	sne.s32 s1, s5  }
0xa8: {  	s5 =	sshll.u32 @p0 s5, $0xE  }
0xa9: {  	s5 =	sadd.s32 @p0 $0x11B8D, s5;
	s6 =	sshll.u32 @p0 s4, $0x11  }
0xaa: {  	s5 =	sor.u32 @p0 s6, s5  }
0xab: {  	[sflag:s5] =	ssyncadd.remote.s32 @p0 $0x1;
	_ =	sdelay $0x1  }
0xac: {  	s5 =	simm.s32 @p0 $0x1B8D  }
0xad: {  	_ =	swait.eq @p0 [sflag:s5], $0x1  }
0xae: {  	[sflag:s5] =	ssyncadd.s32 @p0 $0xFFFFFFFF  }
0xaf: {  	s6 =	sshll.u32 @!p0 s1, $0xE  }
0xb0: {  	s6 =	sor.u32 @!p0 $0x4000, s6;
	s5 =	simm.s32 @!p0 $0x1B8D  }
0xb1: {  	s4 =	sshll.u32 @!p0 s4, $0x11;
	s6 =	sadd.s32 @!p0 $0x11B8D, s6;
	_ =	swait.eq @!p0 [sflag:s5], $0x1  }
0xb2: {  	s4 =	sor.u32 @!p0 s4, s6;
	[sflag:s5] =	ssyncadd.s32 @!p0 $0xFFFFFFFF  }
0xb3: {  	s25 =	simm.s32 $0x1B8E;
	s24 =	sld [smem:$0x3FFE];
	[sflag:s4] =	ssyncadd.remote.s32 @!p0 $0x1  }
0xb4: {  	s26 =	simm.s32 $execute0_lowered;
	[smem:$0x3FD2] =	sst s25  }
0xb5: {  	s5 =	sshll.u32 s26, $0x1;
	_ =	strace $0x80000049;
	[dreg:$0x1] =	wrdreg $0xFFFFFFFF  }
0xb6: {  	s28 =	simm.s32 $_size_execute0_lowered;
	s3 =	sadd.s32 s3, s5;
	[dreg:$0x0] =	wrdreg $0x0  }
0xb7: {  	s5 =	sshll.u32 s28, $0x1;
	[dreg:$0x2] =	wrdreg s3  }
0xb8: {  	[dreg:$0x3] =	wrdreg s5  }
0xb9: {  	[dreg:$0x4] =	wrdreg $0xC0  }
0xba: {  	_ =	task [dreg:s22], $0x5FFFF  }
0xbb: {  	[dreg:$0x1] =	wrdreg $0xFFFFFFFF  }
0xbc: {  	[dreg:$0x0] =	wrdreg $0x60  }
0xbd: {  	[dreg:$0x2] =	wrdreg s24  }
0xbe: {  	[dreg:$0x3] =	wrdreg $0xA  }
0xbf: {  	_ =	task.clear_ibuf [dreg:s22], $0x4FFFF;
	_ =	strace $0x90000049  }
0xc0: {  	s29 =	simm.s32 $0xA;
	_ =	strace $0x8000004B  }
0xc1: {  	_ =	swait.ge [sflag:s29], $0x1  }
0xc2: {  	[sflag:s29] =	ssyncadd.s32 $0xFFFFFFFF  }
0xc3: {  	_ =	strace $0x9000004B  }
0xc4: {  	_ =	sfence  }
0xc5: {  	s30 =	sld [smem:$0x0];
	_ =	sdelay $0x2  }
0xc6: {  	s31 =	sshll.u32 s1, $0xD;
	s1 =	sshrl.u32 s1, $0x2  }
0xc7: {  	s4 =	sand.u32 $0x4000, s31;
	s1 =	sadd.s32 s1, s30  }
0xc8: {  	s0 =	sor.u32 s4, s0;
	s1 =	sshll.u32 s1, $0x11  }
0xc9: {  	s0 =	sor.u32 s1, s0  }
0xca: {  	s0 =	sadd.s32 $0x8F2B, s0  }
0xcb: {  	[sflag:s0] =	ssyncadd.remote.s32 $0x1  }
0xcc: {  	_ =	sfence.sel $0xFFFF  }
0xcd: {  	[dreg:$0x0] =	wrdreg $0xFFFFFFFF;
	(pc) =	sbr.abs _section_cstart, $3  }
0xce: {  	[dreg:$0x1] =	wrdreg $0xFFFFFFFF  }
0xcf: {  	_ =	task.clear_ibuf [dreg:s22], $0x2FFFF;
	_ =	strace $0x9FFFFFFF  }
0xd0: {  	(tm) =	ssettm $0x7FFFFFFF  }
0xd1: {  	_ =	shalt  }
tec
execute0_lowered:
.L_overlay_start_1:
0x0: {  	(tag) =	ssettag $0x1  }
0x1: {  	s1 =	srdreg.scid  }
0x2: {  	s0 =	stileid.u32;
	s6 =	rddreg [dreg:$0x0];
	s2 =	simm.s32 $0x0  }
0x3: {  	s11 =	simm.s32 $0x80;
	s12 =	simm.s32 $0xC00;
	s13 =	simm.s32 $0x4C00  }
0x4: {  	s14 =	simm.s32 $0x8C00;
	s15 =	simm.s32 $0xCC00;
	s16 =	simm.s32 $0x10C00  }
0x5: {  	s17 =	simm.s32 $0x1;
	s18 =	simm.s32 $0x14C00;
	s19 =	simm.s32 $0x15C00  }
0x6: {  	s20 =	simm.s32 $0x16C00;
	s4 =	sand.u32 $0x1, s1;
	s1 =	rddreg [dreg:$0x1]  }
0x7: {  	s21 =	simm.s32 $0x0;
	s3 =	sshll.u32 s0, $0x1;
	[smem:$0x7FF] =	sst s2  }
0x8: {  	s8 =	sor.u32 s4, s3;
	_ =	strace $0x8000004A;
	s7 =	ssub.s32 $0x2, s4  }
0x9: {  	s3 =	sadd.s32 $0x36600, s6;
	s5 =	smul.u32 $0x180, s8;
	s10 =	sshrl.u32 s7, $0x1  }
0xa: {  	s4 =	sadd.s32 $0x49600, s6;
	s8 =	sshll.u32 s8, $0xB;
	s10 =	ssub.s32 s7, s10  }
0xb: {  	s9 =	sadd.s32 s5, s6;
	s5 =	sadd.s32 $0x59600, s6;
	s6 =	sadd.s32 $0x69600, s6  }
0xc: {  	s7 =	sadd.s32 $0x46600, s9;
	s9 =	smax.u32 s10, $0x1;
	s10 =	simm.s32 $0x2  }
.LBB2_1:
0xd: {  	[tilespmem:s2], [sflag:$0x2] =	stream.linear.gather [hbm4b:s7+s2], $0xA00, $0x38;
	[tilespmem:$0x17C00] =	vst v63  }
0xe: {  	_ =	swait.ge [sflag:s10], $0xA00  }
0xf: {  	[sflag:s10] =	ssyncset.done $0x0  }
0x10: {  	s22 =	simm.s32 $0x0;
	[sflag:s10] =	ssyncadd.s32 $0xFFFFF600  }
.LBB2_2:
0x11: {  	s23 =	smul.u32 $0xA00, s22;
	_ =	sdelay $0x1  }
0x12: {  	s23 =	sshra.s32 s23, $0x2  }
0x13: {  	[tilespmem:s12], [sflag:$0x1] =	stream.indirect.gather [hbm4b:s3+s11], $0x80, s23, s11, $0xb8;
	[tilespmem:$0x17C00] =	vst v63  }
0x14: {  	s24 =	sadd.s32 $0x80, s23  }
0x15: {  	[tilespmem:s13], [sflag:$0x1] =	stream.indirect.gather [hbm4b:s3+s11], $0x80, s24, s11, $0xb8;
	[tilespmem:$0x17C00] =	vst v63  }
0x16: {  	s30 =	sadd.s32 $0x100, s23  }
0x17: {  	[tilespmem:s14], [sflag:$0x1] =	stream.indirect.gather [hbm4b:s3+s11], $0x80, s30, s11, $0xb8;
	[tilespmem:$0x17C00] =	vst v63  }
0x18: {  	s31 =	sadd.s32 $0x180, s23  }
0x19: {  	[tilespmem:s15], [sflag:$0x1] =	stream.indirect.gather [hbm4b:s3+s11], $0x80, s31, s11, $0xb8;
	[tilespmem:$0x17C00] =	vst v63  }
0x1a: {  	s23 =	sadd.s32 $0x200, s23  }
0x1b: {  	[tilespmem:s16], [sflag:$0x1] =	stream.indirect.gather [hbm4b:s3+s11], $0x80, s23, s11, $0xb8;
	[tilespmem:$0x17C00] =	vst v63  }
0x1c: {  	_ =	swait.ge [sflag:s17], $0x4000  }
0x1d: {  	[sflag:s17] =	ssyncset.done $0x0  }
0x1e: {  	[sflag:s17] =	ssyncadd.s32 $0xFFFFC000  }
0x1f: {  	_ =	swait.ge [sflag:s17], $0x4000  }
0x20: {  	[sflag:s17] =	ssyncset.done $0x0  }
0x21: {  	[sflag:s17] =	ssyncadd.s32 $0xFFFFC000  }
0x22: {  	_ =	swait.ge [sflag:s17], $0x4000  }
0x23: {  	[sflag:s17] =	ssyncset.done $0x0  }
0x24: {  	[sflag:s17] =	ssyncadd.s32 $0xFFFFC000  }
0x25: {  	_ =	swait.ge [sflag:s17], $0x4000  }
0x26: {  	[sflag:s17] =	ssyncset.done $0x0  }
0x27: {  	[sflag:s17] =	ssyncadd.s32 $0xFFFFC000  }
0x28: {  	_ =	swait.ge [sflag:s17], $0x4000  }
0x29: {  	[sflag:s17] =	ssyncset.done $0x0  }
0x2a: {  	s23 =	simm.s32 $0x1100;
	[sflag:s17] =	ssyncadd.s32 $0xFFFFC000  }
0x2b: {  	v0 =	vld [tilespmem:s23+$0xFFFFFB80]  }
0x2c: {  	v1 =	vld [tilespmem:s23+$0xFFFFFB00];
	_ =	sdelay $0x1  }
0x2d: {  	v2 =	vld [tilespmem:s23+$0xFFFFFC00];
	_ =	sdelay $0x1  }
0x2e: {  	v3 =	vld [tilespmem:s23+$0xFFFFFC80]  }
0x2f: {  	v4 =	vmul.f32 v1, v1;
	v5 =	vmul.f32 v0, v0  }
0x30: {  	v7 =	vld [tilespmem:s23+$0xFFFFFD00];
	v6 =	vadd.f32 v0, v1  }
0x31: {  	v4 =	vadd.f32 v5, v4;
	v5 =	vmul.f32 v2, v2  }
0x32: {  	v8 =	vld [tilespmem:s23+$0xFFFFFD80];
	v6 =	vadd.f32 v2, v6  }
0x33: {  	v4 =	vadd.f32 v5, v4;
	v5 =	vmul.f32 v3, v3  }
0x34: {  	v9 =	vld [tilespmem:s23+$0xFFFFFE00];
	v6 =	vadd.f32 v3, v6  }
0x35: {  	v4 =	vadd.f32 v5, v4;
	v5 =	vmul.f32 v7, v7  }
0x36: {  	v10 =	vld [tilespmem:s23+$0xFFFFFE80];
	v6 =	vadd.f32 v7, v6  }
0x37: {  	v4 =	vadd.f32 v5, v4;
	v5 =	vmul.f32 v8, v8  }
0x38: {  	v11 =	vld [tilespmem:s23+$0xFFFFFF00];
	v6 =	vadd.f32 v8, v6  }
0x39: {  	v12 =	vmul.f32 v9, v9;
	v4 =	vadd.f32 v5, v4  }
0x3a: {  	v5 =	vld [tilespmem:s23+$0xFFFFFF80];
	v6 =	vadd.f32 v9, v6  }
0x3b: {  	v13 =	vmul.f32 v10, v10;
	v4 =	vadd.f32 v12, v4  }
0x3c: {  	v53 =	vld [tilespmem:s23+$0x0];
	v6 =	vadd.f32 v10, v6  }
0x3d: {  	v54 =	vmul.f32 v11, v11;
	v4 =	vadd.f32 v13, v4  }
0x3e: {  	v14 =	vld [tilespmem:s23+$0x80];
	v6 =	vadd.f32 v11, v6  }
0x3f: {  	v55 =	vmul.f32 v5, v5;
	v4 =	vadd.f32 v54, v4  }
0x40: {  	v15 =	vld [tilespmem:s23+$0x100];
	v6 =	vadd.f32 v5, v6  }
0x41: {  	v56 =	vmul.f32 v53, v53;
	v4 =	vadd.f32 v55, v4  }
0x42: {  	v0 =	vmax.f32 v1, v0;
	v1 =	vld [tilespmem:s23+$0x180];
	v6 =	vadd.f32 v53, v6  }
0x43: {  	v0 =	vmax.f32 v0, v2;
	v2 =	vadd.f32 v56, v4;
	v4 =	vmul.f32 v14, v14  }
0x44: {  	v0 =	vmax.f32 v0, v3;
	v3 =	vld [tilespmem:s23+$0x200];
	v6 =	vadd.f32 v14, v6  }
0x45: {  	v0 =	vmax.f32 v0, v7;
	v2 =	vadd.f32 v4, v2;
	v4 =	vmul.f32 v15, v15  }
0x46: {  	v0 =	vmax.f32 v0, v8;
	v7 =	vld [tilespmem:s23+$0x280];
	v6 =	vadd.f32 v15, v6  }
0x47: {  	v0 =	vmax.f32 v0, v9;
	v8 =	vmul.f32 v1, v1;
	v2 =	vadd.f32 v4, v2  }
0x48: {  	v0 =	vmax.f32 v0, v10;
	v4 =	vld [tilespmem:s23+$0x300];
	v6 =	vadd.f32 v1, v6  }
0x49: {  	v0 =	vmax.f32 v0, v11;
	v57 =	vmul.f32 v3, v3;
	v2 =	vadd.f32 v8, v2  }
0x4a: {  	v0 =	vmax.f32 v0, v5;
	v5 =	vld [tilespmem:s23+$0x380];
	v6 =	vadd.f32 v3, v6  }
0x4b: {  	v0 =	vmax.f32 v0, v53;
	v8 =	vmul.f32 v7, v7;
	v2 =	vadd.f32 v57, v2  }
0x4c: {  	v58 =	vld [tilespmem:s23+$0x400];
	v0 =	vmax.f32 v0, v14;
	v6 =	vadd.f32 v7, v6  }
0x4d: {  	v0 =	vmax.f32 v0, v15;
	v2 =	vadd.f32 v8, v2;
	v8 =	vmul.f32 v4, v4  }
0x4e: {  	v0 =	vmax.f32 v0, v1;
	v1 =	vld [tilespmem:s23+$0x480];
	v6 =	vadd.f32 v4, v6  }
0x4f: {  	v0 =	vmax.f32 v0, v3;
	v3 =	vmul.f32 v5, v5;
	v2 =	vadd.f32 v8, v2  }
0x50: {  	v0 =	vmax.f32 v0, v7;
	v6 =	vadd.f32 v5, v6  }
0x51: {  	v0 =	vmax.f32 v0, v4;
	v2 =	vadd.f32 v3, v2;
	v3 =	vmul.f32 v58, v58  }
0x52: {  	v0 =	vmax.f32 v0, v5;
	v4 =	vadd.f32 v58, v6  }
0x53: {  	v0 =	vmax.f32 v0, v58;
	v2 =	vadd.f32 v3, v2;
	v3 =	vmul.f32 v1, v1  }
0x54: {  	s25 =	simm.s32 $0x0;
	v0 =	vmax.f32 v0, v1;
	v1 =	vadd.f32 v1, v4  }
0x55: {  	[tilespmem:s25+$0x16C00] =	vst v0;
	v0 =	vadd.f32 v3, v2  }
0x56: {  	[tilespmem:s25+$0x14C00] =	vst v1  }
0x57: {  	[tilespmem:s25+$0x15C00] =	vst v0  }
0x58: {  	v0 =	vld [tilespmem:s23+$0xFFFFFB10]  }
0x59: {  	v1 =	vld [tilespmem:s23+$0xFFFFFB90];
	_ =	sdelay $0x1  }
0x5a: {  	v2 =	vld [tilespmem:s23+$0xFFFFFC10]  }
0x5b: {  	v3 =	vld [tilespmem:s23+$0xFFFFFC90];
	_ =	sdelay $0x1  }
0x5c: {  	v4 =	vmul.f32 v0, v0;
	v5 =	vadd.f32 v1, v0;
	v6 =	vmul.f32 v1, v1  }
0x5d: {  	v7 =	vld [tilespmem:s23+$0xFFFFFD10]  }
0x5e: {  	v8 =	vmul.f32 v2, v2;
	v4 =	vadd.f32 v6, v4;
	v5 =	vadd.f32 v2, v5  }
0x5f: {  	v0 =	vmax.f32 v0, v1;
	v1 =	vmul.f32 v3, v3;
	v6 =	vld [tilespmem:s23+$0xFFFFFD90]  }
0x60: {  	v0 =	vmax.f32 v0, v2;
	v4 =	vadd.f32 v8, v4;
	v5 =	vadd.f32 v3, v5  }
0x61: {  	v2 =	vld [tilespmem:s23+$0xFFFFFE10];
	v0 =	vmax.f32 v0, v3  }
0x62: {  	v8 =	vmul.f32 v7, v7;
	v1 =	vadd.f32 v1, v4;
	v4 =	vadd.f32 v7, v5  }
0x63: {  	v0 =	vmax.f32 v0, v7;
	v5 =	vld [tilespmem:s23+$0xFFFFFE90]  }
0x64: {  	v7 =	vld [tilespmem:s23+$0xFFFFFF10];
	v3 =	vmul.f32 v6, v6;
	v1 =	vadd.f32 v8, v1;
	v4 =	vadd.f32 v6, v4  }
0x65: {  	v0 =	vmax.f32 v0, v6  }
0x66: {  	v6 =	vmul.f32 v2, v2;
	v8 =	vld [tilespmem:s23+$0xFFFFFF90];
	v1 =	vadd.f32 v3, v1;
	v3 =	vadd.f32 v2, v4  }
0x67: {  	v0 =	vmax.f32 v0, v2;
	v2 =	vld [tilespmem:s23+$0x10]  }
0x68: {  	v59 =	vld [tilespmem:s23+$0x90];
	v4 =	vmul.f32 v5, v5;
	v1 =	vadd.f32 v6, v1;
	v3 =	vadd.f32 v5, v3  }
0x69: {  	v0 =	vmax.f32 v0, v5;
	v6 =	vmul.f32 v7, v7  }
0x6a: {  	v5 =	vld [tilespmem:s23+$0x110];
	v0 =	vmax.f32 v0, v7;
	v1 =	vadd.f32 v4, v1;
	v3 =	vadd.f32 v7, v3  }
0x6b: {  	v0 =	vmax.f32 v0, v8;
	v7 =	vmul.f32 v8, v8  }
0x6c: {  	v60 =	vld [tilespmem:s23+$0x190];
	v0 =	vmax.f32 v0, v2;
	v1 =	vadd.f32 v6, v1;
	v3 =	vadd.f32 v8, v3  }
0x6d: {  	v4 =	vld [tilespmem:s23+$0x210];
	v0 =	vmax.f32 v0, v59  }
0x6e: {  	v61 =	vld [tilespmem:s23+$0x290];
	v6 =	vmul.f32 v2, v2;
	v1 =	vadd.f32 v7, v1;
	v2 =	vadd.f32 v2, v3  }
0x6f: {  	v0 =	vmax.f32 v0, v5  }
0x70: {  	v8 =	vld [tilespmem:s23+$0x310];
	v7 =	vmul.f32 v59, v59;
	v6 =	vadd.f32 v6, v1;
	v2 =	vadd.f32 v59, v2  }
0x71: {  	v62 =	vmul.f32 v5, v5;
	v3 =	vmax.f32 v0, v60;
	v0 =	vld [tilespmem:s23+$0x390]  }
0x72: {  	v3 =	vmax.f32 v3, v4;
	v1 =	vld [tilespmem:s23+$0x410];
	v6 =	vadd.f32 v7, v6;
	v5 =	vadd.f32 v5, v2  }
0x73: {  	v3 =	vmax.f32 v3, v61  }
0x74: {  	v2 =	vld [tilespmem:s23+$0x490];
	v7 =	vmul.f32 v60, v60;
	v6 =	vadd.f32 v62, v6;
	v5 =	vadd.f32 v60, v5  }
0x75: {  	v63 =	vmul.f32 v4, v4;
	v3 =	vmax.f32 v3, v8  }
0x76: {  	v3 =	vmax.f32 v3, v0;
	v6 =	vadd.f32 v7, v6;
	v4 =	vadd.f32 v4, v5  }
0x77: {  	v3 =	vmax.f32 v3, v1  }
0x78: {  	v5 =	vmul.f32 v61, v61;
	v6 =	vadd.f32 v63, v6;
	v7 =	vadd.f32 v61, v4  }
0x79: {  	v3 =	vmax.f32 v3, v2;
	v4 =	vmul.f32 v8, v8  }
0x7a: {  	s24 =	simm.s32 $0x200;
	[tilespmem:s25+$0x16C10] =	vst v3;
	v3 =	vmul.f32 v0, v0;
	v6 =	vadd.f32 v5, v6;
	v5 =	vadd.f32 v8, v7  }
.LBB2_3:
0x7b: {  	p0 =	sne.s32 s24, $0x3E00  }
0x7c: {  	v4 =	vadd.f32 v4, v6;
	s23 =	sadd.s32 $0xA00, s23;
	s26 =	smov.u32 s24;
	s24 =	sadd.s32 $0x200, s24  }
0x7d: {  	v0 =	vadd.f32 v0, v5;
	v5 =	vmul.f32 v1, v1  }
0x7e: {  	v3 =	vadd.f32 v3, v4  }
0x7f: {  	v0 =	vadd.f32 v1, v0;
	v1 =	vmul.f32 v2, v2  }
0x80: {  	v3 =	vadd.f32 v5, v3  }
0x81: {  	v0 =	vadd.f32 v2, v0  }
0x82: {  	v1 =	vadd.f32 v1, v3  }
0x83: {  	[tilespmem:s25+$0x14C10] =	vst v0  }
0x84: {  	[tilespmem:s25+$0x15C10] =	vst v1  }
0x85: {  	v0 =	vld [tilespmem:s23+$0xFFFFFB80]  }
0x86: {  	v1 =	vld [tilespmem:s23+$0xFFFFFB00]  }
0x87: {  	v2 =	vld [tilespmem:s23+$0xFFFFFD80]  }
0x88: {  	v3 =	vld [tilespmem:s23+$0xFFFFFC00]  }
0x89: {  	v4 =	vld [tilespmem:s23+$0xFFFFFE00]  }
0x8a: {  	v5 =	vld [tilespmem:s23+$0xFFFFFC80]  }
0x8b: {  	v8 =	vmul.f32 v0, v0;
	v6 =	vmul.f32 v1, v1;
	v7 =	vadd.f32 v0, v1;
	v9 =	vld [tilespmem:s23+$0xFFFFFE80]  }
0x8c: {  	v0 =	vmax.f32 v1, v0;
	v1 =	vld [tilespmem:s23+$0xFFFFFD00]  }
0x8d: {  	v6 =	vadd.f32 v8, v6;
	v7 =	vadd.f32 v3, v7;
	v8 =	vmul.f32 v3, v3;
	v10 =	vld [tilespmem:s23+$0xFFFFFF00]  }
0x8e: {  	v0 =	vmax.f32 v0, v3;
	v3 =	vld [tilespmem:s23+$0xFFFFFF80]  }
0x8f: {  	v6 =	vadd.f32 v8, v6;
	v7 =	vadd.f32 v5, v7;
	v8 =	vmul.f32 v5, v5  }
0x90: {  	v0 =	vmax.f32 v0, v5;
	v5 =	vld [tilespmem:s23+$0x0]  }
0x91: {  	v6 =	vadd.f32 v8, v6;
	v7 =	vadd.f32 v1, v7;
	v8 =	vmul.f32 v1, v1;
	v11 =	vld [tilespmem:s23+$0x80]  }
0x92: {  	v0 =	vmax.f32 v0, v1  }
0x93: {  	v1 =	vadd.f32 v8, v6;
	v6 =	vadd.f32 v2, v7;
	v7 =	vmul.f32 v2, v2;
	v8 =	vld [tilespmem:s23+$0x100]  }
0x94: {  	v0 =	vmax.f32 v0, v2;
	v2 =	vmul.f32 v4, v4  }
0x95: {  	v0 =	vmax.f32 v0, v4;
	v1 =	vadd.f32 v7, v1;
	v6 =	vadd.f32 v4, v6  }
0x96: {  	v0 =	vmax.f32 v0, v9;
	v4 =	vmul.f32 v9, v9  }
0x97: {  	v0 =	vmax.f32 v0, v10;
	v1 =	vadd.f32 v2, v1;
	v2 =	vadd.f32 v9, v6  }
0x98: {  	v0 =	vmax.f32 v0, v3  }
0x99: {  	v1 =	vadd.f32 v4, v1;
	v2 =	vadd.f32 v10, v2;
	v4 =	vmul.f32 v10, v10  }
0x9a: {  	v0 =	vmax.f32 v0, v5  }
0x9b: {  	v1 =	vadd.f32 v4, v1;
	v2 =	vadd.f32 v3, v2;
	v3 =	vmul.f32 v3, v3;
	v4 =	vld [tilespmem:s23+$0x180]  }
0x9c: {  	v0 =	vmax.f32 v0, v11  }
0x9d: {  	v1 =	vadd.f32 v3, v1;
	v2 =	vadd.f32 v5, v2;
	v3 =	vmul.f32 v5, v5;
	v5 =	vld [tilespmem:s23+$0x200]  }
0x9e: {  	v0 =	vmax.f32 v0, v8;
	v6 =	vld [tilespmem:s23+$0x280]  }
0x9f: {  	v1 =	vadd.f32 v3, v1;
	v2 =	vadd.f32 v11, v2;
	v3 =	vmul.f32 v11, v11;
	v7 =	vld [tilespmem:s23+$0x300]  }
0xa0: {  	v0 =	vmax.f32 v0, v4;
	v9 =	vld [tilespmem:s23+$0x380]  }
0xa1: {  	v1 =	vadd.f32 v3, v1;
	v2 =	vadd.f32 v8, v2;
	v3 =	vmul.f32 v8, v8;
	v8 =	vld [tilespmem:s23+$0x400]  }
0xa2: {  	v10 =	vmul.f32 v4, v4;
	v0 =	vmax.f32 v0, v5;
	v11 =	vld [tilespmem:s23+$0x480]  }
0xa3: {  	v1 =	vadd.f32 v3, v1;
	v2 =	vadd.f32 v4, v2;
	v0 =	vmax.f32 v0, v6  }
0xa4: {  	v3 =	vmul.f32 v5, v5;
	v0 =	vmax.f32 v0, v7  }
0xa5: {  	v1 =	vadd.f32 v10, v1;
	v2 =	vadd.f32 v5, v2;
	v0 =	vmax.f32 v0, v9  }
0xa6: {  	v4 =	vmul.f32 v6, v6;
	v0 =	vmax.f32 v0, v8  }
0xa7: {  	s25 =	sshra.s32 s26, $0x2;
	v1 =	vadd.f32 v3, v1;
	v2 =	vadd.f32 v6, v2;
	v0 =	vmax.f32 v0, v11  }
0xa8: {  	[tilespmem:s25+$0x16C00] =	vst v0  }
0xa9: {  	v0 =	vadd.f32 v4, v1;
	v1 =	vadd.f32 v7, v2;
	v2 =	vmul.f32 v7, v7;
	_ =	sdelay $0x1  }
0xaa: {  	v0 =	vadd.f32 v2, v0;
	v1 =	vadd.f32 v9, v1;
	v2 =	vmul.f32 v9, v9;
	_ =	sdelay $0x1  }
0xab: {  	v0 =	vadd.f32 v2, v0;
	v1 =	vadd.f32 v8, v1;
	v2 =	vmul.f32 v8, v8;
	_ =	sdelay $0x1  }
0xac: {  	v0 =	vadd.f32 v2, v0;
	v1 =	vadd.f32 v11, v1;
	v2 =	vmul.f32 v11, v11;
	_ =	sdelay $0x1  }
0xad: {  	v0 =	vadd.f32 v2, v0;
	[tilespmem:s25+$0x14C00] =	vst v1;
	_ =	sdelay $0x1  }
0xae: {  	[tilespmem:s25+$0x15C00] =	vst v0  }
0xaf: {  	v0 =	vld [tilespmem:s23+$0xFFFFFB10]  }
0xb0: {  	v1 =	vld [tilespmem:s23+$0xFFFFFB90]  }
0xb1: {  	v2 =	vld [tilespmem:s23+$0xFFFFFC10];
	_ =	sdelay $0x1  }
0xb2: {  	v3 =	vld [tilespmem:s23+$0xFFFFFC90]  }
0xb3: {  	v4 =	vmul.f32 v0, v0  }
0xb4: {  	v5 =	vadd.f32 v1, v0;
	v6 =	vmul.f32 v1, v1;
	v0 =	vmax.f32 v0, v1;
	v1 =	vld [tilespmem:s23+$0xFFFFFD10]  }
0xb5: {  	v7 =	vmul.f32 v2, v2;
	v0 =	vmax.f32 v0, v2  }
0xb6: {  	v4 =	vadd.f32 v6, v4;
	v2 =	vadd.f32 v2, v5;
	v5 =	vld [tilespmem:s23+$0xFFFFFD90]  }
0xb7: {  	v6 =	vmul.f32 v3, v3  }
0xb8: {  	v4 =	vadd.f32 v7, v4;
	v2 =	vadd.f32 v3, v2;
	v7 =	vld [tilespmem:s23+$0xFFFFFE10]  }
0xb9: {  	v8 =	vmul.f32 v1, v1  }
0xba: {  	v4 =	vadd.f32 v6, v4;
	v2 =	vadd.f32 v1, v2;
	v6 =	vld [tilespmem:s23+$0xFFFFFE90]  }
0xbb: {  	v0 =	vmax.f32 v0, v3;
	v3 =	vmul.f32 v5, v5  }
0xbc: {  	v0 =	vmax.f32 v0, v1;
	v4 =	vadd.f32 v8, v4;
	v1 =	vadd.f32 v5, v2;
	v2 =	vld [tilespmem:s23+$0xFFFFFF10]  }
0xbd: {  	v0 =	vmax.f32 v0, v5;
	v5 =	vmul.f32 v7, v7;
	v8 =	vld [tilespmem:s23+$0xFFFFFF90]  }
0xbe: {  	v0 =	vmax.f32 v0, v7;
	v3 =	vadd.f32 v3, v4;
	v1 =	vadd.f32 v7, v1;
	v4 =	vld [tilespmem:s23+$0x10]  }
0xbf: {  	v7 =	vmul.f32 v6, v6;
	v0 =	vmax.f32 v0, v6;
	v9 =	vld [tilespmem:s23+$0x90]  }
0xc0: {  	v3 =	vadd.f32 v5, v3;
	v1 =	vadd.f32 v6, v1;
	v5 =	vld [tilespmem:s23+$0x110]  }
0xc1: {  	v6 =	vmul.f32 v2, v2;
	v0 =	vmax.f32 v0, v2;
	v10 =	vld [tilespmem:s23+$0x190]  }
0xc2: {  	v3 =	vadd.f32 v7, v3;
	v1 =	vadd.f32 v2, v1;
	v0 =	vmax.f32 v0, v8;
	v7 =	vld [tilespmem:s23+$0x210]  }
0xc3: {  	v2 =	vmul.f32 v8, v8;
	v0 =	vmax.f32 v0, v4;
	v11 =	vld [tilespmem:s23+$0x290]  }
0xc4: {  	v3 =	vadd.f32 v6, v3;
	v1 =	vadd.f32 v8, v1;
	v0 =	vmax.f32 v0, v9;
	v8 =	vld [tilespmem:s23+$0x310]  }
0xc5: {  	v6 =	vmul.f32 v4, v4;
	v12 =	vmax.f32 v0, v5;
	v0 =	vld [tilespmem:s23+$0x390]  }
0xc6: {  	v3 =	vadd.f32 v2, v3;
	v4 =	vadd.f32 v4, v1;
	v2 =	vmax.f32 v12, v10;
	v1 =	vld [tilespmem:s23+$0x410]  }
0xc7: {  	v12 =	vmul.f32 v9, v9;
	v13 =	vmax.f32 v2, v7;
	v2 =	vld [tilespmem:s23+$0x490]  }
0xc8: {  	v3 =	vadd.f32 v6, v3;
	v4 =	vadd.f32 v9, v4;
	v6 =	vmax.f32 v13, v11  }
0xc9: {  	v9 =	vmul.f32 v5, v5;
	v6 =	vmax.f32 v6, v8  }
0xca: {  	v3 =	vadd.f32 v12, v3;
	v4 =	vadd.f32 v5, v4;
	v5 =	vmax.f32 v6, v0  }
0xcb: {  	v6 =	vmul.f32 v10, v10;
	v5 =	vmax.f32 v5, v1  }
0xcc: {  	v3 =	vadd.f32 v9, v3;
	v4 =	vadd.f32 v10, v4;
	v5 =	vmax.f32 v5, v2  }
0xcd: {  	v9 =	vmul.f32 v7, v7;
	[tilespmem:s25+$0x16C10] =	vst v5  }
0xce: {  	v3 =	vadd.f32 v6, v3;
	v4 =	vadd.f32 v7, v4  }
.Ltmp0:
0xcf: {  	v5 =	vmul.f32 v11, v11;
	(pc) =	sbr.rel @p0 .LBB2_3-.Ltmp0, $4  }
0xd0: {  	v3 =	vadd.f32 v9, v3;
	v7 =	vadd.f32 v11, v4  }
0xd1: {  	v4 =	vmul.f32 v8, v8  }
0xd2: {  	v6 =	vadd.f32 v5, v3;
	v5 =	vadd.f32 v8, v7  }
0xd3: {  	v3 =	vmul.f32 v0, v0  }
0xd4: {  	v4 =	vadd.f32 v4, v6  }
0xd5: {  	v0 =	vadd.f32 v0, v5  }
0xd6: {  	v62 =	vmul.f32 v1, v1;
	v3 =	vadd.f32 v3, v4  }
0xd7: {  	v0 =	vadd.f32 v1, v0  }
0xd8: {  	v63 =	vmul.f32 v2, v2;
	v3 =	vadd.f32 v62, v3  }
0xd9: {  	v0 =	vadd.f32 v2, v0  }
0xda: {  	s23 =	sshll.u32 s22, $0x9;
	v1 =	vadd.f32 v63, v3  }
0xdb: {  	s23 =	sadd.s32 s8, s23;
	[tilespmem:s25+$0x14C10] =	vst v0  }
0xdc: {  	s24 =	sadd.s32 s4, s23;
	[tilespmem:s25+$0x15C10] =	vst v1  }
0xdd: {  	[hbm4b:s24+s2] =	stream.linear.scatter [tilespmem:s18], [sflag:$0x2], $0x1000, $0x38;
	[tilespmem:$0x17C00] =	vst v63  }
0xde: {  	_ =	swait.ge [sflag:s10], $0x1000  }
0xdf: {  	[sflag:s10] =	ssyncset.done $0x0  }
0xe0: {  	s31 =	sadd.s32 s5, s23;
	[sflag:s10] =	ssyncadd.s32 $0xFFFFF000  }
0xe1: {  	[hbm4b:s31+s2] =	stream.linear.scatter [tilespmem:s19], [sflag:$0x2], $0x1000, $0x38;
	[tilespmem:$0x17C00] =	vst v63  }
0xe2: {  	s22 =	sadd.s32 $0x1, s22;
	_ =	swait.ge [sflag:s10], $0x1000  }
0xe3: {  	p0 =	sne.s32 s22, $0x4;
	[sflag:s10] =	ssyncset.done $0x0  }
.Ltmp1:
0xe4: {  	s23 =	sadd.s32 s6, s23;
	[sflag:s10] =	ssyncadd.s32 $0xFFFFF000;
	(pc) =	sbr.rel @p0 .LBB2_2-.Ltmp1, $4  }
0xe5: {  	[hbm4b:s23+s2] =	stream.linear.scatter [tilespmem:s20], [sflag:$0x2], $0x1000, $0x38;
	[tilespmem:$0x17C00] =	vst v63  }
0xe6: {  	_ =	swait.ge [sflag:s10], $0x1000  }
0xe7: {  	[sflag:s10] =	ssyncset.done $0x0  }
0xe8: {  	[sflag:s10] =	ssyncadd.s32 $0xFFFFF000  }
0xe9: {  	s21 =	sadd.s32 $0x1, s21  }
0xea: {  	p0 =	sne.s32 s21, s9  }
.Ltmp2:
0xeb: {  	_ = 	snop;
	(pc) =	sbr.rel @p0 .LBB2_1-.Ltmp2, $1  }
0xec: {  	_ =	sdelay $0x3  }
0xed: {  	_ =	sfence.sel $0x180000  }
0xee: {  	[bflag:$0x0] =	sbarrier.arrive $0xFFFF  }
0xef: {  	p0 =	sne.s32 s0, $0x0;
	_ =	strace $0x9000004A  }
0xf0: {  	s0 =	sadd.s32 @!p0 $0x100000, s1;
	[bflag:$0x2] =	sbarrier.arrive $0xFFFF  }
0xf1: {  	[sflag:s0] =	ssyncadd.tile.s32 @!p0 $0x1;
	_ =	shalt  }
.Lfunc_end2:
_tile_overlayer_lowered:
.L_overlay_start_2:
0xf2: {  	(tag) =	ssettag $0x2  }
0xf3: {  	s0 =	rddreg [dreg:$0x0];
	s2 =	stileid.u32  }
0xf4: {  	s1 =	rddreg [dreg:$0x1];
	p0 =	sne.s32 s2, $0x0  }
0xf5: {  	s3 =	rddreg [dreg:$0x2];
	[bflag:$0x3] =	sbarrier.arrive $0xFFFF;
	s2 =	simm.s32 @!p0 $0x1C02  }
0xf6: {  	[timem:s3], [sflag:s2] =	dma.local @!p0 [hbm:s0], s1  }
0xf7: {  	s0 =	simm.s32 @!p0 $0x2  }
0xf8: {  	_ =	swait.ge @!p0 [sflag:s0], s1  }
0xf9: {  	s1 =	ssub.s32 @!p0 $0x0, s1;
	[sflag:s0] =	ssyncset.done @!p0 $0x0  }
0xfa: {  	[sflag:s0] =	ssyncadd.s32 @!p0 s1  }
0xfb: {  	[bflag:$0x3] =	sbarrier.arrive $0xFFFF  }
0xfc: {  	_ =	shalt  }

// kernel: kernel.7.cloned.1.call-start
scs
__scs_entry_jumppad:
0x0: {  	(pc) =	sbr.rel $0x88, $3  }
0x1: {  	(tag) =	ssettag $0x0;
	lr =	simm.s32 $0x1  }
0x2: {  	[smem:$0x3F99] =	sst lr;
	_ =	strace $0xD0000000  }
0x3: {  	_ = 	snop  }
0x4: {  	_ = 	snop  }
0x5: {  	_ = 	snop  }
0x6: {  	_ = 	snop  }
0x7: {  	_ = 	snop  }
__scs_overlays_trampoline_lowered:
0x8: {  	[smem:$0x3FA8] =	sst s0  }
0x9: {  	[smem:$0x3FA9] =	sst s1  }
0xa: {  	[smem:$0x3FAA] =	sst s2  }
0xb: {  	[smem:$0x3FAB] =	sst s3  }
0xc: {  	[smem:$0x3FAC] =	sst s4  }
0xd: {  	[smem:$0x3FAD] =	sst s5  }
0xe: {  	[smem:$0x3FAE] =	sst s6  }
0xf: {  	[smem:$0x3FAF] =	sst s7  }
0x10: {  	[smem:$0x3FB0] =	sst s8  }
0x11: {  	[smem:$0x3FB1] =	sst s9;
	s0 =	simm.s32 @!p0 $0x0  }
0x12: {  	s1 =	sld [smem:$0x3F97];
	s0 =	simm.s32 @p0 $0x1  }
0x13: {  	[smem:$0x3FB2] =	sst s0;
	s0 =	simm.s32 @!p1 $0x0  }
0x14: {  	s2 =	sld [smem:$0x3F96];
	s0 =	simm.s32 @p1 $0x1  }
0x15: {  	[smem:$0x3FB3] =	sst s0;
	s0 =	simm.s32 @!p2 $0x0  }
0x16: {  	s3 =	sld [smem:$0x3FDB];
	s0 =	simm.s32 @p2 $0x1  }
0x17: {  	s4 =	simm.s32 $0x1BF5;
	[smem:$0x3FB5] =	sst s0  }
0x18: {  	s0 =	sld [smem:$0x3F98];
	_ =	swait.ge [sflag:s4], $0x0  }
0x19: {  	s7 =	sld [smem:$0x3F99]  }
0x1a: {  	s8 =	sadd.s32 $0xFFFFE003, lr  }
0x1b: {  	s9 =	sadd.s32 $0xFFFFFEF7, lr;
	s5 =	simm.s32 $0xFFFFFFFF;
	p2 =	slt.u32 s8, $0xFFFFF086  }
0x1c: {  	p1 =	slt.u32 s9, $0xF7A;
	s5 =	simm.s32 @!p2 $0x0  }
0x1d: {  	s5 =	simm.s32 @p1 $0x1;
	p0 =	seq.s32 s7, s2  }
0x1e: {  	s7 =	smul.u32 @!p0 $0xF7A, s2;
	p2 =	seq.s32 @!p0 s5, $0x0  }
0x1f: {  	s9 =	smul.u32 $0xF7A, s1;
	s8 =	simm.s32 @!p0 $0x1BF5;
	p2 =	por !p2, p0  }
0x20: {  	[sflag:s8] =	ssyncset.s32 @!p0 $0xFFFFF086;
	s6 =	sadd.s32 @!p0 s3, s7;
	s7 =	simm.s32 @!p0 $0x108  }
0x21: {  	s3 =	sadd.s32 s3, s9;
	s6 =	sadd.s32 @!p0 $0x88, s6;
	s7 =	simm.s32 @p2 $0x1082  }
0x22: {  	[simem:s7], [sflag:s8] =	dma.local @!p0 [hbm:s6], $0xF7A  }
0x23: {  	s9 =	sor.u32 $0xD0000000, s2;
	s6 =	simm.s32 $0x108;
	_ =	swait.ge @!p0 [sflag:s8], $0x0  }
0x24: {  	s3 =	sadd.s32 $0x88, s3;
	s6 =	simm.s32 @!p1 $0x1082;
	[sflag:s4] =	ssyncset.s32 $0xFFFFF086  }
0x25: {  	[simem:s6], [sflag:s4] =	dma.local [hbm:s3], $0xF7A  }
0x26: {  	[smem:$0x3F99] =	sst s1;
	(tag) =	ssettag s2;
	_ =	strace s9  }
0x27: {  	s1 =	sld [smem:$0x3FA9]  }
0x28: {  	s2 =	sld [smem:$0x3FAA]  }
0x29: {  	s4 =	sld [smem:$0x3FAC]  }
0x2a: {  	p0 =	seq.s32 s5, $0x0;
	s5 =	sld [smem:$0x3FAD]  }
0x2b: {  	s6 =	sld [smem:$0x3FAE]  }
0x2c: {  	s7 =	sld [smem:$0x3FAF]  }
0x2d: {  	s3 =	simm.s32 $0x108;
	s8 =	sld [smem:$0x3FB0]  }
0x2e: {  	s3 =	simm.s32 @!p0 $0x1082;
	s9 =	sld [smem:$0x3FB1]  }
0x2f: {  	lr =	sadd.s32 s0, s3;
	s0 =	sld [smem:$0x3FA8]  }
0x30: {  	s3 =	sld [smem:$0x3FAB]  }
0x31: {  	[smem:$0x3FB4] =	sst s10  }
0x32: {  	s10 =	sld [smem:$0x3FB2];
	_ =	sdelay $0x3  }
0x33: {  	p0 =	seq.s32 s10, $0x1;
	s10 =	sld [smem:$0x3FB4];
	_ =	sdelay $0x3  }
0x34: {  	[smem:$0x3FB4] =	sst s10  }
0x35: {  	s10 =	sld [smem:$0x3FB3];
	_ =	sdelay $0x3  }
0x36: {  	p1 =	seq.s32 s10, $0x1;
	s10 =	sld [smem:$0x3FB4];
	_ =	sdelay $0x3  }
0x37: {  	[smem:$0x3FB4] =	sst s10  }
0x38: {  	s10 =	sld [smem:$0x3FB5]  }
0x39: {  	_ = 	snop;
	(pc) =	sbr.ind lr, $3  }
0x3a: {  	_ = 	snop  }
0x3b: {  	_ = 	snop  }
0x3c: {  	p2 =	seq.s32 s10, $0x1;
	s10 =	sld [smem:$0x3FB4]  }
0x3d: {  	_ =	shalt  }
0x3e: {  	_ =	shalt  }
0x3f: {  	_ =	shalt  }
0x40: {  	_ =	shalt  }
0x41: {  	_ =	shalt  }
0x42: {  	_ =	shalt  }
0x43: {  	_ =	shalt  }
0x44: {  	_ =	shalt  }
0x45: {  	_ =	shalt  }
0x46: {  	_ =	shalt  }
0x47: {  	_ =	shalt  }
0x48: {  	_ =	shalt  }
0x49: {  	_ =	shalt  }
0x4a: {  	_ =	shalt  }
0x4b: {  	_ =	shalt  }
0x4c: {  	_ =	shalt  }
0x4d: {  	_ =	shalt  }
0x4e: {  	_ =	shalt  }
0x4f: {  	_ =	shalt  }
0x50: {  	_ =	shalt  }
0x51: {  	_ =	shalt  }
0x52: {  	_ =	shalt  }
0x53: {  	_ =	shalt  }
0x54: {  	_ =	shalt  }
0x55: {  	_ =	shalt  }
0x56: {  	_ =	shalt  }
0x57: {  	_ =	shalt  }
0x58: {  	_ =	shalt  }
0x59: {  	_ =	shalt  }
0x5a: {  	_ =	shalt  }
0x5b: {  	_ =	shalt  }
0x5c: {  	_ =	shalt  }
0x5d: {  	_ =	shalt  }
0x5e: {  	_ =	shalt  }
0x5f: {  	_ =	shalt  }
0x60: {  	_ =	shalt  }
0x61: {  	_ =	shalt  }
0x62: {  	_ =	shalt  }
0x63: {  	_ =	shalt  }
0x64: {  	_ =	shalt  }
0x65: {  	_ =	shalt  }
0x66: {  	_ =	shalt  }
0x67: {  	_ =	shalt  }
0x68: {  	_ =	shalt  }
0x69: {  	_ =	shalt  }
0x6a: {  	_ =	shalt  }
0x6b: {  	_ =	shalt  }
0x6c: {  	_ =	shalt  }
0x6d: {  	_ =	shalt  }
0x6e: {  	_ =	shalt  }
0x6f: {  	_ =	shalt  }
0x70: {  	_ =	shalt  }
0x71: {  	_ =	shalt  }
0x72: {  	_ =	shalt  }
0x73: {  	_ =	shalt  }
0x74: {  	_ =	shalt  }
0x75: {  	_ =	shalt  }
0x76: {  	_ =	shalt  }
0x77: {  	_ =	shalt  }
0x78: {  	_ =	shalt  }
0x79: {  	_ =	shalt  }
0x7a: {  	_ =	shalt  }
0x7b: {  	_ =	shalt  }
0x7c: {  	_ =	shalt  }
0x7d: {  	_ =	shalt  }
0x7e: {  	_ =	shalt  }
0x7f: {  	_ =	shalt  }
0x80: {  	_ =	shalt  }
0x81: {  	_ =	shalt  }
0x82: {  	_ =	shalt  }
0x83: {  	_ =	shalt  }
0x84: {  	_ =	shalt  }
0x85: {  	_ =	shalt  }
0x86: {  	_ =	shalt  }
0x87: {  	_ =	shalt  }
.Lfunc_end0:
.L_simem_size_0:
called_computation_lowered:
.L_overlay_start_0:
0x88: {  	s2 =	sld [smem:$0x3FD9]  }
0x89: {  	s3 =	sld [smem:$0x3FFE];
	_ =	sdelay $0x1  }
0x8a: {  	s1 =	srdreg.scid  }
0x8b: {  	s0 =	sand.u32 $0x1, s1  }
0x8c: {  	s17 =	sshll.u32 s0, $0xA;
	s2 =	sadd.s32 s3, s2  }
0x8d: {  	s2 =	sadd.s32 s2, s17  }
0x8e: {  	[smem:$0x3FC0] =	sst s2  }
0x8f: {  	_ = 	snop  }
0x90: {  	s2 =	sld [smem:$0x3FD0];
	(tm) =	ssettm $0x1  }
0x91: {  	s18 =	sld [smem:$0x3FFB];
	_ =	sdelay $0x3  }
0x92: {  	_ =	strace s18  }
0x93: {  	s3 =	sld [smem:$0x3FFC];
	_ =	sdelay $0x3  }
0x94: {  	_ =	strace s3  }
0x95: {  	s3 =	sld [smem:$0x3FFD];
	_ =	sdelay $0x3  }
0x96: {  	_ =	strace s3  }
0x97: {  	_ =	strace $0x8FFFFFFF  }
0x98: {  	s19 =	sld [smem:$0x3FDB];
	_ =	sdelay $0x1  }
0x99: {  	s4 =	simm.s32 $_scs_section_size  }
0x9a: {  	s5 =	simm.s32 $_size__tile_overlayer_lowered;
	s6 =	simm.s32 $_tile_overlayer_lowered  }
0x9b: {  	s22 =	simm.s32 $0x1BFF;
	s21 =	sshll.u32 s6, $0x1;
	s3 =	sadd.s32 s4, s19  }
0x9c: {  	s7 =	simm.s32 $0x0;
	s20 =	sshll.u32 s5, $0x1;
	s5 =	sadd.s32 s21, s3  }
0x9d: {  	[timem:s7], [sflag:s22] =	dma.local [hbm:s5], s20  }
0x9e: {  	_ =	swait.ge [sflag:s22], s20  }
0x9f: {  	s4 =	ssub.s32 $0x0, s20;
	[sflag:s22] =	ssyncset.done $0x0  }
0xa0: {  	[sflag:s22] =	ssyncadd.s32 s4;
	_ =	sdelay $0x1  }
0xa1: {  	s23 =	simm.s32 $0x1B8B  }
0xa2: {  	_ =	swait.ge [sflag:s23], $0x1  }
0xa3: {  	[sflag:s23] =	ssyncset.done $0x0  }
0xa4: {  	s25 =	simm.s32 $0x1B8E;
	s24 =	sld [smem:$0x3FFE];
	[sflag:s23] =	ssyncadd.s32 $0xFFFFFFFF  }
0xa5: {  	s26 =	simm.s32 $execute0_lowered;
	[smem:$0x3FD2] =	sst s25  }
0xa6: {  	s5 =	sshll.u32 s26, $0x1;
	_ =	strace $0x80000046;
	[dreg:$0x1] =	wrdreg $0xFFFFFFFF  }
0xa7: {  	s28 =	simm.s32 $_size_execute0_lowered;
	s3 =	sadd.s32 s3, s5;
	[dreg:$0x0] =	wrdreg $0x0  }
0xa8: {  	s5 =	sshll.u32 s28, $0x1;
	[dreg:$0x2] =	wrdreg s3  }
0xa9: {  	[dreg:$0x3] =	wrdreg s5  }
0xaa: {  	[dreg:$0x4] =	wrdreg $0xC0  }
0xab: {  	_ =	task [dreg:s7], $0x5FFFF  }
0xac: {  	[dreg:$0x1] =	wrdreg $0xFFFFFFFF  }
0xad: {  	[dreg:$0x0] =	wrdreg $0x60  }
0xae: {  	[dreg:$0x2] =	wrdreg s2  }
0xaf: {  	[dreg:$0x3] =	wrdreg s24  }
0xb0: {  	[dreg:$0x4] =	wrdreg $0x9  }
0xb1: {  	_ =	task.clear_ibuf [dreg:s7], $0x5FFFF;
	_ =	strace $0x90000046  }
0xb2: {  	s29 =	simm.s32 $0x9;
	_ =	strace $0x80000048  }
0xb3: {  	_ =	swait.ge [sflag:s29], $0x1  }
0xb4: {  	[sflag:s29] =	ssyncadd.s32 $0xFFFFFFFF  }
0xb5: {  	_ =	strace $0x90000048  }
0xb6: {  	_ =	sfence  }
0xb7: {  	s30 =	sld [smem:$0x0];
	_ =	sdelay $0x2  }
0xb8: {  	s31 =	sshll.u32 s1, $0xD;
	s1 =	sshrl.u32 s1, $0x2  }
0xb9: {  	s3 =	sand.u32 $0x4000, s31;
	s1 =	sadd.s32 s1, s30  }
0xba: {  	s0 =	sor.u32 s3, s0;
	s1 =	sshll.u32 s1, $0x11  }
0xbb: {  	s0 =	sor.u32 s1, s0  }
0xbc: {  	s0 =	sadd.s32 $0x8F2B, s0  }
0xbd: {  	[sflag:s0] =	ssyncadd.remote.s32 $0x1  }
0xbe: {  	_ =	sfence.sel $0xFFFF  }
0xbf: {  	[dreg:$0x0] =	wrdreg $0xFFFFFFFF;
	(pc) =	sbr.abs _section_cstart, $3  }
0xc0: {  	[dreg:$0x1] =	wrdreg $0xFFFFFFFF  }
0xc1: {  	_ =	task.clear_ibuf [dreg:s7], $0x2FFFF;
	_ =	strace $0x9FFFFFFF  }
0xc2: {  	(tm) =	ssettm $0x7FFFFFFF  }
0xc3: {  	_ =	shalt  }
tec
execute0_lowered:
.L_overlay_start_1:
0x0: {  	(tag) =	ssettag $0x1  }
0x1: {  	s2 =	rddreg [dreg:$0x0];
	s1 =	srdreg.scid  }
0x2: {  	s0 =	stileid.u32;
	s6 =	rddreg [dreg:$0x1]  }
0x3: {  	s3 =	simm.s32 $0x0;
	s11 =	simm.s32 $0x80;
	s12 =	simm.s32 $0xC00  }
0x4: {  	s13 =	simm.s32 $0x4C00;
	s14 =	simm.s32 $0x8C00;
	s15 =	simm.s32 $0xCC00  }
0x5: {  	s16 =	simm.s32 $0x10C00;
	s17 =	simm.s32 $0x1;
	s18 =	simm.s32 $0x14C00  }
0x6: {  	s19 =	simm.s32 $0x15C00;
	s20 =	simm.s32 $0x16C00;
	s21 =	simm.s32 $0x0  }
0x7: {  	s4 =	sand.u32 $0x1, s1;
	s5 =	sshll.u32 s0, $0x1;
	s1 =	rddreg [dreg:$0x2]  }
0x8: {  	[smem:$0x7FF] =	sst s3;
	s8 =	sor.u32 s4, s5;
	s7 =	ssub.s32 $0x2, s4  }
0x9: {  	_ =	strace $0x80000047;
	s5 =	smul.u32 $0x180, s8;
	s10 =	sshrl.u32 s7, $0x1  }
0xa: {  	s4 =	sadd.s32 $0x6600, s6;
	s8 =	sshll.u32 s8, $0xB;
	s10 =	ssub.s32 s7, s10  }
0xb: {  	s9 =	sadd.s32 s5, s6;
	s5 =	sadd.s32 $0x16600, s6;
	s6 =	sadd.s32 $0x26600, s6  }
0xc: {  	s7 =	sadd.s32 $0x3600, s9;
	s9 =	smax.u32 s10, $0x1;
	s10 =	simm.s32 $0x2  }
.LBB2_1:
0xd: {  	[tilespmem:s3], [sflag:$0x2] =	stream.linear.gather [hbm4b:s7+s3], $0xA00, $0x38;
	[tilespmem:$0x17C00] =	vst v63  }
0xe: {  	_ =	swait.ge [sflag:s10], $0xA00  }
0xf: {  	[sflag:s10] =	ssyncset.done $0x0  }
0x10: {  	s22 =	simm.s32 $0x0;
	[sflag:s10] =	ssyncadd.s32 $0xFFFFF600  }
.LBB2_2:
0x11: {  	s23 =	smul.u32 $0xA00, s22;
	_ =	sdelay $0x1  }
0x12: {  	s23 =	sshra.s32 s23, $0x2  }
0x13: {  	[tilespmem:s12], [sflag:$0x1] =	stream.indirect.gather [hbm4b:s2+s11], $0x80, s23, s11, $0xb8;
	[tilespmem:$0x17C00] =	vst v63  }
0x14: {  	s24 =	sadd.s32 $0x80, s23  }
0x15: {  	[tilespmem:s13], [sflag:$0x1] =	stream.indirect.gather [hbm4b:s2+s11], $0x80, s24, s11, $0xb8;
	[tilespmem:$0x17C00] =	vst v63  }
0x16: {  	s30 =	sadd.s32 $0x100, s23  }
0x17: {  	[tilespmem:s14], [sflag:$0x1] =	stream.indirect.gather [hbm4b:s2+s11], $0x80, s30, s11, $0xb8;
	[tilespmem:$0x17C00] =	vst v63  }
0x18: {  	s31 =	sadd.s32 $0x180, s23  }
0x19: {  	[tilespmem:s15], [sflag:$0x1] =	stream.indirect.gather [hbm4b:s2+s11], $0x80, s31, s11, $0xb8;
	[tilespmem:$0x17C00] =	vst v63  }
0x1a: {  	s23 =	sadd.s32 $0x200, s23  }
0x1b: {  	[tilespmem:s16], [sflag:$0x1] =	stream.indirect.gather [hbm4b:s2+s11], $0x80, s23, s11, $0xb8;
	[tilespmem:$0x17C00] =	vst v63  }
0x1c: {  	_ =	swait.ge [sflag:s17], $0x4000  }
0x1d: {  	[sflag:s17] =	ssyncset.done $0x0  }
0x1e: {  	[sflag:s17] =	ssyncadd.s32 $0xFFFFC000  }
0x1f: {  	_ =	swait.ge [sflag:s17], $0x4000  }
0x20: {  	[sflag:s17] =	ssyncset.done $0x0  }
0x21: {  	[sflag:s17] =	ssyncadd.s32 $0xFFFFC000  }
0x22: {  	_ =	swait.ge [sflag:s17], $0x4000  }
0x23: {  	[sflag:s17] =	ssyncset.done $0x0  }
0x24: {  	[sflag:s17] =	ssyncadd.s32 $0xFFFFC000  }
0x25: {  	_ =	swait.ge [sflag:s17], $0x4000  }
0x26: {  	[sflag:s17] =	ssyncset.done $0x0  }
0x27: {  	[sflag:s17] =	ssyncadd.s32 $0xFFFFC000  }
0x28: {  	_ =	swait.ge [sflag:s17], $0x4000  }
0x29: {  	[sflag:s17] =	ssyncset.done $0x0  }
0x2a: {  	s23 =	simm.s32 $0x1100;
	[sflag:s17] =	ssyncadd.s32 $0xFFFFC000  }
0x2b: {  	v0 =	vld [tilespmem:s23+$0xFFFFFB80]  }
0x2c: {  	v1 =	vld [tilespmem:s23+$0xFFFFFB00];
	_ =	sdelay $0x1  }
0x2d: {  	v2 =	vld [tilespmem:s23+$0xFFFFFC00];
	_ =	sdelay $0x1  }
0x2e: {  	v3 =	vld [tilespmem:s23+$0xFFFFFC80]  }
0x2f: {  	v4 =	vmul.f32 v1, v1;
	v5 =	vmul.f32 v0, v0  }
0x30: {  	v7 =	vld [tilespmem:s23+$0xFFFFFD00];
	v6 =	vadd.f32 v0, v1  }
0x31: {  	v4 =	vadd.f32 v5, v4;
	v5 =	vmul.f32 v2, v2  }
0x32: {  	v8 =	vld [tilespmem:s23+$0xFFFFFD80];
	v6 =	vadd.f32 v2, v6  }
0x33: {  	v4 =	vadd.f32 v5, v4;
	v5 =	vmul.f32 v3, v3  }
0x34: {  	v9 =	vld [tilespmem:s23+$0xFFFFFE00];
	v6 =	vadd.f32 v3, v6  }
0x35: {  	v4 =	vadd.f32 v5, v4;
	v5 =	vmul.f32 v7, v7  }
0x36: {  	v10 =	vld [tilespmem:s23+$0xFFFFFE80];
	v6 =	vadd.f32 v7, v6  }
0x37: {  	v4 =	vadd.f32 v5, v4;
	v5 =	vmul.f32 v8, v8  }
0x38: {  	v11 =	vld [tilespmem:s23+$0xFFFFFF00];
	v6 =	vadd.f32 v8, v6  }
0x39: {  	v12 =	vmul.f32 v9, v9;
	v4 =	vadd.f32 v5, v4  }
0x3a: {  	v5 =	vld [tilespmem:s23+$0xFFFFFF80];
	v6 =	vadd.f32 v9, v6  }
0x3b: {  	v13 =	vmul.f32 v10, v10;
	v4 =	vadd.f32 v12, v4  }
0x3c: {  	v53 =	vld [tilespmem:s23+$0x0];
	v6 =	vadd.f32 v10, v6  }
0x3d: {  	v54 =	vmul.f32 v11, v11;
	v4 =	vadd.f32 v13, v4  }
0x3e: {  	v14 =	vld [tilespmem:s23+$0x80];
	v6 =	vadd.f32 v11, v6  }
0x3f: {  	v55 =	vmul.f32 v5, v5;
	v4 =	vadd.f32 v54, v4  }
0x40: {  	v15 =	vld [tilespmem:s23+$0x100];
	v6 =	vadd.f32 v5, v6  }
0x41: {  	v56 =	vmul.f32 v53, v53;
	v4 =	vadd.f32 v55, v4  }
0x42: {  	v0 =	vmax.f32 v1, v0;
	v1 =	vld [tilespmem:s23+$0x180];
	v6 =	vadd.f32 v53, v6  }
0x43: {  	v0 =	vmax.f32 v0, v2;
	v2 =	vadd.f32 v56, v4;
	v4 =	vmul.f32 v14, v14  }
0x44: {  	v0 =	vmax.f32 v0, v3;
	v3 =	vld [tilespmem:s23+$0x200];
	v6 =	vadd.f32 v14, v6  }
0x45: {  	v0 =	vmax.f32 v0, v7;
	v2 =	vadd.f32 v4, v2;
	v4 =	vmul.f32 v15, v15  }
0x46: {  	v0 =	vmax.f32 v0, v8;
	v7 =	vld [tilespmem:s23+$0x280];
	v6 =	vadd.f32 v15, v6  }
0x47: {  	v0 =	vmax.f32 v0, v9;
	v8 =	vmul.f32 v1, v1;
	v2 =	vadd.f32 v4, v2  }
0x48: {  	v0 =	vmax.f32 v0, v10;
	v4 =	vld [tilespmem:s23+$0x300];
	v6 =	vadd.f32 v1, v6  }
0x49: {  	v0 =	vmax.f32 v0, v11;
	v57 =	vmul.f32 v3, v3;
	v2 =	vadd.f32 v8, v2  }
0x4a: {  	v0 =	vmax.f32 v0, v5;
	v5 =	vld [tilespmem:s23+$0x380];
	v6 =	vadd.f32 v3, v6  }
0x4b: {  	v0 =	vmax.f32 v0, v53;
	v8 =	vmul.f32 v7, v7;
	v2 =	vadd.f32 v57, v2  }
0x4c: {  	v58 =	vld [tilespmem:s23+$0x400];
	v0 =	vmax.f32 v0, v14;
	v6 =	vadd.f32 v7, v6  }
0x4d: {  	v0 =	vmax.f32 v0, v15;
	v2 =	vadd.f32 v8, v2;
	v8 =	vmul.f32 v4, v4  }
0x4e: {  	v0 =	vmax.f32 v0, v1;
	v1 =	vld [tilespmem:s23+$0x480];
	v6 =	vadd.f32 v4, v6  }
0x4f: {  	v0 =	vmax.f32 v0, v3;
	v3 =	vmul.f32 v5, v5;
	v2 =	vadd.f32 v8, v2  }
0x50: {  	v0 =	vmax.f32 v0, v7;
	v6 =	vadd.f32 v5, v6  }
0x51: {  	v0 =	vmax.f32 v0, v4;
	v2 =	vadd.f32 v3, v2;
	v3 =	vmul.f32 v58, v58  }
0x52: {  	v0 =	vmax.f32 v0, v5;
	v4 =	vadd.f32 v58, v6  }
0x53: {  	v0 =	vmax.f32 v0, v58;
	v2 =	vadd.f32 v3, v2;
	v3 =	vmul.f32 v1, v1  }
0x54: {  	s25 =	simm.s32 $0x0;
	v0 =	vmax.f32 v0, v1;
	v1 =	vadd.f32 v1, v4  }
0x55: {  	[tilespmem:s25+$0x16C00] =	vst v0;
	v0 =	vadd.f32 v3, v2  }
0x56: {  	[tilespmem:s25+$0x14C00] =	vst v1  }
0x57: {  	[tilespmem:s25+$0x15C00] =	vst v0  }
0x58: {  	v0 =	vld [tilespmem:s23+$0xFFFFFB10]  }
0x59: {  	v1 =	vld [tilespmem:s23+$0xFFFFFB90];
	_ =	sdelay $0x1  }
0x5a: {  	v2 =	vld [tilespmem:s23+$0xFFFFFC10]  }
0x5b: {  	v3 =	vld [tilespmem:s23+$0xFFFFFC90];
	_ =	sdelay $0x1  }
0x5c: {  	v4 =	vmul.f32 v0, v0;
	v5 =	vadd.f32 v1, v0;
	v6 =	vmul.f32 v1, v1  }
0x5d: {  	v7 =	vld [tilespmem:s23+$0xFFFFFD10]  }
0x5e: {  	v8 =	vmul.f32 v2, v2;
	v4 =	vadd.f32 v6, v4;
	v5 =	vadd.f32 v2, v5  }
0x5f: {  	v0 =	vmax.f32 v0, v1;
	v1 =	vmul.f32 v3, v3;
	v6 =	vld [tilespmem:s23+$0xFFFFFD90]  }
0x60: {  	v0 =	vmax.f32 v0, v2;
	v4 =	vadd.f32 v8, v4;
	v5 =	vadd.f32 v3, v5  }
0x61: {  	v2 =	vld [tilespmem:s23+$0xFFFFFE10];
	v0 =	vmax.f32 v0, v3  }
0x62: {  	v8 =	vmul.f32 v7, v7;
	v1 =	vadd.f32 v1, v4;
	v4 =	vadd.f32 v7, v5  }
0x63: {  	v0 =	vmax.f32 v0, v7;
	v5 =	vld [tilespmem:s23+$0xFFFFFE90]  }
0x64: {  	v7 =	vld [tilespmem:s23+$0xFFFFFF10];
	v3 =	vmul.f32 v6, v6;
	v1 =	vadd.f32 v8, v1;
	v4 =	vadd.f32 v6, v4  }
0x65: {  	v0 =	vmax.f32 v0, v6  }
0x66: {  	v6 =	vmul.f32 v2, v2;
	v8 =	vld [tilespmem:s23+$0xFFFFFF90];
	v1 =	vadd.f32 v3, v1;
	v3 =	vadd.f32 v2, v4  }
0x67: {  	v0 =	vmax.f32 v0, v2;
	v2 =	vld [tilespmem:s23+$0x10]  }
0x68: {  	v59 =	vld [tilespmem:s23+$0x90];
	v4 =	vmul.f32 v5, v5;
	v1 =	vadd.f32 v6, v1;
	v3 =	vadd.f32 v5, v3  }
0x69: {  	v0 =	vmax.f32 v0, v5;
	v6 =	vmul.f32 v7, v7  }
0x6a: {  	v5 =	vld [tilespmem:s23+$0x110];
	v0 =	vmax.f32 v0, v7;
	v1 =	vadd.f32 v4, v1;
	v3 =	vadd.f32 v7, v3  }
0x6b: {  	v0 =	vmax.f32 v0, v8;
	v7 =	vmul.f32 v8, v8  }
0x6c: {  	v60 =	vld [tilespmem:s23+$0x190];
	v0 =	vmax.f32 v0, v2;
	v1 =	vadd.f32 v6, v1;
	v3 =	vadd.f32 v8, v3  }
0x6d: {  	v4 =	vld [tilespmem:s23+$0x210];
	v0 =	vmax.f32 v0, v59  }
0x6e: {  	v61 =	vld [tilespmem:s23+$0x290];
	v6 =	vmul.f32 v2, v2;
	v1 =	vadd.f32 v7, v1;
	v2 =	vadd.f32 v2, v3  }
0x6f: {  	v0 =	vmax.f32 v0, v5  }
0x70: {  	v8 =	vld [tilespmem:s23+$0x310];
	v7 =	vmul.f32 v59, v59;
	v6 =	vadd.f32 v6, v1;
	v2 =	vadd.f32 v59, v2  }
0x71: {  	v62 =	vmul.f32 v5, v5;
	v3 =	vmax.f32 v0, v60;
	v0 =	vld [tilespmem:s23+$0x390]  }
0x72: {  	v3 =	vmax.f32 v3, v4;
	v1 =	vld [tilespmem:s23+$0x410];
	v6 =	vadd.f32 v7, v6;
	v5 =	vadd.f32 v5, v2  }
0x73: {  	v3 =	vmax.f32 v3, v61  }
0x74: {  	v2 =	vld [tilespmem:s23+$0x490];
	v7 =	vmul.f32 v60, v60;
	v6 =	vadd.f32 v62, v6;
	v5 =	vadd.f32 v60, v5  }
0x75: {  	v63 =	vmul.f32 v4, v4;
	v3 =	vmax.f32 v3, v8  }
0x76: {  	v3 =	vmax.f32 v3, v0;
	v6 =	vadd.f32 v7, v6;
	v4 =	vadd.f32 v4, v5  }
0x77: {  	v3 =	vmax.f32 v3, v1  }
0x78: {  	v5 =	vmul.f32 v61, v61;
	v6 =	vadd.f32 v63, v6;
	v7 =	vadd.f32 v61, v4  }
0x79: {  	v3 =	vmax.f32 v3, v2;
	v4 =	vmul.f32 v8, v8  }
0x7a: {  	s24 =	simm.s32 $0x200;
	[tilespmem:s25+$0x16C10] =	vst v3;
	v3 =	vmul.f32 v0, v0;
	v6 =	vadd.f32 v5, v6;
	v5 =	vadd.f32 v8, v7  }
.LBB2_3:
0x7b: {  	p0 =	sne.s32 s24, $0x3E00  }
0x7c: {  	v4 =	vadd.f32 v4, v6;
	s23 =	sadd.s32 $0xA00, s23;
	s26 =	smov.u32 s24;
	s24 =	sadd.s32 $0x200, s24  }
0x7d: {  	v0 =	vadd.f32 v0, v5;
	v5 =	vmul.f32 v1, v1  }
0x7e: {  	v3 =	vadd.f32 v3, v4  }
0x7f: {  	v0 =	vadd.f32 v1, v0;
	v1 =	vmul.f32 v2, v2  }
0x80: {  	v3 =	vadd.f32 v5, v3  }
0x81: {  	v0 =	vadd.f32 v2, v0  }
0x82: {  	v1 =	vadd.f32 v1, v3  }
0x83: {  	[tilespmem:s25+$0x14C10] =	vst v0  }
0x84: {  	[tilespmem:s25+$0x15C10] =	vst v1  }
0x85: {  	v0 =	vld [tilespmem:s23+$0xFFFFFB80]  }
0x86: {  	v1 =	vld [tilespmem:s23+$0xFFFFFB00]  }
0x87: {  	v2 =	vld [tilespmem:s23+$0xFFFFFD80]  }
0x88: {  	v3 =	vld [tilespmem:s23+$0xFFFFFC00]  }
0x89: {  	v4 =	vld [tilespmem:s23+$0xFFFFFE00]  }
0x8a: {  	v5 =	vld [tilespmem:s23+$0xFFFFFC80]  }
0x8b: {  	v8 =	vmul.f32 v0, v0;
	v6 =	vmul.f32 v1, v1;
	v7 =	vadd.f32 v0, v1;
	v9 =	vld [tilespmem:s23+$0xFFFFFE80]  }
0x8c: {  	v0 =	vmax.f32 v1, v0;
	v1 =	vld [tilespmem:s23+$0xFFFFFD00]  }
0x8d: {  	v6 =	vadd.f32 v8, v6;
	v7 =	vadd.f32 v3, v7;
	v8 =	vmul.f32 v3, v3;
	v10 =	vld [tilespmem:s23+$0xFFFFFF00]  }
0x8e: {  	v0 =	vmax.f32 v0, v3;
	v3 =	vld [tilespmem:s23+$0xFFFFFF80]  }
0x8f: {  	v6 =	vadd.f32 v8, v6;
	v7 =	vadd.f32 v5, v7;
	v8 =	vmul.f32 v5, v5  }
0x90: {  	v0 =	vmax.f32 v0, v5;
	v5 =	vld [tilespmem:s23+$0x0]  }
0x91: {  	v6 =	vadd.f32 v8, v6;
	v7 =	vadd.f32 v1, v7;
	v8 =	vmul.f32 v1, v1;
	v11 =	vld [tilespmem:s23+$0x80]  }
0x92: {  	v0 =	vmax.f32 v0, v1  }
0x93: {  	v1 =	vadd.f32 v8, v6;
	v6 =	vadd.f32 v2, v7;
	v7 =	vmul.f32 v2, v2;
	v8 =	vld [tilespmem:s23+$0x100]  }
0x94: {  	v0 =	vmax.f32 v0, v2;
	v2 =	vmul.f32 v4, v4  }
0x95: {  	v0 =	vmax.f32 v0, v4;
	v1 =	vadd.f32 v7, v1;
	v6 =	vadd.f32 v4, v6  }
0x96: {  	v0 =	vmax.f32 v0, v9;
	v4 =	vmul.f32 v9, v9  }
0x97: {  	v0 =	vmax.f32 v0, v10;
	v1 =	vadd.f32 v2, v1;
	v2 =	vadd.f32 v9, v6  }
0x98: {  	v0 =	vmax.f32 v0, v3  }
0x99: {  	v1 =	vadd.f32 v4, v1;
	v2 =	vadd.f32 v10, v2;
	v4 =	vmul.f32 v10, v10  }
0x9a: {  	v0 =	vmax.f32 v0, v5  }
0x9b: {  	v1 =	vadd.f32 v4, v1;
	v2 =	vadd.f32 v3, v2;
	v3 =	vmul.f32 v3, v3;
	v4 =	vld [tilespmem:s23+$0x180]  }
0x9c: {  	v0 =	vmax.f32 v0, v11  }
0x9d: {  	v1 =	vadd.f32 v3, v1;
	v2 =	vadd.f32 v5, v2;
	v3 =	vmul.f32 v5, v5;
	v5 =	vld [tilespmem:s23+$0x200]  }
0x9e: {  	v0 =	vmax.f32 v0, v8;
	v6 =	vld [tilespmem:s23+$0x280]  }
0x9f: {  	v1 =	vadd.f32 v3, v1;
	v2 =	vadd.f32 v11, v2;
	v3 =	vmul.f32 v11, v11;
	v7 =	vld [tilespmem:s23+$0x300]  }
0xa0: {  	v0 =	vmax.f32 v0, v4;
	v9 =	vld [tilespmem:s23+$0x380]  }
0xa1: {  	v1 =	vadd.f32 v3, v1;
	v2 =	vadd.f32 v8, v2;
	v3 =	vmul.f32 v8, v8;
	v8 =	vld [tilespmem:s23+$0x400]  }
0xa2: {  	v10 =	vmul.f32 v4, v4;
	v0 =	vmax.f32 v0, v5;
	v11 =	vld [tilespmem:s23+$0x480]  }
0xa3: {  	v1 =	vadd.f32 v3, v1;
	v2 =	vadd.f32 v4, v2;
	v0 =	vmax.f32 v0, v6  }
0xa4: {  	v3 =	vmul.f32 v5, v5;
	v0 =	vmax.f32 v0, v7  }
0xa5: {  	v1 =	vadd.f32 v10, v1;
	v2 =	vadd.f32 v5, v2;
	v0 =	vmax.f32 v0, v9  }
0xa6: {  	v4 =	vmul.f32 v6, v6;
	v0 =	vmax.f32 v0, v8  }
0xa7: {  	s25 =	sshra.s32 s26, $0x2;
	v1 =	vadd.f32 v3, v1;
	v2 =	vadd.f32 v6, v2;
	v0 =	vmax.f32 v0, v11  }
0xa8: {  	[tilespmem:s25+$0x16C00] =	vst v0  }
0xa9: {  	v0 =	vadd.f32 v4, v1;
	v1 =	vadd.f32 v7, v2;
	v2 =	vmul.f32 v7, v7;
	_ =	sdelay $0x1  }
0xaa: {  	v0 =	vadd.f32 v2, v0;
	v1 =	vadd.f32 v9, v1;
	v2 =	vmul.f32 v9, v9;
	_ =	sdelay $0x1  }
0xab: {  	v0 =	vadd.f32 v2, v0;
	v1 =	vadd.f32 v8, v1;
	v2 =	vmul.f32 v8, v8;
	_ =	sdelay $0x1  }
0xac: {  	v0 =	vadd.f32 v2, v0;
	v1 =	vadd.f32 v11, v1;
	v2 =	vmul.f32 v11, v11;
	_ =	sdelay $0x1  }
0xad: {  	v0 =	vadd.f32 v2, v0;
	[tilespmem:s25+$0x14C00] =	vst v1;
	_ =	sdelay $0x1  }
0xae: {  	[tilespmem:s25+$0x15C00] =	vst v0  }
0xaf: {  	v0 =	vld [tilespmem:s23+$0xFFFFFB10]  }
0xb0: {  	v1 =	vld [tilespmem:s23+$0xFFFFFB90]  }
0xb1: {  	v2 =	vld [tilespmem:s23+$0xFFFFFC10];
	_ =	sdelay $0x1  }
0xb2: {  	v3 =	vld [tilespmem:s23+$0xFFFFFC90]  }
0xb3: {  	v4 =	vmul.f32 v0, v0  }
0xb4: {  	v5 =	vadd.f32 v1, v0;
	v6 =	vmul.f32 v1, v1;
	v0 =	vmax.f32 v0, v1;
	v1 =	vld [tilespmem:s23+$0xFFFFFD10]  }
0xb5: {  	v7 =	vmul.f32 v2, v2;
	v0 =	vmax.f32 v0, v2  }
0xb6: {  	v4 =	vadd.f32 v6, v4;
	v2 =	vadd.f32 v2, v5;
	v5 =	vld [tilespmem:s23+$0xFFFFFD90]  }
0xb7: {  	v6 =	vmul.f32 v3, v3  }
0xb8: {  	v4 =	vadd.f32 v7, v4;
	v2 =	vadd.f32 v3, v2;
	v7 =	vld [tilespmem:s23+$0xFFFFFE10]  }
0xb9: {  	v8 =	vmul.f32 v1, v1  }
0xba: {  	v4 =	vadd.f32 v6, v4;
	v2 =	vadd.f32 v1, v2;
	v6 =	vld [tilespmem:s23+$0xFFFFFE90]  }
0xbb: {  	v0 =	vmax.f32 v0, v3;
	v3 =	vmul.f32 v5, v5  }
0xbc: {  	v0 =	vmax.f32 v0, v1;
	v4 =	vadd.f32 v8, v4;
	v1 =	vadd.f32 v5, v2;
	v2 =	vld [tilespmem:s23+$0xFFFFFF10]  }
0xbd: {  	v0 =	vmax.f32 v0, v5;
	v5 =	vmul.f32 v7, v7;
	v8 =	vld [tilespmem:s23+$0xFFFFFF90]  }
0xbe: {  	v0 =	vmax.f32 v0, v7;
	v3 =	vadd.f32 v3, v4;
	v1 =	vadd.f32 v7, v1;
	v4 =	vld [tilespmem:s23+$0x10]  }
0xbf: {  	v7 =	vmul.f32 v6, v6;
	v0 =	vmax.f32 v0, v6;
	v9 =	vld [tilespmem:s23+$0x90]  }
0xc0: {  	v3 =	vadd.f32 v5, v3;
	v1 =	vadd.f32 v6, v1;
	v5 =	vld [tilespmem:s23+$0x110]  }
0xc1: {  	v6 =	vmul.f32 v2, v2;
	v0 =	vmax.f32 v0, v2;
	v10 =	vld [tilespmem:s23+$0x190]  }
0xc2: {  	v3 =	vadd.f32 v7, v3;
	v1 =	vadd.f32 v2, v1;
	v0 =	vmax.f32 v0, v8;
	v7 =	vld [tilespmem:s23+$0x210]  }
0xc3: {  	v2 =	vmul.f32 v8, v8;
	v0 =	vmax.f32 v0, v4;
	v11 =	vld [tilespmem:s23+$0x290]  }
0xc4: {  	v3 =	vadd.f32 v6, v3;
	v1 =	vadd.f32 v8, v1;
	v0 =	vmax.f32 v0, v9;
	v8 =	vld [tilespmem:s23+$0x310]  }
0xc5: {  	v6 =	vmul.f32 v4, v4;
	v12 =	vmax.f32 v0, v5;
	v0 =	vld [tilespmem:s23+$0x390]  }
0xc6: {  	v3 =	vadd.f32 v2, v3;
	v4 =	vadd.f32 v4, v1;
	v2 =	vmax.f32 v12, v10;
	v1 =	vld [tilespmem:s23+$0x410]  }
0xc7: {  	v12 =	vmul.f32 v9, v9;
	v13 =	vmax.f32 v2, v7;
	v2 =	vld [tilespmem:s23+$0x490]  }
0xc8: {  	v3 =	vadd.f32 v6, v3;
	v4 =	vadd.f32 v9, v4;
	v6 =	vmax.f32 v13, v11  }
0xc9: {  	v9 =	vmul.f32 v5, v5;
	v6 =	vmax.f32 v6, v8  }
0xca: {  	v3 =	vadd.f32 v12, v3;
	v4 =	vadd.f32 v5, v4;
	v5 =	vmax.f32 v6, v0  }
0xcb: {  	v6 =	vmul.f32 v10, v10;
	v5 =	vmax.f32 v5, v1  }
0xcc: {  	v3 =	vadd.f32 v9, v3;
	v4 =	vadd.f32 v10, v4;
	v5 =	vmax.f32 v5, v2  }
0xcd: {  	v9 =	vmul.f32 v7, v7;
	[tilespmem:s25+$0x16C10] =	vst v5  }
0xce: {  	v3 =	vadd.f32 v6, v3;
	v4 =	vadd.f32 v7, v4  }
.Ltmp0:
0xcf: {  	v5 =	vmul.f32 v11, v11;
	(pc) =	sbr.rel @p0 .LBB2_3-.Ltmp0, $4  }
0xd0: {  	v3 =	vadd.f32 v9, v3;
	v7 =	vadd.f32 v11, v4  }
0xd1: {  	v4 =	vmul.f32 v8, v8  }
0xd2: {  	v6 =	vadd.f32 v5, v3;
	v5 =	vadd.f32 v8, v7  }
0xd3: {  	v3 =	vmul.f32 v0, v0  }
0xd4: {  	v4 =	vadd.f32 v4, v6  }
0xd5: {  	v0 =	vadd.f32 v0, v5  }
0xd6: {  	v62 =	vmul.f32 v1, v1;
	v3 =	vadd.f32 v3, v4  }
0xd7: {  	v0 =	vadd.f32 v1, v0  }
0xd8: {  	v63 =	vmul.f32 v2, v2;
	v3 =	vadd.f32 v62, v3  }
0xd9: {  	v0 =	vadd.f32 v2, v0  }
0xda: {  	s23 =	sshll.u32 s22, $0x9;
	v1 =	vadd.f32 v63, v3  }
0xdb: {  	s23 =	sadd.s32 s8, s23;
	[tilespmem:s25+$0x14C10] =	vst v0  }
0xdc: {  	s24 =	sadd.s32 s4, s23;
	[tilespmem:s25+$0x15C10] =	vst v1  }
0xdd: {  	[hbm4b:s24+s3] =	stream.linear.scatter [tilespmem:s18], [sflag:$0x2], $0x1000, $0x38;
	[tilespmem:$0x17C00] =	vst v63  }
0xde: {  	_ =	swait.ge [sflag:s10], $0x1000  }
0xdf: {  	[sflag:s10] =	ssyncset.done $0x0  }
0xe0: {  	s31 =	sadd.s32 s5, s23;
	[sflag:s10] =	ssyncadd.s32 $0xFFFFF000  }
0xe1: {  	[hbm4b:s31+s3] =	stream.linear.scatter [tilespmem:s19], [sflag:$0x2], $0x1000, $0x38;
	[tilespmem:$0x17C00] =	vst v63  }
0xe2: {  	s22 =	sadd.s32 $0x1, s22;
	_ =	swait.ge [sflag:s10], $0x1000  }
0xe3: {  	p0 =	sne.s32 s22, $0x4;
	[sflag:s10] =	ssyncset.done $0x0  }
.Ltmp1:
0xe4: {  	s23 =	sadd.s32 s6, s23;
	[sflag:s10] =	ssyncadd.s32 $0xFFFFF000;
	(pc) =	sbr.rel @p0 .LBB2_2-.Ltmp1, $4  }
0xe5: {  	[hbm4b:s23+s3] =	stream.linear.scatter [tilespmem:s20], [sflag:$0x2], $0x1000, $0x38;
	[tilespmem:$0x17C00] =	vst v63  }
0xe6: {  	_ =	swait.ge [sflag:s10], $0x1000  }
0xe7: {  	[sflag:s10] =	ssyncset.done $0x0  }
0xe8: {  	[sflag:s10] =	ssyncadd.s32 $0xFFFFF000  }
0xe9: {  	s21 =	sadd.s32 $0x1, s21  }
0xea: {  	p0 =	sne.s32 s21, s9  }
.Ltmp2:
0xeb: {  	_ = 	snop;
	(pc) =	sbr.rel @p0 .LBB2_1-.Ltmp2, $1  }
0xec: {  	_ =	sdelay $0x3  }
0xed: {  	_ =	sfence.sel $0x180000  }
0xee: {  	[bflag:$0x0] =	sbarrier.arrive $0xFFFF  }
0xef: {  	p0 =	sne.s32 s0, $0x0;
	_ =	strace $0x90000047  }
0xf0: {  	s0 =	sadd.s32 @!p0 $0x100000, s1;
	[bflag:$0x2] =	sbarrier.arrive $0xFFFF  }
0xf1: {  	[sflag:s0] =	ssyncadd.tile.s32 @!p0 $0x1;
	_ =	shalt  }
.Lfunc_end2:
_tile_overlayer_lowered:
.L_overlay_start_2:
0xf2: {  	(tag) =	ssettag $0x2  }
0xf3: {  	s0 =	rddreg [dreg:$0x0];
	s2 =	stileid.u32  }
0xf4: {  	s1 =	rddreg [dreg:$0x1];
	p0 =	sne.s32 s2, $0x0  }
0xf5: {  	s3 =	rddreg [dreg:$0x2];
	[bflag:$0x3] =	sbarrier.arrive $0xFFFF;
	s2 =	simm.s32 @!p0 $0x1C02  }
0xf6: {  	[timem:s3], [sflag:s2] =	dma.local @!p0 [hbm:s0], s1  }
0xf7: {  	s0 =	simm.s32 @!p0 $0x2  }
0xf8: {  	_ =	swait.ge @!p0 [sflag:s0], s1  }
0xf9: {  	s1 =	ssub.s32 @!p0 $0x0, s1;
	[sflag:s0] =	ssyncset.done @!p0 $0x0  }
0xfa: {  	[sflag:s0] =	ssyncadd.s32 @!p0 s1  }
0xfb: {  	[bflag:$0x3] =	sbarrier.arrive $0xFFFF  }
0xfc: {  	_ =	shalt  }

</sc_bundles>
